<compile_context>
chip_gen: v7x
topology: tpu7x:2x2x1
jax: 0.10.2.dev20260603
libtpu: 0.0.44.dev20260713+nightly
codegen_flags: <defaults>
</compile_context>

<pallas_src>
import functools

import jax
import jax.numpy as jnp
import numpy as np
from jax import lax
from jax.experimental import pallas as pl
from jax.experimental.pallas import tpu as pltpu
from jax.experimental.pallas import tpu_sc as plsc

P_MIN = 0.8
THRESHOLD = 1e-10
L = 16
NC = 2
NW = 32
RSQRT_SEED = 0x5F3759DF
TN = 256


def _sqrt16(s):
    i = lax.bitcast_convert_type(s, jnp.int32)
    g = lax.bitcast_convert_type(
        jnp.int32(RSQRT_SEED) - lax.shift_right_arithmetic(i, 1), jnp.float32)
    g = g * (1.5 - 0.5 * s * g * g)
    g = g * (1.5 - 0.5 * s * g * g)
    g = g * (1.5 - 0.5 * s * g * g)
    return s * g


def _sc_body(s_hbm, out_hbm, buf, d_scr, out_v, *,
             n, m, b, cpw, inv_log_ratio):
    wid = lax.axis_index("s") * NC + lax.axis_index("c")
    pltpu.sync_copy(s_hbm.at[0], buf.at[pl.ds(0, 3 * n)])
    pltpu.sync_copy(s_hbm.at[b], buf.at[pl.ds(3 * n, 3 * n)])
    nchunk_blk = n // L

    def chunk_body(i, loss_v):
        c = wid * cpw + i
        rs = jnp.where(c >= nchunk_blk, 1, 0)
        rhalf = rs * (3 * n)
        chalf = (1 - rs) * (3 * n)
        base = rhalf + (c - rs * nchunk_blk) * L
        ax = buf[pl.ds(base, L)]
        ay = buf[pl.ds(n + base, L)]
        az = buf[pl.ds(2 * n + base, L)]

        def pass1(j, carry):
            m1, m2 = carry
            cvx = buf[pl.ds(chalf + j * L, L)]
            cvy = buf[pl.ds(chalf + m + j * L, L)]
            cvz = buf[pl.ds(chalf + 2 * m + j * L, L)]
            for k in range(L):
                dx = ax - cvx[k]
                dy = ay - cvy[k]
                dz = az - cvz[k]
                s = dx * dx + dy * dy + dz * dz
                d_scr[pl.ds((j * L + k) * L, L)] = s
                m2 = jnp.minimum(m2, jnp.maximum(m1, s))
                m1 = jnp.minimum(m1, s)
            return m1, m2

        big = jnp.full((L,), 3.0e38, jnp.float32)
        m1, m2 = lax.fori_loop(0, m // L, pass1, (big, big))
        d1 = jnp.maximum(_sqrt16(m1), 1e-6)
        d2 = jnp.maximum(_sqrt16(m2), 1e-6)
        it = 1.0 / jnp.maximum((d2 - d1) * inv_log_ratio, 1e-6)

        def pass2(j, carry):
            e_acc, ed_acc = carry
            for k in range(L):
                d = jnp.maximum(_sqrt16(d_scr[pl.ds((j * L + k) * L, L)]),
                                1e-6)
                e = jnp.exp((d1 - d) * it)
                e_acc = e_acc + e
                ed_acc = ed_acc + e * d
            return e_acc, ed_acc

        zero = jnp.zeros((L,), jnp.float32)
        e_acc, ed_acc = lax.fori_loop(0, m // L, pass2, (zero, zero))
        return loss_v + ed_acc / e_acc

    loss_v = lax.fori_loop(0, cpw, chunk_body, jnp.zeros((L,), jnp.float32))
    out_v[...] = loss_v
    pltpu.sync_copy(out_v, out_hbm.at[wid])


def _tc_body(a_ref, c_ref, o_ref, *, m, log_ratio):
    a = a_ref[0]
    c = c_ref[0]
    a0 = jnp.transpose(a[0:1, :])
    a1 = jnp.transpose(a[1:2, :])
    a2 = jnp.transpose(a[2:3, :])
    tn = a.shape[1]
    mc = 128
    big = 3.0e38

    m1v = jnp.full((tn, mc), big, jnp.float32)
    m2v = m1v
    chunks = []
    for k in range(m // mc):
        ck = c[:, k * mc:(k + 1) * mc]
        sc_ = jnp.maximum(
            (a0 - ck[0:1, :]) ** 2
            + (a1 - ck[1:2, :]) ** 2
            + (a2 - ck[2:3, :]) ** 2,
            1e-12)
        m2v = jnp.minimum(m2v, jnp.maximum(m1v, sc_))
        m1v = jnp.minimum(m1v, sc_)
        chunks.append(sc_)
    s = jnp.concatenate(chunks, axis=1)

    m1 = jnp.min(m1v, axis=1, keepdims=True)
    eq = m1v == m1
    cnt = jnp.sum(eq.astype(jnp.float32), axis=1, keepdims=True)
    m2d = jnp.min(jnp.where(eq, big, m1v), axis=1, keepdims=True)
    m2c = jnp.min(m2v, axis=1, keepdims=True)
    m2 = jnp.where(cnt > 1.0, m1, jnp.minimum(m2d, m2c))

    d1 = jnp.maximum(jnp.sqrt(m1), 1e-6)
    d2 = jnp.maximum(jnp.sqrt(m2), 1e-6)
    it = 1.0 / jnp.maximum((d2 - d1) * (1.0 / log_ratio), 1e-6)

    eacc = jnp.zeros((tn, mc), jnp.float32)
    edacc = eacc
    for k in range(m // mc):
        sk = s[:, k * mc:(k + 1) * mc]
        dk = jnp.maximum(sk * jax.lax.rsqrt(sk), 1e-6)
        ek = jnp.exp((d1 - dk) * it)
        eacc = eacc + ek
        edacc = edacc + ek * dk
    esum = jnp.sum(eacc, axis=1, keepdims=True)
    srow = jnp.sum(edacc, axis=1, keepdims=True)
    step = jnp.sum(srow / esum, keepdims=True).reshape(1, 1)

    @pl.when(pl.program_id(0) == 0)
    def _init():
        o_ref[0] = jnp.zeros((1, 1), jnp.float32)

    o_ref[0] += step


def kernel(x, y):
    b, n, _ = x.shape
    m = y.shape[1]
    nblk = 2 * b
    log_ratio = float(np.log(P_MIN * (m - 1) / (1.0 - P_MIN)))

    s_all3 = jnp.concatenate([x, y], axis=0).transpose(0, 2, 1)
    s_all = s_all3.reshape(nblk, 3 * n)

    cpw = 6
    sc_run = pl.kernel(
        functools.partial(_sc_body, n=n, m=m, b=b, cpw=cpw,
                          inv_log_ratio=1.0 / log_ratio),
        out_type=jax.ShapeDtypeStruct((NW, L), jnp.float32),
        mesh=plsc.VectorSubcoreMesh(core_axis_name="c", subcore_axis_name="s"),
        scratch_types=[
            pltpu.VMEM((2 * 3 * n,), jnp.float32),
            pltpu.VMEM((m * L,), jnp.float32),
            pltpu.VMEM((L,), jnp.float32),
        ],
    )
    sc_partial = sc_run(s_all)

    nt = n // TN
    chunks_per_tile = TN // L
    b_tail_from = (NW * cpw - n // L) // chunks_per_tile
    full_steps = (nblk - 2) * nt
    steps = full_steps + nt - b_tail_from

    def blk_of(i):
        q = i // nt
        full_blk = jnp.where(q >= b - 1, q + 2, q + 1)
        return jnp.where(i < full_steps, full_blk, b)

    def tile_of(i):
        return jnp.where(i < full_steps, i % nt, i - full_steps + b_tail_from)

    tc_partial = pl.pallas_call(
        functools.partial(_tc_body, m=m, log_ratio=log_ratio),
        grid=(steps,),
        in_specs=[
            pl.BlockSpec((1, 3, TN), lambda i: (blk_of(i), 0, tile_of(i))),
            pl.BlockSpec((1, 3, m), lambda i: ((blk_of(i) + b) % nblk, 0, 0)),
        ],
        out_specs=pl.BlockSpec((1, 1, 1), lambda i: (0, 0, 0)),
        out_shape=jax.ShapeDtypeStruct((1, 1, 1), jnp.float32),
    )(s_all3, s_all3)

    return jnp.sum(sc_partial) + tc_partial[0, 0, 0]

# --- scband reference (transcript-rebuilt; emitter-appended) ---
"""Pipeline reference for scband-apmlsparse-51874615001116 (READ-ONLY COPY).

The authoritative reference and input builder live on the scoring server;
editing this copy changes nothing except your own understanding.
"""

import jax, jax.numpy as jnp
import numpy as np

P_MIN = 0.8
THRESHOLD = 1e-10


def _apml_weights(d, p_min, threshold, axis):
    # Adaptive per-row temperature so the nearest neighbor receives probability ~p_min,
    # then softmax over negative distances; probabilities below `threshold` are pruned
    # (this pruning is what produces the sparse COO list in the CUDA kernel).
    d_sorted = jnp.sort(d, axis=axis)
    d1 = jnp.take(d_sorted, 0, axis=axis)  # nearest distance
    d2 = jnp.take(d_sorted, 1, axis=axis)  # second nearest
    n = d.shape[axis]
    log_ratio = jnp.log(p_min * (n - 1) / (1.0 - p_min))
    T = jnp.maximum((d2 - d1) / log_ratio, 1e-6)
    T = jnp.expand_dims(T, axis)
    logits = -(d - jnp.expand_dims(d1, axis)) / T
    P = jax.nn.softmax(logits, axis=axis)
    P = jnp.where(P < threshold, 0.0, P)
    return P


def _apml_forward(x, y, p_min, threshold):
    # x: [B, N, D], y: [B, M, D]
    diff = x[:, :, None, :] - y[:, None, :, :]          # [B, N, M, D]
    d = jnp.sqrt(jnp.maximum(jnp.sum(diff * diff, axis=-1), 1e-12))
    d = jnp.maximum(d, 1e-6)                            # matches clamp(min=1e-6) in backward
    P_xy = _apml_weights(d, p_min, threshold, axis=2)   # x -> y matching probs
    P_yx = _apml_weights(d, p_min, threshold, axis=1)   # y -> x matching probs
    # COO_values are treated as constants in the custom backward (only d/dx of the
    # distance term flows), so stop_gradient on the matching weights.
    W = jax.lax.stop_gradient(P_xy + P_yx)
    loss = jnp.sum(W * d)
    return loss


def setup_inputs(seed: int = 0) -> dict:
    key = jax.random.key(seed)
    k1, k2 = jax.random.split(key)
    x = jax.random.normal(k1, (4, 2048, 3), dtype=jnp.float32)
    y = jax.random.normal(k2, (4, 2048, 3), dtype=jnp.float32)
    return {"x": x, "y": y}


def reference(x, y):
    return _apml_forward(x, y, P_MIN, THRESHOLD)

if __name__ == "__main__":
    import jax
    _d = setup_inputs()
    print(jax.jit(kernel)(*tuple(_d.values())))

</pallas_src>

<mosaic_0001>
#map = affine_map<(d0, d1) -> (0, 0)>
module attributes {stable_mosaic.version = 14 : i64} {
  func.func @_sc_body(%arg0: i32, %arg1: i32, %arg2: memref<8x6144xf32, #tpu.memory_space<hbm>>, %arg3: memref<32x16xf32, #tpu.memory_space<hbm>>, %arg4: memref<12288xf32, #tpu.memory_space<vmem>>, %arg5: memref<32768xf32, #tpu.memory_space<vmem>>, %arg6: memref<16xf32, #tpu.memory_space<vmem>>) attributes {dimension_semantics = [#tpu.dimension_semantics<core_parallel>, #tpu.dimension_semantics<subcore_parallel>], iteration_bounds = array<i64: 2, 16>, scalar_prefetch = 0 : i64, scratch_operands = 3 : i64, tpu.core_type = #tpu.core_type<sc_vector_subcore>, window_params = [{transform_indices = #map}, {transform_indices = #map}]} {
    %mul3A = arith.constant 2 : i32
    %mul3A_0 = arith.muli %arg1, %mul3A : i32
    %add3A = arith.addi %mul3A_0, %arg0 : i32
    %run_scoped3A = arith.constant 0 : i32
    "tpu.region"() ({
      %run_scoped3A_11 = tpu.sem_alloc : memref<!tpu.dma_semaphore, #tpu.memory_space<semaphore_mem>>
      %dma_start3A = arith.constant 0 : i32
      %dma_start3A_12 = tpu.memref_slice %arg4[%dma_start3A] : memref<12288xf32, #tpu.memory_space<vmem>> -> memref<6144xf32, #tpu.memory_space<vmem>>
      %dma_start3A_13 = arith.constant 0 : i32
      %dma_start3A_14 = tpu.memref_slice %arg2[%run_scoped3A, %dma_start3A_13] : memref<8x6144xf32, #tpu.memory_space<hbm>> -> memref<1x6144xf32, #tpu.memory_space<hbm>>
      %dma_start3A_15 = tpu.memref_squeeze %dma_start3A_14 : memref<1x6144xf32, #tpu.memory_space<hbm>> -> memref<6144xf32, #tpu.memory_space<hbm>>
      %dma_start3A_16 = arith.constant 0 : i32
      %dma_start3A_17 = tpu.memref_slice %arg4[%dma_start3A_16] : memref<12288xf32, #tpu.memory_space<vmem>> -> memref<6144xf32, #tpu.memory_space<vmem>>
      %dma_start3A_18 = arith.constant 0 : i32
      %dma_start3A_19 = tpu.memref_slice %arg2[%run_scoped3A, %dma_start3A_18] : memref<8x6144xf32, #tpu.memory_space<hbm>> -> memref<1x6144xf32, #tpu.memory_space<hbm>>
      %dma_start3A_20 = tpu.memref_squeeze %dma_start3A_19 : memref<1x6144xf32, #tpu.memory_space<hbm>> -> memref<6144xf32, #tpu.memory_space<hbm>>
      tpu.enqueue_dma source(%dma_start3A_20 : memref<6144xf32, #tpu.memory_space<hbm>>) target(%dma_start3A_17 : memref<6144xf32, #tpu.memory_space<vmem>>) target_semaphore(%run_scoped3A_11 : memref<!tpu.dma_semaphore, #tpu.memory_space<semaphore_mem>>)
      %dma_wait3A = arith.constant 0 : i32
      %dma_wait3A_21 = tpu.memref_slice %arg4[%dma_wait3A] : memref<12288xf32, #tpu.memory_space<vmem>> -> memref<6144xf32, #tpu.memory_space<vmem>>
      %dma_wait3A_22 = arith.constant 0 : i32
      %dma_wait3A_23 = tpu.memref_slice %arg2[%run_scoped3A, %dma_wait3A_22] : memref<8x6144xf32, #tpu.memory_space<hbm>> -> memref<1x6144xf32, #tpu.memory_space<hbm>>
      %dma_wait3A_24 = tpu.memref_squeeze %dma_wait3A_23 : memref<1x6144xf32, #tpu.memory_space<hbm>> -> memref<6144xf32, #tpu.memory_space<hbm>>
      %dma_wait3A_25 = arith.constant 0 : i32
      %dma_wait3A_26 = tpu.memref_slice %arg4[%dma_wait3A_25] : memref<12288xf32, #tpu.memory_space<vmem>> -> memref<6144xf32, #tpu.memory_space<vmem>>
      %dma_wait3A_27 = arith.constant 0 : i32
      %dma_wait3A_28 = tpu.memref_slice %arg2[%run_scoped3A, %dma_wait3A_27] : memref<8x6144xf32, #tpu.memory_space<hbm>> -> memref<1x6144xf32, #tpu.memory_space<hbm>>
      %dma_wait3A_29 = tpu.memref_squeeze %dma_wait3A_28 : memref<1x6144xf32, #tpu.memory_space<hbm>> -> memref<6144xf32, #tpu.memory_space<hbm>>
      tpu.wait_dma2 semaphore(%run_scoped3A_11 : memref<!tpu.dma_semaphore, #tpu.memory_space<semaphore_mem>>) src(%dma_wait3A_29 : memref<6144xf32, #tpu.memory_space<hbm>>) dst(%dma_wait3A_26 : memref<6144xf32, #tpu.memory_space<vmem>>)
      tpu.yield
    }) : () -> ()
    %run_scoped3A_1 = arith.constant 4 : i32
    "tpu.region"() ({
      %run_scoped3A_11 = tpu.sem_alloc : memref<!tpu.dma_semaphore, #tpu.memory_space<semaphore_mem>>
      %dma_start3A = arith.constant 6144 : i32
      %dma_start3A_12 = tpu.memref_slice %arg4[%dma_start3A] : memref<12288xf32, #tpu.memory_space<vmem>> -> memref<6144xf32, #tpu.memory_space<vmem>>
      %dma_start3A_13 = arith.constant 0 : i32
      %dma_start3A_14 = tpu.memref_slice %arg2[%run_scoped3A_1, %dma_start3A_13] : memref<8x6144xf32, #tpu.memory_space<hbm>> -> memref<1x6144xf32, #tpu.memory_space<hbm>>
      %dma_start3A_15 = tpu.memref_squeeze %dma_start3A_14 : memref<1x6144xf32, #tpu.memory_space<hbm>> -> memref<6144xf32, #tpu.memory_space<hbm>>
      %dma_start3A_16 = arith.constant 6144 : i32
      %dma_start3A_17 = tpu.memref_slice %arg4[%dma_start3A_16] : memref<12288xf32, #tpu.memory_space<vmem>> -> memref<6144xf32, #tpu.memory_space<vmem>>
      %dma_start3A_18 = arith.constant 0 : i32
      %dma_start3A_19 = tpu.memref_slice %arg2[%run_scoped3A_1, %dma_start3A_18] : memref<8x6144xf32, #tpu.memory_space<hbm>> -> memref<1x6144xf32, #tpu.memory_space<hbm>>
      %dma_start3A_20 = tpu.memref_squeeze %dma_start3A_19 : memref<1x6144xf32, #tpu.memory_space<hbm>> -> memref<6144xf32, #tpu.memory_space<hbm>>
      tpu.enqueue_dma source(%dma_start3A_20 : memref<6144xf32, #tpu.memory_space<hbm>>) target(%dma_start3A_17 : memref<6144xf32, #tpu.memory_space<vmem>>) target_semaphore(%run_scoped3A_11 : memref<!tpu.dma_semaphore, #tpu.memory_space<semaphore_mem>>)
      %dma_wait3A = arith.constant 6144 : i32
      %dma_wait3A_21 = tpu.memref_slice %arg4[%dma_wait3A] : memref<12288xf32, #tpu.memory_space<vmem>> -> memref<6144xf32, #tpu.memory_space<vmem>>
      %dma_wait3A_22 = arith.constant 0 : i32
      %dma_wait3A_23 = tpu.memref_slice %arg2[%run_scoped3A_1, %dma_wait3A_22] : memref<8x6144xf32, #tpu.memory_space<hbm>> -> memref<1x6144xf32, #tpu.memory_space<hbm>>
      %dma_wait3A_24 = tpu.memref_squeeze %dma_wait3A_23 : memref<1x6144xf32, #tpu.memory_space<hbm>> -> memref<6144xf32, #tpu.memory_space<hbm>>
      %dma_wait3A_25 = arith.constant 6144 : i32
      %dma_wait3A_26 = tpu.memref_slice %arg4[%dma_wait3A_25] : memref<12288xf32, #tpu.memory_space<vmem>> -> memref<6144xf32, #tpu.memory_space<vmem>>
      %dma_wait3A_27 = arith.constant 0 : i32
      %dma_wait3A_28 = tpu.memref_slice %arg2[%run_scoped3A_1, %dma_wait3A_27] : memref<8x6144xf32, #tpu.memory_space<hbm>> -> memref<1x6144xf32, #tpu.memory_space<hbm>>
      %dma_wait3A_29 = tpu.memref_squeeze %dma_wait3A_28 : memref<1x6144xf32, #tpu.memory_space<hbm>> -> memref<6144xf32, #tpu.memory_space<hbm>>
      tpu.wait_dma2 semaphore(%run_scoped3A_11 : memref<!tpu.dma_semaphore, #tpu.memory_space<semaphore_mem>>) src(%dma_wait3A_29 : memref<6144xf32, #tpu.memory_space<hbm>>) dst(%dma_wait3A_26 : memref<6144xf32, #tpu.memory_space<vmem>>)
      tpu.yield
    }) : () -> ()
    %broadcast_in_dim3A = arith.constant 0.000000e+00 : f32
    %broadcast_in_dim3A_2 = vector.broadcast %broadcast_in_dim3A : f32 to vector<16xf32>
    %scan3A = arith.constant 0 : i32
    %scan3A_3 = arith.constant 6 : i32
    %scan3A_4 = arith.addi %scan3A, %scan3A_3 : i32
    %scan3A_5 = arith.constant 1 : i32
    %scan3A_6 = scf.for %scan3A_11 = %scan3A to %scan3A_4 step %scan3A_5 iter_args(%scan3A_12 = %broadcast_in_dim3A_2) -> (vector<16xf32>)  : i32 {
      %mul3A_13 = arith.constant 6 : i32
      %mul3A_14 = arith.muli %add3A, %mul3A_13 : i32
      %add3A_15 = arith.addi %mul3A_14, %scan3A_11 : i32
      %ge3A = arith.constant 128 : i32
      %ge3A_16 = arith.cmpi sge, %add3A_15, %ge3A : i32
      %jit3A = arith.constant 1 : i32
      %jit3A_17 = arith.constant 0 : i32
      %select_n3A = arith.select %ge3A_16, %jit3A, %jit3A_17 : i32
      %mul3A_18 = arith.constant 6144 : i32
      %mul3A_19 = arith.muli %select_n3A, %mul3A_18 : i32
      %sub3A = arith.constant 1 : i32
      %sub3A_20 = arith.subi %sub3A, %select_n3A : i32
      %mul3A_21 = arith.constant 6144 : i32
      %mul3A_22 = arith.muli %sub3A_20, %mul3A_21 : i32
      %mul3A_23 = arith.constant 128 : i32
      %mul3A_24 = arith.muli %select_n3A, %mul3A_23 : i32
      %sub3A_25 = arith.subi %add3A_15, %mul3A_24 : i32
      %mul3A_26 = arith.constant 16 : i32
      %mul3A_27 = arith.muli %sub3A_25, %mul3A_26 : i32
      %add3A_28 = arith.addi %mul3A_19, %mul3A_27 : i32
      %get3A = arith.index_cast %add3A_28 : i32 to index
      %get3A_29 = tpu.vector_load %arg4[%get3A] {strides = array<i32>} : memref<12288xf32, #tpu.memory_space<vmem>>, vector<16xf32>,
      %get3A_30 = vector.shape_cast %get3A_29 : vector<16xf32> to vector<16xf32>
      %add3A_31 = arith.constant 2048 : i32
      %add3A_32 = arith.addi %add3A_31, %add3A_28 : i32
      %get3A_33 = arith.index_cast %add3A_32 : i32 to index
      %get3A_34 = tpu.vector_load %arg4[%get3A_33] {strides = array<i32>} : memref<12288xf32, #tpu.memory_space<vmem>>, vector<16xf32>,
      %get3A_35 = vector.shape_cast %get3A_34 : vector<16xf32> to vector<16xf32>
      %add3A_36 = arith.constant 4096 : i32
      %add3A_37 = arith.addi %add3A_36, %add3A_28 : i32
      %get3A_38 = arith.index_cast %add3A_37 : i32 to index
      %get3A_39 = tpu.vector_load %arg4[%get3A_38] {strides = array<i32>} : memref<12288xf32, #tpu.memory_space<vmem>>, vector<16xf32>,
      %get3A_40 = vector.shape_cast %get3A_39 : vector<16xf32> to vector<16xf32>
      %broadcast_in_dim3A_41 = arith.constant 3.000000e+38 : f32
      %broadcast_in_dim3A_42 = vector.broadcast %broadcast_in_dim3A_41 : f32 to vector<16xf32>
      %scan3A_43 = arith.constant 0 : i32
      %scan3A_44 = arith.constant 128 : i32
      %scan3A_45 = arith.addi %scan3A_43, %scan3A_44 : i32
      %scan3A_46 = arith.constant 1 : i32
      %scan3A_47:2 = scf.for %scan3A_143 = %scan3A_43 to %scan3A_45 step %scan3A_46 iter_args(%scan3A_144 = %broadcast_in_dim3A_42, %scan3A_145 = %broadcast_in_dim3A_42) -> (vector<16xf32>, vector<16xf32>)  : i32 {
        %mul3A_146 = arith.constant 16 : i32
        %mul3A_147 = arith.muli %scan3A_143, %mul3A_146 : i32
        %add3A_148 = arith.addi %mul3A_22, %mul3A_147 : i32
        %get3A_149 = arith.index_cast %add3A_148 : i32 to index
        %get3A_150 = tpu.vector_load %arg4[%get3A_149] {strides = array<i32>} : memref<12288xf32, #tpu.memory_space<vmem>>, vector<16xf32>,
        %get3A_151 = vector.shape_cast %get3A_150 : vector<16xf32> to vector<16xf32>
        %add3A_152 = arith.constant 2048 : i32
        %add3A_153 = arith.addi %mul3A_22, %add3A_152 : i32
        %mul3A_154 = arith.constant 16 : i32
        %mul3A_155 = arith.muli %scan3A_143, %mul3A_154 : i32
        %add3A_156 = arith.addi %add3A_153, %mul3A_155 : i32
        %get3A_157 = arith.index_cast %add3A_156 : i32 to index
        %get3A_158 = tpu.vector_load %arg4[%get3A_157] {strides = array<i32>} : memref<12288xf32, #tpu.memory_space<vmem>>, vector<16xf32>,
        %get3A_159 = vector.shape_cast %get3A_158 : vector<16xf32> to vector<16xf32>
        %add3A_160 = arith.constant 4096 : i32
        %add3A_161 = arith.addi %mul3A_22, %add3A_160 : i32
        %mul3A_162 = arith.constant 16 : i32
        %mul3A_163 = arith.muli %scan3A_143, %mul3A_162 : i32
        %add3A_164 = arith.addi %add3A_161, %mul3A_163 : i32
        %get3A_165 = arith.index_cast %add3A_164 : i32 to index
        %get3A_166 = tpu.vector_load %arg4[%get3A_165] {strides = array<i32>} : memref<12288xf32, #tpu.memory_space<vmem>>, vector<16xf32>,
        %get3A_167 = vector.shape_cast %get3A_166 : vector<16xf32> to vector<16xf32>
        %slice3A = vector.extract_strided_slice %get3A_151 {offsets = [0], sizes = [1], strides = [1]} : vector<16xf32> to vector<1xf32>
        %squeeze3A = vector.extract %slice3A[0] : f32 from vector<1xf32>
        %sub3A_168 = vector.broadcast %squeeze3A : f32 to vector<16xf32>
        %sub3A_169 = arith.subf %get3A_30, %sub3A_168 : vector<16xf32>
        %slice3A_170 = vector.extract_strided_slice %get3A_159 {offsets = [0], sizes = [1], strides = [1]} : vector<16xf32> to vector<1xf32>
        %squeeze3A_171 = vector.extract %slice3A_170[0] : f32 from vector<1xf32>
        %sub3A_172 = vector.broadcast %squeeze3A_171 : f32 to vector<16xf32>
        %sub3A_173 = arith.subf %get3A_35, %sub3A_172 : vector<16xf32>
        %slice3A_174 = vector.extract_strided_slice %get3A_167 {offsets = [0], sizes = [1], strides = [1]} : vector<16xf32> to vector<1xf32>
        %squeeze3A_175 = vector.extract %slice3A_174[0] : f32 from vector<1xf32>
        %sub3A_176 = vector.broadcast %squeeze3A_175 : f32 to vector<16xf32>
        %sub3A_177 = arith.subf %get3A_40, %sub3A_176 : vector<16xf32>
        %mul3A_178 = arith.mulf %sub3A_169, %sub3A_169 : vector<16xf32>
        %mul3A_179 = arith.mulf %sub3A_173, %sub3A_173 : vector<16xf32>
        %add3A_180 = arith.addf %mul3A_178, %mul3A_179 : vector<16xf32>
        %mul3A_181 = arith.mulf %sub3A_177, %sub3A_177 : vector<16xf32>
        %add3A_182 = arith.addf %add3A_180, %mul3A_181 : vector<16xf32>
        %mul3A_183 = arith.constant 16 : i32
        %mul3A_184 = arith.muli %scan3A_143, %mul3A_183 : i32
        %add3A_185 = arith.constant 0 : i32
        %add3A_186 = arith.addi %mul3A_184, %add3A_185 : i32
        %mul3A_187 = arith.constant 16 : i32
        %mul3A_188 = arith.muli %add3A_186, %mul3A_187 : i32
        %swap3A_189 = arith.index_cast %mul3A_188 : i32 to index
        %swap3A_190 = tpu.vector_load %arg5[%swap3A_189] {strides = array<i32>} : memref<32768xf32, #tpu.memory_space<vmem>>, vector<16xf32>,
        %swap3A_191 = vector.shape_cast %swap3A_190 : vector<16xf32> to vector<16xf32>
        %swap3A_192 = vector.shape_cast %add3A_182 : vector<16xf32> to vector<16xf32>
        tpu.vector_store %arg5[%swap3A_189], %swap3A_192 {strides = array<i32>} : memref<32768xf32, #tpu.memory_space<vmem>>, vector<16xf32>,
        %max3A_193 = arith.maximumf %scan3A_144, %add3A_182 : vector<16xf32>
        %min3A = arith.minimumf %scan3A_145, %max3A_193 : vector<16xf32>
        %min3A_194 = arith.minimumf %scan3A_144, %add3A_182 : vector<16xf32>
        %slice3A_195 = vector.extract_strided_slice %get3A_151 {offsets = [1], sizes = [1], strides = [1]} : vector<16xf32> to vector<1xf32>
        %squeeze3A_196 = vector.extract %slice3A_195[0] : f32 from vector<1xf32>
        %sub3A_197 = vector.broadcast %squeeze3A_196 : f32 to vector<16xf32>
        %sub3A_198 = arith.subf %get3A_30, %sub3A_197 : vector<16xf32>
        %slice3A_199 = vector.extract_strided_slice %get3A_159 {offsets = [1], sizes = [1], strides = [1]} : vector<16xf32> to vector<1xf32>
        %squeeze3A_200 = vector.extract %slice3A_199[0] : f32 from vector<1xf32>
        %sub3A_201 = vector.broadcast %squeeze3A_200 : f32 to vector<16xf32>
        %sub3A_202 = arith.subf %get3A_35, %sub3A_201 : vector<16xf32>
        %slice3A_203 = vector.extract_strided_slice %get3A_167 {offsets = [1], sizes = [1], strides = [1]} : vector<16xf32> to vector<1xf32>
        %squeeze3A_204 = vector.extract %slice3A_203[0] : f32 from vector<1xf32>
        %sub3A_205 = vector.broadcast %squeeze3A_204 : f32 to vector<16xf32>
        %sub3A_206 = arith.subf %get3A_40, %sub3A_205 : vector<16xf32>
        %mul3A_207 = arith.mulf %sub3A_198, %sub3A_198 : vector<16xf32>
        %mul3A_208 = arith.mulf %sub3A_202, %sub3A_202 : vector<16xf32>
        %add3A_209 = arith.addf %mul3A_207, %mul3A_208 : vector<16xf32>
        %mul3A_210 = arith.mulf %sub3A_206, %sub3A_206 : vector<16xf32>
        %add3A_211 = arith.addf %add3A_209, %mul3A_210 : vector<16xf32>
        %mul3A_212 = arith.constant 16 : i32
        %mul3A_213 = arith.muli %scan3A_143, %mul3A_212 : i32
        %add3A_214 = arith.constant 1 : i32
        %add3A_215 = arith.addi %mul3A_213, %add3A_214 : i32
        %mul3A_216 = arith.constant 16 : i32
        %mul3A_217 = arith.muli %add3A_215, %mul3A_216 : i32
        %swap3A_218 = arith.index_cast %mul3A_217 : i32 to index
        %swap3A_219 = tpu.vector_load %arg5[%swap3A_218] {strides = array<i32>} : memref<32768xf32, #tpu.memory_space<vmem>>, vector<16xf32>,
        %swap3A_220 = vector.shape_cast %swap3A_219 : vector<16xf32> to vector<16xf32>
        %swap3A_221 = vector.shape_cast %add3A_211 : vector<16xf32> to vector<16xf32>
        tpu.vector_store %arg5[%swap3A_218], %swap3A_221 {strides = array<i32>} : memref<32768xf32, #tpu.memory_space<vmem>>, vector<16xf32>,
        %max3A_222 = arith.maximumf %min3A_194, %add3A_211 : vector<16xf32>
        %min3A_223 = arith.minimumf %min3A, %max3A_222 : vector<16xf32>
        %min3A_224 = arith.minimumf %min3A_194, %add3A_211 : vector<16xf32>
        %slice3A_225 = vector.extract_strided_slice %get3A_151 {offsets = [2], sizes = [1], strides = [1]} : vector<16xf32> to vector<1xf32>
        %squeeze3A_226 = vector.extract %slice3A_225[0] : f32 from vector<1xf32>
        %sub3A_227 = vector.broadcast %squeeze3A_226 : f32 to vector<16xf32>
        %sub3A_228 = arith.subf %get3A_30, %sub3A_227 : vector<16xf32>
        %slice3A_229 = vector.extract_strided_slice %get3A_159 {offsets = [2], sizes = [1], strides = [1]} : vector<16xf32> to vector<1xf32>
        %squeeze3A_230 = vector.extract %slice3A_229[0] : f32 from vector<1xf32>
        %sub3A_231 = vector.broadcast %squeeze3A_230 : f32 to vector<16xf32>
        %sub3A_232 = arith.subf %get3A_35, %sub3A_231 : vector<16xf32>
        %slice3A_233 = vector.extract_strided_slice %get3A_167 {offsets = [2], sizes = [1], strides = [1]} : vector<16xf32> to vector<1xf32>
        %squeeze3A_234 = vector.extract %slice3A_233[0] : f32 from vector<1xf32>
        %sub3A_235 = vector.broadcast %squeeze3A_234 : f32 to vector<16xf32>
        %sub3A_236 = arith.subf %get3A_40, %sub3A_235 : vector<16xf32>
        %mul3A_237 = arith.mulf %sub3A_228, %sub3A_228 : vector<16xf32>
        %mul3A_238 = arith.mulf %sub3A_232, %sub3A_232 : vector<16xf32>
        %add3A_239 = arith.addf %mul3A_237, %mul3A_238 : vector<16xf32>
        %mul3A_240 = arith.mulf %sub3A_236, %sub3A_236 : vector<16xf32>
        %add3A_241 = arith.addf %add3A_239, %mul3A_240 : vector<16xf32>
        %mul3A_242 = arith.constant 16 : i32
        %mul3A_243 = arith.muli %scan3A_143, %mul3A_242 : i32
        %add3A_244 = arith.constant 2 : i32
        %add3A_245 = arith.addi %mul3A_243, %add3A_244 : i32
        %mul3A_246 = arith.constant 16 : i32
        %mul3A_247 = arith.muli %add3A_245, %mul3A_246 : i32
        %swap3A_248 = arith.index_cast %mul3A_247 : i32 to index
        %swap3A_249 = tpu.vector_load %arg5[%swap3A_248] {strides = array<i32>} : memref<32768xf32, #tpu.memory_space<vmem>>, vector<16xf32>,
        %swap3A_250 = vector.shape_cast %swap3A_249 : vector<16xf32> to vector<16xf32>
        %swap3A_251 = vector.shape_cast %add3A_241 : vector<16xf32> to vector<16xf32>
        tpu.vector_store %arg5[%swap3A_248], %swap3A_251 {strides = array<i32>} : memref<32768xf32, #tpu.memory_space<vmem>>, vector<16xf32>,
        %max3A_252 = arith.maximumf %min3A_224, %add3A_241 : vector<16xf32>
        %min3A_253 = arith.minimumf %min3A_223, %max3A_252 : vector<16xf32>
        %min3A_254 = arith.minimumf %min3A_224, %add3A_241 : vector<16xf32>
        %slice3A_255 = vector.extract_strided_slice %get3A_151 {offsets = [3], sizes = [1], strides = [1]} : vector<16xf32> to vector<1xf32>
        %squeeze3A_256 = vector.extract %slice3A_255[0] : f32 from vector<1xf32>
        %sub3A_257 = vector.broadcast %squeeze3A_256 : f32 to vector<16xf32>
        %sub3A_258 = arith.subf %get3A_30, %sub3A_257 : vector<16xf32>
        %slice3A_259 = vector.extract_strided_slice %get3A_159 {offsets = [3], sizes = [1], strides = [1]} : vector<16xf32> to vector<1xf32>
        %squeeze3A_260 = vector.extract %slice3A_259[0] : f32 from vector<1xf32>
        %sub3A_261 = vector.broadcast %squeeze3A_260 : f32 to vector<16xf32>
        %sub3A_262 = arith.subf %get3A_35, %sub3A_261 : vector<16xf32>
        %slice3A_263 = vector.extract_strided_slice %get3A_167 {offsets = [3], sizes = [1], strides = [1]} : vector<16xf32> to vector<1xf32>
        %squeeze3A_264 = vector.extract %slice3A_263[0] : f32 from vector<1xf32>
        %sub3A_265 = vector.broadcast %squeeze3A_264 : f32 to vector<16xf32>
        %sub3A_266 = arith.subf %get3A_40, %sub3A_265 : vector<16xf32>
        %mul3A_267 = arith.mulf %sub3A_258, %sub3A_258 : vector<16xf32>
        %mul3A_268 = arith.mulf %sub3A_262, %sub3A_262 : vector<16xf32>
        %add3A_269 = arith.addf %mul3A_267, %mul3A_268 : vector<16xf32>
        %mul3A_270 = arith.mulf %sub3A_266, %sub3A_266 : vector<16xf32>
        %add3A_271 = arith.addf %add3A_269, %mul3A_270 : vector<16xf32>
        %mul3A_272 = arith.constant 16 : i32
        %mul3A_273 = arith.muli %scan3A_143, %mul3A_272 : i32
        %add3A_274 = arith.constant 3 : i32
        %add3A_275 = arith.addi %mul3A_273, %add3A_274 : i32
        %mul3A_276 = arith.constant 16 : i32
        %mul3A_277 = arith.muli %add3A_275, %mul3A_276 : i32
        %swap3A_278 = arith.index_cast %mul3A_277 : i32 to index
        %swap3A_279 = tpu.vector_load %arg5[%swap3A_278] {strides = array<i32>} : memref<32768xf32, #tpu.memory_space<vmem>>, vector<16xf32>,
        %swap3A_280 = vector.shape_cast %swap3A_279 : vector<16xf32> to vector<16xf32>
        %swap3A_281 = vector.shape_cast %add3A_271 : vector<16xf32> to vector<16xf32>
        tpu.vector_store %arg5[%swap3A_278], %swap3A_281 {strides = array<i32>} : memref<32768xf32, #tpu.memory_space<vmem>>, vector<16xf32>,
        %max3A_282 = arith.maximumf %min3A_254, %add3A_271 : vector<16xf32>
        %min3A_283 = arith.minimumf %min3A_253, %max3A_282 : vector<16xf32>
        %min3A_284 = arith.minimumf %min3A_254, %add3A_271 : vector<16xf32>
        %slice3A_285 = vector.extract_strided_slice %get3A_151 {offsets = [4], sizes = [1], strides = [1]} : vector<16xf32> to vector<1xf32>
        %squeeze3A_286 = vector.extract %slice3A_285[0] : f32 from vector<1xf32>
        %sub3A_287 = vector.broadcast %squeeze3A_286 : f32 to vector<16xf32>
        %sub3A_288 = arith.subf %get3A_30, %sub3A_287 : vector<16xf32>
        %slice3A_289 = vector.extract_strided_slice %get3A_159 {offsets = [4], sizes = [1], strides = [1]} : vector<16xf32> to vector<1xf32>
        %squeeze3A_290 = vector.extract %slice3A_289[0] : f32 from vector<1xf32>
        %sub3A_291 = vector.broadcast %squeeze3A_290 : f32 to vector<16xf32>
        %sub3A_292 = arith.subf %get3A_35, %sub3A_291 : vector<16xf32>
        %slice3A_293 = vector.extract_strided_slice %get3A_167 {offsets = [4], sizes = [1], strides = [1]} : vector<16xf32> to vector<1xf32>
        %squeeze3A_294 = vector.extract %slice3A_293[0] : f32 from vector<1xf32>
        %sub3A_295 = vector.broadcast %squeeze3A_294 : f32 to vector<16xf32>
        %sub3A_296 = arith.subf %get3A_40, %sub3A_295 : vector<16xf32>
        %mul3A_297 = arith.mulf %sub3A_288, %sub3A_288 : vector<16xf32>
        %mul3A_298 = arith.mulf %sub3A_292, %sub3A_292 : vector<16xf32>
        %add3A_299 = arith.addf %mul3A_297, %mul3A_298 : vector<16xf32>
        %mul3A_300 = arith.mulf %sub3A_296, %sub3A_296 : vector<16xf32>
        %add3A_301 = arith.addf %add3A_299, %mul3A_300 : vector<16xf32>
        %mul3A_302 = arith.constant 16 : i32
        %mul3A_303 = arith.muli %scan3A_143, %mul3A_302 : i32
        %add3A_304 = arith.constant 4 : i32
        %add3A_305 = arith.addi %mul3A_303, %add3A_304 : i32
        %mul3A_306 = arith.constant 16 : i32
        %mul3A_307 = arith.muli %add3A_305, %mul3A_306 : i32
        %swap3A_308 = arith.index_cast %mul3A_307 : i32 to index
        %swap3A_309 = tpu.vector_load %arg5[%swap3A_308] {strides = array<i32>} : memref<32768xf32, #tpu.memory_space<vmem>>, vector<16xf32>,
        %swap3A_310 = vector.shape_cast %swap3A_309 : vector<16xf32> to vector<16xf32>
        %swap3A_311 = vector.shape_cast %add3A_301 : vector<16xf32> to vector<16xf32>
        tpu.vector_store %arg5[%swap3A_308], %swap3A_311 {strides = array<i32>} : memref<32768xf32, #tpu.memory_space<vmem>>, vector<16xf32>,
        %max3A_312 = arith.maximumf %min3A_284, %add3A_301 : vector<16xf32>
        %min3A_313 = arith.minimumf %min3A_283, %max3A_312 : vector<16xf32>
        %min3A_314 = arith.minimumf %min3A_284, %add3A_301 : vector<16xf32>
        %slice3A_315 = vector.extract_strided_slice %get3A_151 {offsets = [5], sizes = [1], strides = [1]} : vector<16xf32> to vector<1xf32>
        %squeeze3A_316 = vector.extract %slice3A_315[0] : f32 from vector<1xf32>
        %sub3A_317 = vector.broadcast %squeeze3A_316 : f32 to vector<16xf32>
        %sub3A_318 = arith.subf %get3A_30, %sub3A_317 : vector<16xf32>
        %slice3A_319 = vector.extract_strided_slice %get3A_159 {offsets = [5], sizes = [1], strides = [1]} : vector<16xf32> to vector<1xf32>
        %squeeze3A_320 = vector.extract %slice3A_319[0] : f32 from vector<1xf32>
        %sub3A_321 = vector.broadcast %squeeze3A_320 : f32 to vector<16xf32>
        %sub3A_322 = arith.subf %get3A_35, %sub3A_321 : vector<16xf32>
        %slice3A_323 = vector.extract_strided_slice %get3A_167 {offsets = [5], sizes = [1], strides = [1]} : vector<16xf32> to vector<1xf32>
        %squeeze3A_324 = vector.extract %slice3A_323[0] : f32 from vector<1xf32>
        %sub3A_325 = vector.broadcast %squeeze3A_324 : f32 to vector<16xf32>
        %sub3A_326 = arith.subf %get3A_40, %sub3A_325 : vector<16xf32>
        %mul3A_327 = arith.mulf %sub3A_318, %sub3A_318 : vector<16xf32>
        %mul3A_328 = arith.mulf %sub3A_322, %sub3A_322 : vector<16xf32>
        %add3A_329 = arith.addf %mul3A_327, %mul3A_328 : vector<16xf32>
        %mul3A_330 = arith.mulf %sub3A_326, %sub3A_326 : vector<16xf32>
        %add3A_331 = arith.addf %add3A_329, %mul3A_330 : vector<16xf32>
        %mul3A_332 = arith.constant 16 : i32
        %mul3A_333 = arith.muli %scan3A_143, %mul3A_332 : i32
        %add3A_334 = arith.constant 5 : i32
        %add3A_335 = arith.addi %mul3A_333, %add3A_334 : i32
        %mul3A_336 = arith.constant 16 : i32
        %mul3A_337 = arith.muli %add3A_335, %mul3A_336 : i32
        %swap3A_338 = arith.index_cast %mul3A_337 : i32 to index
        %swap3A_339 = tpu.vector_load %arg5[%swap3A_338] {strides = array<i32>} : memref<32768xf32, #tpu.memory_space<vmem>>, vector<16xf32>,
        %swap3A_340 = vector.shape_cast %swap3A_339 : vector<16xf32> to vector<16xf32>
        %swap3A_341 = vector.shape_cast %add3A_331 : vector<16xf32> to vector<16xf32>
        tpu.vector_store %arg5[%swap3A_338], %swap3A_341 {strides = array<i32>} : memref<32768xf32, #tpu.memory_space<vmem>>, vector<16xf32>,
        %max3A_342 = arith.maximumf %min3A_314, %add3A_331 : vector<16xf32>
        %min3A_343 = arith.minimumf %min3A_313, %max3A_342 : vector<16xf32>
        %min3A_344 = arith.minimumf %min3A_314, %add3A_331 : vector<16xf32>
        %slice3A_345 = vector.extract_strided_slice %get3A_151 {offsets = [6], sizes = [1], strides = [1]} : vector<16xf32> to vector<1xf32>
        %squeeze3A_346 = vector.extract %slice3A_345[0] : f32 from vector<1xf32>
        %sub3A_347 = vector.broadcast %squeeze3A_346 : f32 to vector<16xf32>
        %sub3A_348 = arith.subf %get3A_30, %sub3A_347 : vector<16xf32>
        %slice3A_349 = vector.extract_strided_slice %get3A_159 {offsets = [6], sizes = [1], strides = [1]} : vector<16xf32> to vector<1xf32>
        %squeeze3A_350 = vector.extract %slice3A_349[0] : f32 from vector<1xf32>
        %sub3A_351 = vector.broadcast %squeeze3A_350 : f32 to vector<16xf32>
        %sub3A_352 = arith.subf %get3A_35, %sub3A_351 : vector<16xf32>
        %slice3A_353 = vector.extract_strided_slice %get3A_167 {offsets = [6], sizes = [1], strides = [1]} : vector<16xf32> to vector<1xf32>
        %squeeze3A_354 = vector.extract %slice3A_353[0] : f32 from vector<1xf32>
        %sub3A_355 = vector.broadcast %squeeze3A_354 : f32 to vector<16xf32>
        %sub3A_356 = arith.subf %get3A_40, %sub3A_355 : vector<16xf32>
        %mul3A_357 = arith.mulf %sub3A_348, %sub3A_348 : vector<16xf32>
        %mul3A_358 = arith.mulf %sub3A_352, %sub3A_352 : vector<16xf32>
        %add3A_359 = arith.addf %mul3A_357, %mul3A_358 : vector<16xf32>
        %mul3A_360 = arith.mulf %sub3A_356, %sub3A_356 : vector<16xf32>
        %add3A_361 = arith.addf %add3A_359, %mul3A_360 : vector<16xf32>
        %mul3A_362 = arith.constant 16 : i32
        %mul3A_363 = arith.muli %scan3A_143, %mul3A_362 : i32
        %add3A_364 = arith.constant 6 : i32
        %add3A_365 = arith.addi %mul3A_363, %add3A_364 : i32
        %mul3A_366 = arith.constant 16 : i32
        %mul3A_367 = arith.muli %add3A_365, %mul3A_366 : i32
        %swap3A_368 = arith.index_cast %mul3A_367 : i32 to index
        %swap3A_369 = tpu.vector_load %arg5[%swap3A_368] {strides = array<i32>} : memref<32768xf32, #tpu.memory_space<vmem>>, vector<16xf32>,
        %swap3A_370 = vector.shape_cast %swap3A_369 : vector<16xf32> to vector<16xf32>
        %swap3A_371 = vector.shape_cast %add3A_361 : vector<16xf32> to vector<16xf32>
        tpu.vector_store %arg5[%swap3A_368], %swap3A_371 {strides = array<i32>} : memref<32768xf32, #tpu.memory_space<vmem>>, vector<16xf32>,
        %max3A_372 = arith.maximumf %min3A_344, %add3A_361 : vector<16xf32>
        %min3A_373 = arith.minimumf %min3A_343, %max3A_372 : vector<16xf32>
        %min3A_374 = arith.minimumf %min3A_344, %add3A_361 : vector<16xf32>
        %slice3A_375 = vector.extract_strided_slice %get3A_151 {offsets = [7], sizes = [1], strides = [1]} : vector<16xf32> to vector<1xf32>
        %squeeze3A_376 = vector.extract %slice3A_375[0] : f32 from vector<1xf32>
        %sub3A_377 = vector.broadcast %squeeze3A_376 : f32 to vector<16xf32>
        %sub3A_378 = arith.subf %get3A_30, %sub3A_377 : vector<16xf32>
        %slice3A_379 = vector.extract_strided_slice %get3A_159 {offsets = [7], sizes = [1], strides = [1]} : vector<16xf32> to vector<1xf32>
        %squeeze3A_380 = vector.extract %slice3A_379[0] : f32 from vector<1xf32>
        %sub3A_381 = vector.broadcast %squeeze3A_380 : f32 to vector<16xf32>
        %sub3A_382 = arith.subf %get3A_35, %sub3A_381 : vector<16xf32>
        %slice3A_383 = vector.extract_strided_slice %get3A_167 {offsets = [7], sizes = [1], strides = [1]} : vector<16xf32> to vector<1xf32>
        %squeeze3A_384 = vector.extract %slice3A_383[0] : f32 from vector<1xf32>
        %sub3A_385 = vector.broadcast %squeeze3A_384 : f32 to vector<16xf32>
        %sub3A_386 = arith.subf %get3A_40, %sub3A_385 : vector<16xf32>
        %mul3A_387 = arith.mulf %sub3A_378, %sub3A_378 : vector<16xf32>
        %mul3A_388 = arith.mulf %sub3A_382, %sub3A_382 : vector<16xf32>
        %add3A_389 = arith.addf %mul3A_387, %mul3A_388 : vector<16xf32>
        %mul3A_390 = arith.mulf %sub3A_386, %sub3A_386 : vector<16xf32>
        %add3A_391 = arith.addf %add3A_389, %mul3A_390 : vector<16xf32>
        %mul3A_392 = arith.constant 16 : i32
        %mul3A_393 = arith.muli %scan3A_143, %mul3A_392 : i32
        %add3A_394 = arith.constant 7 : i32
        %add3A_395 = arith.addi %mul3A_393, %add3A_394 : i32
        %mul3A_396 = arith.constant 16 : i32
        %mul3A_397 = arith.muli %add3A_395, %mul3A_396 : i32
        %swap3A_398 = arith.index_cast %mul3A_397 : i32 to index
        %swap3A_399 = tpu.vector_load %arg5[%swap3A_398] {strides = array<i32>} : memref<32768xf32, #tpu.memory_space<vmem>>, vector<16xf32>,
        %swap3A_400 = vector.shape_cast %swap3A_399 : vector<16xf32> to vector<16xf32>
        %swap3A_401 = vector.shape_cast %add3A_391 : vector<16xf32> to vector<16xf32>
        tpu.vector_store %arg5[%swap3A_398], %swap3A_401 {strides = array<i32>} : memref<32768xf32, #tpu.memory_space<vmem>>, vector<16xf32>,
        %max3A_402 = arith.maximumf %min3A_374, %add3A_391 : vector<16xf32>
        %min3A_403 = arith.minimumf %min3A_373, %max3A_402 : vector<16xf32>
        %min3A_404 = arith.minimumf %min3A_374, %add3A_391 : vector<16xf32>
        %slice3A_405 = vector.extract_strided_slice %get3A_151 {offsets = [8], sizes = [1], strides = [1]} : vector<16xf32> to vector<1xf32>
        %squeeze3A_406 = vector.extract %slice3A_405[0] : f32 from vector<1xf32>
        %sub3A_407 = vector.broadcast %squeeze3A_406 : f32 to vector<16xf32>
        %sub3A_408 = arith.subf %get3A_30, %sub3A_407 : vector<16xf32>
        %slice3A_409 = vector.extract_strided_slice %get3A_159 {offsets = [8], sizes = [1], strides = [1]} : vector<16xf32> to vector<1xf32>
        %squeeze3A_410 = vector.extract %slice3A_409[0] : f32 from vector<1xf32>
        %sub3A_411 = vector.broadcast %squeeze3A_410 : f32 to vector<16xf32>
        %sub3A_412 = arith.subf %get3A_35, %sub3A_411 : vector<16xf32>
        %slice3A_413 = vector.extract_strided_slice %get3A_167 {offsets = [8], sizes = [1], strides = [1]} : vector<16xf32> to vector<1xf32>
        %squeeze3A_414 = vector.extract %slice3A_413[0] : f32 from vector<1xf32>
        %sub3A_415 = vector.broadcast %squeeze3A_414 : f32 to vector<16xf32>
        %sub3A_416 = arith.subf %get3A_40, %sub3A_415 : vector<16xf32>
        %mul3A_417 = arith.mulf %sub3A_408, %sub3A_408 : vector<16xf32>
        %mul3A_418 = arith.mulf %sub3A_412, %sub3A_412 : vector<16xf32>
        %add3A_419 = arith.addf %mul3A_417, %mul3A_418 : vector<16xf32>
        %mul3A_420 = arith.mulf %sub3A_416, %sub3A_416 : vector<16xf32>
        %add3A_421 = arith.addf %add3A_419, %mul3A_420 : vector<16xf32>
        %mul3A_422 = arith.constant 16 : i32
        %mul3A_423 = arith.muli %scan3A_143, %mul3A_422 : i32
        %add3A_424 = arith.constant 8 : i32
        %add3A_425 = arith.addi %mul3A_423, %add3A_424 : i32
        %mul3A_426 = arith.constant 16 : i32
        %mul3A_427 = arith.muli %add3A_425, %mul3A_426 : i32
        %swap3A_428 = arith.index_cast %mul3A_427 : i32 to index
        %swap3A_429 = tpu.vector_load %arg5[%swap3A_428] {strides = array<i32>} : memref<32768xf32, #tpu.memory_space<vmem>>, vector<16xf32>,
        %swap3A_430 = vector.shape_cast %swap3A_429 : vector<16xf32> to vector<16xf32>
        %swap3A_431 = vector.shape_cast %add3A_421 : vector<16xf32> to vector<16xf32>
        tpu.vector_store %arg5[%swap3A_428], %swap3A_431 {strides = array<i32>} : memref<32768xf32, #tpu.memory_space<vmem>>, vector<16xf32>,
        %max3A_432 = arith.maximumf %min3A_404, %add3A_421 : vector<16xf32>
        %min3A_433 = arith.minimumf %min3A_403, %max3A_432 : vector<16xf32>
        %min3A_434 = arith.minimumf %min3A_404, %add3A_421 : vector<16xf32>
        %slice3A_435 = vector.extract_strided_slice %get3A_151 {offsets = [9], sizes = [1], strides = [1]} : vector<16xf32> to vector<1xf32>
        %squeeze3A_436 = vector.extract %slice3A_435[0] : f32 from vector<1xf32>
        %sub3A_437 = vector.broadcast %squeeze3A_436 : f32 to vector<16xf32>
        %sub3A_438 = arith.subf %get3A_30, %sub3A_437 : vector<16xf32>
        %slice3A_439 = vector.extract_strided_slice %get3A_159 {offsets = [9], sizes = [1], strides = [1]} : vector<16xf32> to vector<1xf32>
        %squeeze3A_440 = vector.extract %slice3A_439[0] : f32 from vector<1xf32>
        %sub3A_441 = vector.broadcast %squeeze3A_440 : f32 to vector<16xf32>
        %sub3A_442 = arith.subf %get3A_35, %sub3A_441 : vector<16xf32>
        %slice3A_443 = vector.extract_strided_slice %get3A_167 {offsets = [9], sizes = [1], strides = [1]} : vector<16xf32> to vector<1xf32>
        %squeeze3A_444 = vector.extract %slice3A_443[0] : f32 from vector<1xf32>
        %sub3A_445 = vector.broadcast %squeeze3A_444 : f32 to vector<16xf32>
        %sub3A_446 = arith.subf %get3A_40, %sub3A_445 : vector<16xf32>
        %mul3A_447 = arith.mulf %sub3A_438, %sub3A_438 : vector<16xf32>
        %mul3A_448 = arith.mulf %sub3A_442, %sub3A_442 : vector<16xf32>
        %add3A_449 = arith.addf %mul3A_447, %mul3A_448 : vector<16xf32>
        %mul3A_450 = arith.mulf %sub3A_446, %sub3A_446 : vector<16xf32>
        %add3A_451 = arith.addf %add3A_449, %mul3A_450 : vector<16xf32>
        %mul3A_452 = arith.constant 16 : i32
        %mul3A_453 = arith.muli %scan3A_143, %mul3A_452 : i32
        %add3A_454 = arith.constant 9 : i32
        %add3A_455 = arith.addi %mul3A_453, %add3A_454 : i32
        %mul3A_456 = arith.constant 16 : i32
        %mul3A_457 = arith.muli %add3A_455, %mul3A_456 : i32
        %swap3A_458 = arith.index_cast %mul3A_457 : i32 to index
        %swap3A_459 = tpu.vector_load %arg5[%swap3A_458] {strides = array<i32>} : memref<32768xf32, #tpu.memory_space<vmem>>, vector<16xf32>,
        %swap3A_460 = vector.shape_cast %swap3A_459 : vector<16xf32> to vector<16xf32>
        %swap3A_461 = vector.shape_cast %add3A_451 : vector<16xf32> to vector<16xf32>
        tpu.vector_store %arg5[%swap3A_458], %swap3A_461 {strides = array<i32>} : memref<32768xf32, #tpu.memory_space<vmem>>, vector<16xf32>,
        %max3A_462 = arith.maximumf %min3A_434, %add3A_451 : vector<16xf32>
        %min3A_463 = arith.minimumf %min3A_433, %max3A_462 : vector<16xf32>
        %min3A_464 = arith.minimumf %min3A_434, %add3A_451 : vector<16xf32>
        %slice3A_465 = vector.extract_strided_slice %get3A_151 {offsets = [10], sizes = [1], strides = [1]} : vector<16xf32> to vector<1xf32>
        %squeeze3A_466 = vector.extract %slice3A_465[0] : f32 from vector<1xf32>
        %sub3A_467 = vector.broadcast %squeeze3A_466 : f32 to vector<16xf32>
        %sub3A_468 = arith.subf %get3A_30, %sub3A_467 : vector<16xf32>
        %slice3A_469 = vector.extract_strided_slice %get3A_159 {offsets = [10], sizes = [1], strides = [1]} : vector<16xf32> to vector<1xf32>
        %squeeze3A_470 = vector.extract %slice3A_469[0] : f32 from vector<1xf32>
        %sub3A_471 = vector.broadcast %squeeze3A_470 : f32 to vector<16xf32>
        %sub3A_472 = arith.subf %get3A_35, %sub3A_471 : vector<16xf32>
        %slice3A_473 = vector.extract_strided_slice %get3A_167 {offsets = [10], sizes = [1], strides = [1]} : vector<16xf32> to vector<1xf32>
        %squeeze3A_474 = vector.extract %slice3A_473[0] : f32 from vector<1xf32>
        %sub3A_475 = vector.broadcast %squeeze3A_474 : f32 to vector<16xf32>
        %sub3A_476 = arith.subf %get3A_40, %sub3A_475 : vector<16xf32>
        %mul3A_477 = arith.mulf %sub3A_468, %sub3A_468 : vector<16xf32>
        %mul3A_478 = arith.mulf %sub3A_472, %sub3A_472 : vector<16xf32>
        %add3A_479 = arith.addf %mul3A_477, %mul3A_478 : vector<16xf32>
        %mul3A_480 = arith.mulf %sub3A_476, %sub3A_476 : vector<16xf32>
        %add3A_481 = arith.addf %add3A_479, %mul3A_480 : vector<16xf32>
        %mul3A_482 = arith.constant 16 : i32
        %mul3A_483 = arith.muli %scan3A_143, %mul3A_482 : i32
        %add3A_484 = arith.constant 10 : i32
        %add3A_485 = arith.addi %mul3A_483, %add3A_484 : i32
        %mul3A_486 = arith.constant 16 : i32
        %mul3A_487 = arith.muli %add3A_485, %mul3A_486 : i32
        %swap3A_488 = arith.index_cast %mul3A_487 : i32 to index
        %swap3A_489 = tpu.vector_load %arg5[%swap3A_488] {strides = array<i32>} : memref<32768xf32, #tpu.memory_space<vmem>>, vector<16xf32>,
        %swap3A_490 = vector.shape_cast %swap3A_489 : vector<16xf32> to vector<16xf32>
        %swap3A_491 = vector.shape_cast %add3A_481 : vector<16xf32> to vector<16xf32>
        tpu.vector_store %arg5[%swap3A_488], %swap3A_491 {strides = array<i32>} : memref<32768xf32, #tpu.memory_space<vmem>>, vector<16xf32>,
        %max3A_492 = arith.maximumf %min3A_464, %add3A_481 : vector<16xf32>
        %min3A_493 = arith.minimumf %min3A_463, %max3A_492 : vector<16xf32>
        %min3A_494 = arith.minimumf %min3A_464, %add3A_481 : vector<16xf32>
        %slice3A_495 = vector.extract_strided_slice %get3A_151 {offsets = [11], sizes = [1], strides = [1]} : vector<16xf32> to vector<1xf32>
        %squeeze3A_496 = vector.extract %slice3A_495[0] : f32 from vector<1xf32>
        %sub3A_497 = vector.broadcast %squeeze3A_496 : f32 to vector<16xf32>
        %sub3A_498 = arith.subf %get3A_30, %sub3A_497 : vector<16xf32>
        %slice3A_499 = vector.extract_strided_slice %get3A_159 {offsets = [11], sizes = [1], strides = [1]} : vector<16xf32> to vector<1xf32>
        %squeeze3A_500 = vector.extract %slice3A_499[0] : f32 from vector<1xf32>
        %sub3A_501 = vector.broadcast %squeeze3A_500 : f32 to vector<16xf32>
        %sub3A_502 = arith.subf %get3A_35, %sub3A_501 : vector<16xf32>
        %slice3A_503 = vector.extract_strided_slice %get3A_167 {offsets = [11], sizes = [1], strides = [1]} : vector<16xf32> to vector<1xf32>
        %squeeze3A_504 = vector.extract %slice3A_503[0] : f32 from vector<1xf32>
        %sub3A_505 = vector.broadcast %squeeze3A_504 : f32 to vector<16xf32>
        %sub3A_506 = arith.subf %get3A_40, %sub3A_505 : vector<16xf32>
        %mul3A_507 = arith.mulf %sub3A_498, %sub3A_498 : vector<16xf32>
        %mul3A_508 = arith.mulf %sub3A_502, %sub3A_502 : vector<16xf32>
        %add3A_509 = arith.addf %mul3A_507, %mul3A_508 : vector<16xf32>
        %mul3A_510 = arith.mulf %sub3A_506, %sub3A_506 : vector<16xf32>
        %add3A_511 = arith.addf %add3A_509, %mul3A_510 : vector<16xf32>
        %mul3A_512 = arith.constant 16 : i32
        %mul3A_513 = arith.muli %scan3A_143, %mul3A_512 : i32
        %add3A_514 = arith.constant 11 : i32
        %add3A_515 = arith.addi %mul3A_513, %add3A_514 : i32
        %mul3A_516 = arith.constant 16 : i32
        %mul3A_517 = arith.muli %add3A_515, %mul3A_516 : i32
        %swap3A_518 = arith.index_cast %mul3A_517 : i32 to index
        %swap3A_519 = tpu.vector_load %arg5[%swap3A_518] {strides = array<i32>} : memref<32768xf32, #tpu.memory_space<vmem>>, vector<16xf32>,
        %swap3A_520 = vector.shape_cast %swap3A_519 : vector<16xf32> to vector<16xf32>
        %swap3A_521 = vector.shape_cast %add3A_511 : vector<16xf32> to vector<16xf32>
        tpu.vector_store %arg5[%swap3A_518], %swap3A_521 {strides = array<i32>} : memref<32768xf32, #tpu.memory_space<vmem>>, vector<16xf32>,
        %max3A_522 = arith.maximumf %min3A_494, %add3A_511 : vector<16xf32>
        %min3A_523 = arith.minimumf %min3A_493, %max3A_522 : vector<16xf32>
        %min3A_524 = arith.minimumf %min3A_494, %add3A_511 : vector<16xf32>
        %slice3A_525 = vector.extract_strided_slice %get3A_151 {offsets = [12], sizes = [1], strides = [1]} : vector<16xf32> to vector<1xf32>
        %squeeze3A_526 = vector.extract %slice3A_525[0] : f32 from vector<1xf32>
        %sub3A_527 = vector.broadcast %squeeze3A_526 : f32 to vector<16xf32>
        %sub3A_528 = arith.subf %get3A_30, %sub3A_527 : vector<16xf32>
        %slice3A_529 = vector.extract_strided_slice %get3A_159 {offsets = [12], sizes = [1], strides = [1]} : vector<16xf32> to vector<1xf32>
        %squeeze3A_530 = vector.extract %slice3A_529[0] : f32 from vector<1xf32>
        %sub3A_531 = vector.broadcast %squeeze3A_530 : f32 to vector<16xf32>
        %sub3A_532 = arith.subf %get3A_35, %sub3A_531 : vector<16xf32>
        %slice3A_533 = vector.extract_strided_slice %get3A_167 {offsets = [12], sizes = [1], strides = [1]} : vector<16xf32> to vector<1xf32>
        %squeeze3A_534 = vector.extract %slice3A_533[0] : f32 from vector<1xf32>
        %sub3A_535 = vector.broadcast %squeeze3A_534 : f32 to vector<16xf32>
        %sub3A_536 = arith.subf %get3A_40, %sub3A_535 : vector<16xf32>
        %mul3A_537 = arith.mulf %sub3A_528, %sub3A_528 : vector<16xf32>
        %mul3A_538 = arith.mulf %sub3A_532, %sub3A_532 : vector<16xf32>
        %add3A_539 = arith.addf %mul3A_537, %mul3A_538 : vector<16xf32>
        %mul3A_540 = arith.mulf %sub3A_536, %sub3A_536 : vector<16xf32>
        %add3A_541 = arith.addf %add3A_539, %mul3A_540 : vector<16xf32>
        %mul3A_542 = arith.constant 16 : i32
        %mul3A_543 = arith.muli %scan3A_143, %mul3A_542 : i32
        %add3A_544 = arith.constant 12 : i32
        %add3A_545 = arith.addi %mul3A_543, %add3A_544 : i32
        %mul3A_546 = arith.constant 16 : i32
        %mul3A_547 = arith.muli %add3A_545, %mul3A_546 : i32
        %swap3A_548 = arith.index_cast %mul3A_547 : i32 to index
        %swap3A_549 = tpu.vector_load %arg5[%swap3A_548] {strides = array<i32>} : memref<32768xf32, #tpu.memory_space<vmem>>, vector<16xf32>,
        %swap3A_550 = vector.shape_cast %swap3A_549 : vector<16xf32> to vector<16xf32>
        %swap3A_551 = vector.shape_cast %add3A_541 : vector<16xf32> to vector<16xf32>
        tpu.vector_store %arg5[%swap3A_548], %swap3A_551 {strides = array<i32>} : memref<32768xf32, #tpu.memory_space<vmem>>, vector<16xf32>,
        %max3A_552 = arith.maximumf %min3A_524, %add3A_541 : vector<16xf32>
        %min3A_553 = arith.minimumf %min3A_523, %max3A_552 : vector<16xf32>
        %min3A_554 = arith.minimumf %min3A_524, %add3A_541 : vector<16xf32>
        %slice3A_555 = vector.extract_strided_slice %get3A_151 {offsets = [13], sizes = [1], strides = [1]} : vector<16xf32> to vector<1xf32>
        %squeeze3A_556 = vector.extract %slice3A_555[0] : f32 from vector<1xf32>
        %sub3A_557 = vector.broadcast %squeeze3A_556 : f32 to vector<16xf32>
        %sub3A_558 = arith.subf %get3A_30, %sub3A_557 : vector<16xf32>
        %slice3A_559 = vector.extract_strided_slice %get3A_159 {offsets = [13], sizes = [1], strides = [1]} : vector<16xf32> to vector<1xf32>
        %squeeze3A_560 = vector.extract %slice3A_559[0] : f32 from vector<1xf32>
        %sub3A_561 = vector.broadcast %squeeze3A_560 : f32 to vector<16xf32>
        %sub3A_562 = arith.subf %get3A_35, %sub3A_561 : vector<16xf32>
        %slice3A_563 = vector.extract_strided_slice %get3A_167 {offsets = [13], sizes = [1], strides = [1]} : vector<16xf32> to vector<1xf32>
        %squeeze3A_564 = vector.extract %slice3A_563[0] : f32 from vector<1xf32>
        %sub3A_565 = vector.broadcast %squeeze3A_564 : f32 to vector<16xf32>
        %sub3A_566 = arith.subf %get3A_40, %sub3A_565 : vector<16xf32>
        %mul3A_567 = arith.mulf %sub3A_558, %sub3A_558 : vector<16xf32>
        %mul3A_568 = arith.mulf %sub3A_562, %sub3A_562 : vector<16xf32>
        %add3A_569 = arith.addf %mul3A_567, %mul3A_568 : vector<16xf32>
        %mul3A_570 = arith.mulf %sub3A_566, %sub3A_566 : vector<16xf32>
        %add3A_571 = arith.addf %add3A_569, %mul3A_570 : vector<16xf32>
        %mul3A_572 = arith.constant 16 : i32
        %mul3A_573 = arith.muli %scan3A_143, %mul3A_572 : i32
        %add3A_574 = arith.constant 13 : i32
        %add3A_575 = arith.addi %mul3A_573, %add3A_574 : i32
        %mul3A_576 = arith.constant 16 : i32
        %mul3A_577 = arith.muli %add3A_575, %mul3A_576 : i32
        %swap3A_578 = arith.index_cast %mul3A_577 : i32 to index
        %swap3A_579 = tpu.vector_load %arg5[%swap3A_578] {strides = array<i32>} : memref<32768xf32, #tpu.memory_space<vmem>>, vector<16xf32>,
        %swap3A_580 = vector.shape_cast %swap3A_579 : vector<16xf32> to vector<16xf32>
        %swap3A_581 = vector.shape_cast %add3A_571 : vector<16xf32> to vector<16xf32>
        tpu.vector_store %arg5[%swap3A_578], %swap3A_581 {strides = array<i32>} : memref<32768xf32, #tpu.memory_space<vmem>>, vector<16xf32>,
        %max3A_582 = arith.maximumf %min3A_554, %add3A_571 : vector<16xf32>
        %min3A_583 = arith.minimumf %min3A_553, %max3A_582 : vector<16xf32>
        %min3A_584 = arith.minimumf %min3A_554, %add3A_571 : vector<16xf32>
        %slice3A_585 = vector.extract_strided_slice %get3A_151 {offsets = [14], sizes = [1], strides = [1]} : vector<16xf32> to vector<1xf32>
        %squeeze3A_586 = vector.extract %slice3A_585[0] : f32 from vector<1xf32>
        %sub3A_587 = vector.broadcast %squeeze3A_586 : f32 to vector<16xf32>
        %sub3A_588 = arith.subf %get3A_30, %sub3A_587 : vector<16xf32>
        %slice3A_589 = vector.extract_strided_slice %get3A_159 {offsets = [14], sizes = [1], strides = [1]} : vector<16xf32> to vector<1xf32>
        %squeeze3A_590 = vector.extract %slice3A_589[0] : f32 from vector<1xf32>
        %sub3A_591 = vector.broadcast %squeeze3A_590 : f32 to vector<16xf32>
        %sub3A_592 = arith.subf %get3A_35, %sub3A_591 : vector<16xf32>
        %slice3A_593 = vector.extract_strided_slice %get3A_167 {offsets = [14], sizes = [1], strides = [1]} : vector<16xf32> to vector<1xf32>
        %squeeze3A_594 = vector.extract %slice3A_593[0] : f32 from vector<1xf32>
        %sub3A_595 = vector.broadcast %squeeze3A_594 : f32 to vector<16xf32>
        %sub3A_596 = arith.subf %get3A_40, %sub3A_595 : vector<16xf32>
        %mul3A_597 = arith.mulf %sub3A_588, %sub3A_588 : vector<16xf32>
        %mul3A_598 = arith.mulf %sub3A_592, %sub3A_592 : vector<16xf32>
        %add3A_599 = arith.addf %mul3A_597, %mul3A_598 : vector<16xf32>
        %mul3A_600 = arith.mulf %sub3A_596, %sub3A_596 : vector<16xf32>
        %add3A_601 = arith.addf %add3A_599, %mul3A_600 : vector<16xf32>
        %mul3A_602 = arith.constant 16 : i32
        %mul3A_603 = arith.muli %scan3A_143, %mul3A_602 : i32
        %add3A_604 = arith.constant 14 : i32
        %add3A_605 = arith.addi %mul3A_603, %add3A_604 : i32
        %mul3A_606 = arith.constant 16 : i32
        %mul3A_607 = arith.muli %add3A_605, %mul3A_606 : i32
        %swap3A_608 = arith.index_cast %mul3A_607 : i32 to index
        %swap3A_609 = tpu.vector_load %arg5[%swap3A_608] {strides = array<i32>} : memref<32768xf32, #tpu.memory_space<vmem>>, vector<16xf32>,
        %swap3A_610 = vector.shape_cast %swap3A_609 : vector<16xf32> to vector<16xf32>
        %swap3A_611 = vector.shape_cast %add3A_601 : vector<16xf32> to vector<16xf32>
        tpu.vector_store %arg5[%swap3A_608], %swap3A_611 {strides = array<i32>} : memref<32768xf32, #tpu.memory_space<vmem>>, vector<16xf32>,
        %max3A_612 = arith.maximumf %min3A_584, %add3A_601 : vector<16xf32>
        %min3A_613 = arith.minimumf %min3A_583, %max3A_612 : vector<16xf32>
        %min3A_614 = arith.minimumf %min3A_584, %add3A_601 : vector<16xf32>
        %slice3A_615 = vector.extract_strided_slice %get3A_151 {offsets = [15], sizes = [1], strides = [1]} : vector<16xf32> to vector<1xf32>
        %squeeze3A_616 = vector.extract %slice3A_615[0] : f32 from vector<1xf32>
        %sub3A_617 = vector.broadcast %squeeze3A_616 : f32 to vector<16xf32>
        %sub3A_618 = arith.subf %get3A_30, %sub3A_617 : vector<16xf32>
        %slice3A_619 = vector.extract_strided_slice %get3A_159 {offsets = [15], sizes = [1], strides = [1]} : vector<16xf32> to vector<1xf32>
        %squeeze3A_620 = vector.extract %slice3A_619[0] : f32 from vector<1xf32>
        %sub3A_621 = vector.broadcast %squeeze3A_620 : f32 to vector<16xf32>
        %sub3A_622 = arith.subf %get3A_35, %sub3A_621 : vector<16xf32>
        %slice3A_623 = vector.extract_strided_slice %get3A_167 {offsets = [15], sizes = [1], strides = [1]} : vector<16xf32> to vector<1xf32>
        %squeeze3A_624 = vector.extract %slice3A_623[0] : f32 from vector<1xf32>
        %sub3A_625 = vector.broadcast %squeeze3A_624 : f32 to vector<16xf32>
        %sub3A_626 = arith.subf %get3A_40, %sub3A_625 : vector<16xf32>
        %mul3A_627 = arith.mulf %sub3A_618, %sub3A_618 : vector<16xf32>
        %mul3A_628 = arith.mulf %sub3A_622, %sub3A_622 : vector<16xf32>
        %add3A_629 = arith.addf %mul3A_627, %mul3A_628 : vector<16xf32>
        %mul3A_630 = arith.mulf %sub3A_626, %sub3A_626 : vector<16xf32>
        %add3A_631 = arith.addf %add3A_629, %mul3A_630 : vector<16xf32>
        %mul3A_632 = arith.constant 16 : i32
        %mul3A_633 = arith.muli %scan3A_143, %mul3A_632 : i32
        %add3A_634 = arith.constant 15 : i32
        %add3A_635 = arith.addi %mul3A_633, %add3A_634 : i32
        %mul3A_636 = arith.constant 16 : i32
        %mul3A_637 = arith.muli %add3A_635, %mul3A_636 : i32
        %swap3A_638 = arith.index_cast %mul3A_637 : i32 to index
        %swap3A_639 = tpu.vector_load %arg5[%swap3A_638] {strides = array<i32>} : memref<32768xf32, #tpu.memory_space<vmem>>, vector<16xf32>,
        %swap3A_640 = vector.shape_cast %swap3A_639 : vector<16xf32> to vector<16xf32>
        %swap3A_641 = vector.shape_cast %add3A_631 : vector<16xf32> to vector<16xf32>
        tpu.vector_store %arg5[%swap3A_638], %swap3A_641 {strides = array<i32>} : memref<32768xf32, #tpu.memory_space<vmem>>, vector<16xf32>,
        %max3A_642 = arith.maximumf %min3A_614, %add3A_631 : vector<16xf32>
        %min3A_643 = arith.minimumf %min3A_613, %max3A_642 : vector<16xf32>
        %min3A_644 = arith.minimumf %min3A_614, %add3A_631 : vector<16xf32>
        scf.yield %min3A_644, %min3A_643 : vector<16xf32>, vector<16xf32>
      }
      %scan3A_48 = arith.constant 128 : i32
      %bitcast_convert_type3A = tpu.bitcast %scan3A_47#0 : vector<16xf32> -> vector<16xi32>
      %shift_right_arithmetic3A = arith.constant 1 : i32
      %shift_right_arithmetic3A_49 = vector.broadcast %shift_right_arithmetic3A : i32 to vector<16xi32>
      %shift_right_arithmetic3A_50 = arith.shrsi %bitcast_convert_type3A, %shift_right_arithmetic3A_49 : vector<16xi32>
      %sub3A_51 = arith.constant 1597463007 : i32
      %sub3A_52 = vector.broadcast %sub3A_51 : i32 to vector<16xi32>
      %sub3A_53 = arith.subi %sub3A_52, %shift_right_arithmetic3A_50 : vector<16xi32>
      %bitcast_convert_type3A_54 = tpu.bitcast %sub3A_53 : vector<16xi32> -> vector<16xf32>
      %mul3A_55 = arith.constant 5.000000e-01 : f32
      %mul3A_56 = vector.broadcast %mul3A_55 : f32 to vector<16xf32>
      %mul3A_57 = arith.mulf %mul3A_56, %scan3A_47#0 : vector<16xf32>
      %mul3A_58 = arith.mulf %mul3A_57, %bitcast_convert_type3A_54 : vector<16xf32>
      %mul3A_59 = arith.mulf %mul3A_58, %bitcast_convert_type3A_54 : vector<16xf32>
      %sub3A_60 = arith.constant 1.500000e+00 : f32
      %sub3A_61 = vector.broadcast %sub3A_60 : f32 to vector<16xf32>
      %sub3A_62 = arith.subf %sub3A_61, %mul3A_59 : vector<16xf32>
      %mul3A_63 = arith.mulf %bitcast_convert_type3A_54, %sub3A_62 : vector<16xf32>
      %mul3A_64 = arith.constant 5.000000e-01 : f32
      %mul3A_65 = vector.broadcast %mul3A_64 : f32 to vector<16xf32>
      %mul3A_66 = arith.mulf %mul3A_65, %scan3A_47#0 : vector<16xf32>
      %mul3A_67 = arith.mulf %mul3A_66, %mul3A_63 : vector<16xf32>
      %mul3A_68 = arith.mulf %mul3A_67, %mul3A_63 : vector<16xf32>
      %sub3A_69 = arith.constant 1.500000e+00 : f32
      %sub3A_70 = vector.broadcast %sub3A_69 : f32 to vector<16xf32>
      %sub3A_71 = arith.subf %sub3A_70, %mul3A_68 : vector<16xf32>
      %mul3A_72 = arith.mulf %mul3A_63, %sub3A_71 : vector<16xf32>
      %mul3A_73 = arith.constant 5.000000e-01 : f32
      %mul3A_74 = vector.broadcast %mul3A_73 : f32 to vector<16xf32>
      %mul3A_75 = arith.mulf %mul3A_74, %scan3A_47#0 : vector<16xf32>
      %mul3A_76 = arith.mulf %mul3A_75, %mul3A_72 : vector<16xf32>
      %mul3A_77 = arith.mulf %mul3A_76, %mul3A_72 : vector<16xf32>
      %sub3A_78 = arith.constant 1.500000e+00 : f32
      %sub3A_79 = vector.broadcast %sub3A_78 : f32 to vector<16xf32>
      %sub3A_80 = arith.subf %sub3A_79, %mul3A_77 : vector<16xf32>
      %mul3A_81 = arith.mulf %mul3A_72, %sub3A_80 : vector<16xf32>
      %mul3A_82 = arith.mulf %scan3A_47#0, %mul3A_81 : vector<16xf32>
      %max3A = arith.constant 9.99999997E-7 : f32
      %max3A_83 = vector.broadcast %max3A : f32 to vector<16xf32>
      %max3A_84 = arith.maximumf %mul3A_82, %max3A_83 : vector<16xf32>
      %bitcast_convert_type3A_85 = tpu.bitcast %scan3A_47#1 : vector<16xf32> -> vector<16xi32>
      %shift_right_arithmetic3A_86 = arith.constant 1 : i32
      %shift_right_arithmetic3A_87 = vector.broadcast %shift_right_arithmetic3A_86 : i32 to vector<16xi32>
      %shift_right_arithmetic3A_88 = arith.shrsi %bitcast_convert_type3A_85, %shift_right_arithmetic3A_87 : vector<16xi32>
      %sub3A_89 = arith.constant 1597463007 : i32
      %sub3A_90 = vector.broadcast %sub3A_89 : i32 to vector<16xi32>
      %sub3A_91 = arith.subi %sub3A_90, %shift_right_arithmetic3A_88 : vector<16xi32>
      %bitcast_convert_type3A_92 = tpu.bitcast %sub3A_91 : vector<16xi32> -> vector<16xf32>
      %mul3A_93 = arith.constant 5.000000e-01 : f32
      %mul3A_94 = vector.broadcast %mul3A_93 : f32 to vector<16xf32>
      %mul3A_95 = arith.mulf %mul3A_94, %scan3A_47#1 : vector<16xf32>
      %mul3A_96 = arith.mulf %mul3A_95, %bitcast_convert_type3A_92 : vector<16xf32>
      %mul3A_97 = arith.mulf %mul3A_96, %bitcast_convert_type3A_92 : vector<16xf32>
      %sub3A_98 = arith.constant 1.500000e+00 : f32
      %sub3A_99 = vector.broadcast %sub3A_98 : f32 to vector<16xf32>
      %sub3A_100 = arith.subf %sub3A_99, %mul3A_97 : vector<16xf32>
      %mul3A_101 = arith.mulf %bitcast_convert_type3A_92, %sub3A_100 : vector<16xf32>
      %mul3A_102 = arith.constant 5.000000e-01 : f32
      %mul3A_103 = vector.broadcast %mul3A_102 : f32 to vector<16xf32>
      %mul3A_104 = arith.mulf %mul3A_103, %scan3A_47#1 : vector<16xf32>
      %mul3A_105 = arith.mulf %mul3A_104, %mul3A_101 : vector<16xf32>
      %mul3A_106 = arith.mulf %mul3A_105, %mul3A_101 : vector<16xf32>
      %sub3A_107 = arith.constant 1.500000e+00 : f32
      %sub3A_108 = vector.broadcast %sub3A_107 : f32 to vector<16xf32>
      %sub3A_109 = arith.subf %sub3A_108, %mul3A_106 : vector<16xf32>
      %mul3A_110 = arith.mulf %mul3A_101, %sub3A_109 : vector<16xf32>
      %mul3A_111 = arith.constant 5.000000e-01 : f32
      %mul3A_112 = vector.broadcast %mul3A_111 : f32 to vector<16xf32>
      %mul3A_113 = arith.mulf %mul3A_112, %scan3A_47#1 : vector<16xf32>
      %mul3A_114 = arith.mulf %mul3A_113, %mul3A_110 : vector<16xf32>
      %mul3A_115 = arith.mulf %mul3A_114, %mul3A_110 : vector<16xf32>
      %sub3A_116 = arith.constant 1.500000e+00 : f32
      %sub3A_117 = vector.broadcast %sub3A_116 : f32 to vector<16xf32>
      %sub3A_118 = arith.subf %sub3A_117, %mul3A_115 : vector<16xf32>
      %mul3A_119 = arith.mulf %mul3A_110, %sub3A_118 : vector<16xf32>
      %mul3A_120 = arith.mulf %scan3A_47#1, %mul3A_119 : vector<16xf32>
      %max3A_121 = arith.constant 9.99999997E-7 : f32
      %max3A_122 = vector.broadcast %max3A_121 : f32 to vector<16xf32>
      %max3A_123 = arith.maximumf %mul3A_120, %max3A_122 : vector<16xf32>
      %sub3A_124 = arith.subf %max3A_123, %max3A_84 : vector<16xf32>
      %mul3A_125 = arith.constant 0.11098256 : f32
      %mul3A_126 = vector.broadcast %mul3A_125 : f32 to vector<16xf32>
      %mul3A_127 = arith.mulf %sub3A_124, %mul3A_126 : vector<16xf32>
      %max3A_128 = arith.constant 9.99999997E-7 : f32
      %max3A_129 = vector.broadcast %max3A_128 : f32 to vector<16xf32>
      %max3A_130 = arith.maximumf %mul3A_127, %max3A_129 : vector<16xf32>
      %div3A = arith.constant 1.000000e+00 : f32
      %div3A_131 = vector.broadcast %div3A : f32 to vector<16xf32>
      %div3A_132 = arith.divf %div3A_131, %max3A_130 : vector<16xf32>
      %broadcast_in_dim3A_133 = arith.constant 0.000000e+00 : f32
      %broadcast_in_dim3A_134 = vector.broadcast %broadcast_in_dim3A_133 : f32 to vector<16xf32>
      %scan3A_135 = arith.constant 0 : i32
      %scan3A_136 = arith.constant 128 : i32
      %scan3A_137 = arith.addi %scan3A_135, %scan3A_136 : i32
      %scan3A_138 = arith.constant 1 : i32
      %scan3A_139:2 = scf.for %scan3A_143 = %scan3A_135 to %scan3A_137 step %scan3A_138 iter_args(%scan3A_144 = %broadcast_in_dim3A_134, %scan3A_145 = %broadcast_in_dim3A_134) -> (vector<16xf32>, vector<16xf32>)  : i32 {
        %mul3A_146 = arith.constant 16 : i32
        %mul3A_147 = arith.muli %scan3A_143, %mul3A_146 : i32
        %add3A_148 = arith.constant 0 : i32
        %add3A_149 = arith.addi %mul3A_147, %add3A_148 : i32
        %mul3A_150 = arith.constant 16 : i32
        %mul3A_151 = arith.muli %add3A_149, %mul3A_150 : i32
        %get3A_152 = arith.index_cast %mul3A_151 : i32 to index
        %get3A_153 = tpu.vector_load %arg5[%get3A_152] {strides = array<i32>} : memref<32768xf32, #tpu.memory_space<vmem>>, vector<16xf32>,
        %get3A_154 = vector.shape_cast %get3A_153 : vector<16xf32> to vector<16xf32>
        %bitcast_convert_type3A_155 = tpu.bitcast %get3A_154 : vector<16xf32> -> vector<16xi32>
        %shift_right_arithmetic3A_156 = arith.constant 1 : i32
        %shift_right_arithmetic3A_157 = vector.broadcast %shift_right_arithmetic3A_156 : i32 to vector<16xi32>
        %shift_right_arithmetic3A_158 = arith.shrsi %bitcast_convert_type3A_155, %shift_right_arithmetic3A_157 : vector<16xi32>
        %sub3A_159 = arith.constant 1597463007 : i32
        %sub3A_160 = vector.broadcast %sub3A_159 : i32 to vector<16xi32>
        %sub3A_161 = arith.subi %sub3A_160, %shift_right_arithmetic3A_158 : vector<16xi32>
        %bitcast_convert_type3A_162 = tpu.bitcast %sub3A_161 : vector<16xi32> -> vector<16xf32>
        %mul3A_163 = arith.constant 5.000000e-01 : f32
        %mul3A_164 = vector.broadcast %mul3A_163 : f32 to vector<16xf32>
        %mul3A_165 = arith.mulf %mul3A_164, %get3A_154 : vector<16xf32>
        %mul3A_166 = arith.mulf %mul3A_165, %bitcast_convert_type3A_162 : vector<16xf32>
        %mul3A_167 = arith.mulf %mul3A_166, %bitcast_convert_type3A_162 : vector<16xf32>
        %sub3A_168 = arith.constant 1.500000e+00 : f32
        %sub3A_169 = vector.broadcast %sub3A_168 : f32 to vector<16xf32>
        %sub3A_170 = arith.subf %sub3A_169, %mul3A_167 : vector<16xf32>
        %mul3A_171 = arith.mulf %bitcast_convert_type3A_162, %sub3A_170 : vector<16xf32>
        %mul3A_172 = arith.constant 5.000000e-01 : f32
        %mul3A_173 = vector.broadcast %mul3A_172 : f32 to vector<16xf32>
        %mul3A_174 = arith.mulf %mul3A_173, %get3A_154 : vector<16xf32>
        %mul3A_175 = arith.mulf %mul3A_174, %mul3A_171 : vector<16xf32>
        %mul3A_176 = arith.mulf %mul3A_175, %mul3A_171 : vector<16xf32>
        %sub3A_177 = arith.constant 1.500000e+00 : f32
        %sub3A_178 = vector.broadcast %sub3A_177 : f32 to vector<16xf32>
        %sub3A_179 = arith.subf %sub3A_178, %mul3A_176 : vector<16xf32>
        %mul3A_180 = arith.mulf %mul3A_171, %sub3A_179 : vector<16xf32>
        %mul3A_181 = arith.constant 5.000000e-01 : f32
        %mul3A_182 = vector.broadcast %mul3A_181 : f32 to vector<16xf32>
        %mul3A_183 = arith.mulf %mul3A_182, %get3A_154 : vector<16xf32>
        %mul3A_184 = arith.mulf %mul3A_183, %mul3A_180 : vector<16xf32>
        %mul3A_185 = arith.mulf %mul3A_184, %mul3A_180 : vector<16xf32>
        %sub3A_186 = arith.constant 1.500000e+00 : f32
        %sub3A_187 = vector.broadcast %sub3A_186 : f32 to vector<16xf32>
        %sub3A_188 = arith.subf %sub3A_187, %mul3A_185 : vector<16xf32>
        %mul3A_189 = arith.mulf %mul3A_180, %sub3A_188 : vector<16xf32>
        %mul3A_190 = arith.mulf %get3A_154, %mul3A_189 : vector<16xf32>
        %max3A_191 = arith.constant 9.99999997E-7 : f32
        %max3A_192 = vector.broadcast %max3A_191 : f32 to vector<16xf32>
        %max3A_193 = arith.maximumf %mul3A_190, %max3A_192 : vector<16xf32>
        %sub3A_194 = arith.subf %max3A_84, %max3A_193 : vector<16xf32>
        %mul3A_195 = arith.mulf %sub3A_194, %div3A_132 : vector<16xf32>
        %exp3A = math.exp %mul3A_195 : vector<16xf32>
        %add3A_196 = arith.addf %scan3A_144, %exp3A : vector<16xf32>
        %mul3A_197 = arith.mulf %exp3A, %max3A_193 : vector<16xf32>
        %add3A_198 = arith.addf %scan3A_145, %mul3A_197 : vector<16xf32>
        %mul3A_199 = arith.constant 16 : i32
        %mul3A_200 = arith.muli %scan3A_143, %mul3A_199 : i32
        %add3A_201 = arith.constant 1 : i32
        %add3A_202 = arith.addi %mul3A_200, %add3A_201 : i32
        %mul3A_203 = arith.constant 16 : i32
        %mul3A_204 = arith.muli %add3A_202, %mul3A_203 : i32
        %get3A_205 = arith.index_cast %mul3A_204 : i32 to index
        %get3A_206 = tpu.vector_load %arg5[%get3A_205] {strides = array<i32>} : memref<32768xf32, #tpu.memory_space<vmem>>, vector<16xf32>,
        %get3A_207 = vector.shape_cast %get3A_206 : vector<16xf32> to vector<16xf32>
        %bitcast_convert_type3A_208 = tpu.bitcast %get3A_207 : vector<16xf32> -> vector<16xi32>
        %shift_right_arithmetic3A_209 = arith.constant 1 : i32
        %shift_right_arithmetic3A_210 = vector.broadcast %shift_right_arithmetic3A_209 : i32 to vector<16xi32>
        %shift_right_arithmetic3A_211 = arith.shrsi %bitcast_convert_type3A_208, %shift_right_arithmetic3A_210 : vector<16xi32>
        %sub3A_212 = arith.constant 1597463007 : i32
        %sub3A_213 = vector.broadcast %sub3A_212 : i32 to vector<16xi32>
        %sub3A_214 = arith.subi %sub3A_213, %shift_right_arithmetic3A_211 : vector<16xi32>
        %bitcast_convert_type3A_215 = tpu.bitcast %sub3A_214 : vector<16xi32> -> vector<16xf32>
        %mul3A_216 = arith.constant 5.000000e-01 : f32
        %mul3A_217 = vector.broadcast %mul3A_216 : f32 to vector<16xf32>
        %mul3A_218 = arith.mulf %mul3A_217, %get3A_207 : vector<16xf32>
        %mul3A_219 = arith.mulf %mul3A_218, %bitcast_convert_type3A_215 : vector<16xf32>
        %mul3A_220 = arith.mulf %mul3A_219, %bitcast_convert_type3A_215 : vector<16xf32>
        %sub3A_221 = arith.constant 1.500000e+00 : f32
        %sub3A_222 = vector.broadcast %sub3A_221 : f32 to vector<16xf32>
        %sub3A_223 = arith.subf %sub3A_222, %mul3A_220 : vector<16xf32>
        %mul3A_224 = arith.mulf %bitcast_convert_type3A_215, %sub3A_223 : vector<16xf32>
        %mul3A_225 = arith.constant 5.000000e-01 : f32
        %mul3A_226 = vector.broadcast %mul3A_225 : f32 to vector<16xf32>
        %mul3A_227 = arith.mulf %mul3A_226, %get3A_207 : vector<16xf32>
        %mul3A_228 = arith.mulf %mul3A_227, %mul3A_224 : vector<16xf32>
        %mul3A_229 = arith.mulf %mul3A_228, %mul3A_224 : vector<16xf32>
        %sub3A_230 = arith.constant 1.500000e+00 : f32
        %sub3A_231 = vector.broadcast %sub3A_230 : f32 to vector<16xf32>
        %sub3A_232 = arith.subf %sub3A_231, %mul3A_229 : vector<16xf32>
        %mul3A_233 = arith.mulf %mul3A_224, %sub3A_232 : vector<16xf32>
        %mul3A_234 = arith.constant 5.000000e-01 : f32
        %mul3A_235 = vector.broadcast %mul3A_234 : f32 to vector<16xf32>
        %mul3A_236 = arith.mulf %mul3A_235, %get3A_207 : vector<16xf32>
        %mul3A_237 = arith.mulf %mul3A_236, %mul3A_233 : vector<16xf32>
        %mul3A_238 = arith.mulf %mul3A_237, %mul3A_233 : vector<16xf32>
        %sub3A_239 = arith.constant 1.500000e+00 : f32
        %sub3A_240 = vector.broadcast %sub3A_239 : f32 to vector<16xf32>
        %sub3A_241 = arith.subf %sub3A_240, %mul3A_238 : vector<16xf32>
        %mul3A_242 = arith.mulf %mul3A_233, %sub3A_241 : vector<16xf32>
        %mul3A_243 = arith.mulf %get3A_207, %mul3A_242 : vector<16xf32>
        %max3A_244 = arith.constant 9.99999997E-7 : f32
        %max3A_245 = vector.broadcast %max3A_244 : f32 to vector<16xf32>
        %max3A_246 = arith.maximumf %mul3A_243, %max3A_245 : vector<16xf32>
        %sub3A_247 = arith.subf %max3A_84, %max3A_246 : vector<16xf32>
        %mul3A_248 = arith.mulf %sub3A_247, %div3A_132 : vector<16xf32>
        %exp3A_249 = math.exp %mul3A_248 : vector<16xf32>
        %add3A_250 = arith.addf %add3A_196, %exp3A_249 : vector<16xf32>
        %mul3A_251 = arith.mulf %exp3A_249, %max3A_246 : vector<16xf32>
        %add3A_252 = arith.addf %add3A_198, %mul3A_251 : vector<16xf32>
        %mul3A_253 = arith.constant 16 : i32
        %mul3A_254 = arith.muli %scan3A_143, %mul3A_253 : i32
        %add3A_255 = arith.constant 2 : i32
        %add3A_256 = arith.addi %mul3A_254, %add3A_255 : i32
        %mul3A_257 = arith.constant 16 : i32
        %mul3A_258 = arith.muli %add3A_256, %mul3A_257 : i32
        %get3A_259 = arith.index_cast %mul3A_258 : i32 to index
        %get3A_260 = tpu.vector_load %arg5[%get3A_259] {strides = array<i32>} : memref<32768xf32, #tpu.memory_space<vmem>>, vector<16xf32>,
        %get3A_261 = vector.shape_cast %get3A_260 : vector<16xf32> to vector<16xf32>
        %bitcast_convert_type3A_262 = tpu.bitcast %get3A_261 : vector<16xf32> -> vector<16xi32>
        %shift_right_arithmetic3A_263 = arith.constant 1 : i32
        %shift_right_arithmetic3A_264 = vector.broadcast %shift_right_arithmetic3A_263 : i32 to vector<16xi32>
        %shift_right_arithmetic3A_265 = arith.shrsi %bitcast_convert_type3A_262, %shift_right_arithmetic3A_264 : vector<16xi32>
        %sub3A_266 = arith.constant 1597463007 : i32
        %sub3A_267 = vector.broadcast %sub3A_266 : i32 to vector<16xi32>
        %sub3A_268 = arith.subi %sub3A_267, %shift_right_arithmetic3A_265 : vector<16xi32>
        %bitcast_convert_type3A_269 = tpu.bitcast %sub3A_268 : vector<16xi32> -> vector<16xf32>
        %mul3A_270 = arith.constant 5.000000e-01 : f32
        %mul3A_271 = vector.broadcast %mul3A_270 : f32 to vector<16xf32>
        %mul3A_272 = arith.mulf %mul3A_271, %get3A_261 : vector<16xf32>
        %mul3A_273 = arith.mulf %mul3A_272, %bitcast_convert_type3A_269 : vector<16xf32>
        %mul3A_274 = arith.mulf %mul3A_273, %bitcast_convert_type3A_269 : vector<16xf32>
        %sub3A_275 = arith.constant 1.500000e+00 : f32
        %sub3A_276 = vector.broadcast %sub3A_275 : f32 to vector<16xf32>
        %sub3A_277 = arith.subf %sub3A_276, %mul3A_274 : vector<16xf32>
        %mul3A_278 = arith.mulf %bitcast_convert_type3A_269, %sub3A_277 : vector<16xf32>
        %mul3A_279 = arith.constant 5.000000e-01 : f32
        %mul3A_280 = vector.broadcast %mul3A_279 : f32 to vector<16xf32>
        %mul3A_281 = arith.mulf %mul3A_280, %get3A_261 : vector<16xf32>
        %mul3A_282 = arith.mulf %mul3A_281, %mul3A_278 : vector<16xf32>
        %mul3A_283 = arith.mulf %mul3A_282, %mul3A_278 : vector<16xf32>
        %sub3A_284 = arith.constant 1.500000e+00 : f32
        %sub3A_285 = vector.broadcast %sub3A_284 : f32 to vector<16xf32>
        %sub3A_286 = arith.subf %sub3A_285, %mul3A_283 : vector<16xf32>
        %mul3A_287 = arith.mulf %mul3A_278, %sub3A_286 : vector<16xf32>
        %mul3A_288 = arith.constant 5.000000e-01 : f32
        %mul3A_289 = vector.broadcast %mul3A_288 : f32 to vector<16xf32>
        %mul3A_290 = arith.mulf %mul3A_289, %get3A_261 : vector<16xf32>
        %mul3A_291 = arith.mulf %mul3A_290, %mul3A_287 : vector<16xf32>
        %mul3A_292 = arith.mulf %mul3A_291, %mul3A_287 : vector<16xf32>
        %sub3A_293 = arith.constant 1.500000e+00 : f32
        %sub3A_294 = vector.broadcast %sub3A_293 : f32 to vector<16xf32>
        %sub3A_295 = arith.subf %sub3A_294, %mul3A_292 : vector<16xf32>
        %mul3A_296 = arith.mulf %mul3A_287, %sub3A_295 : vector<16xf32>
        %mul3A_297 = arith.mulf %get3A_261, %mul3A_296 : vector<16xf32>
        %max3A_298 = arith.constant 9.99999997E-7 : f32
        %max3A_299 = vector.broadcast %max3A_298 : f32 to vector<16xf32>
        %max3A_300 = arith.maximumf %mul3A_297, %max3A_299 : vector<16xf32>
        %sub3A_301 = arith.subf %max3A_84, %max3A_300 : vector<16xf32>
        %mul3A_302 = arith.mulf %sub3A_301, %div3A_132 : vector<16xf32>
        %exp3A_303 = math.exp %mul3A_302 : vector<16xf32>
        %add3A_304 = arith.addf %add3A_250, %exp3A_303 : vector<16xf32>
        %mul3A_305 = arith.mulf %exp3A_303, %max3A_300 : vector<16xf32>
        %add3A_306 = arith.addf %add3A_252, %mul3A_305 : vector<16xf32>
        %mul3A_307 = arith.constant 16 : i32
        %mul3A_308 = arith.muli %scan3A_143, %mul3A_307 : i32
        %add3A_309 = arith.constant 3 : i32
        %add3A_310 = arith.addi %mul3A_308, %add3A_309 : i32
        %mul3A_311 = arith.constant 16 : i32
        %mul3A_312 = arith.muli %add3A_310, %mul3A_311 : i32
        %get3A_313 = arith.index_cast %mul3A_312 : i32 to index
        %get3A_314 = tpu.vector_load %arg5[%get3A_313] {strides = array<i32>} : memref<32768xf32, #tpu.memory_space<vmem>>, vector<16xf32>,
        %get3A_315 = vector.shape_cast %get3A_314 : vector<16xf32> to vector<16xf32>
        %bitcast_convert_type3A_316 = tpu.bitcast %get3A_315 : vector<16xf32> -> vector<16xi32>
        %shift_right_arithmetic3A_317 = arith.constant 1 : i32
        %shift_right_arithmetic3A_318 = vector.broadcast %shift_right_arithmetic3A_317 : i32 to vector<16xi32>
        %shift_right_arithmetic3A_319 = arith.shrsi %bitcast_convert_type3A_316, %shift_right_arithmetic3A_318 : vector<16xi32>
        %sub3A_320 = arith.constant 1597463007 : i32
        %sub3A_321 = vector.broadcast %sub3A_320 : i32 to vector<16xi32>
        %sub3A_322 = arith.subi %sub3A_321, %shift_right_arithmetic3A_319 : vector<16xi32>
        %bitcast_convert_type3A_323 = tpu.bitcast %sub3A_322 : vector<16xi32> -> vector<16xf32>
        %mul3A_324 = arith.constant 5.000000e-01 : f32
        %mul3A_325 = vector.broadcast %mul3A_324 : f32 to vector<16xf32>
        %mul3A_326 = arith.mulf %mul3A_325, %get3A_315 : vector<16xf32>
        %mul3A_327 = arith.mulf %mul3A_326, %bitcast_convert_type3A_323 : vector<16xf32>
        %mul3A_328 = arith.mulf %mul3A_327, %bitcast_convert_type3A_323 : vector<16xf32>
        %sub3A_329 = arith.constant 1.500000e+00 : f32
        %sub3A_330 = vector.broadcast %sub3A_329 : f32 to vector<16xf32>
        %sub3A_331 = arith.subf %sub3A_330, %mul3A_328 : vector<16xf32>
        %mul3A_332 = arith.mulf %bitcast_convert_type3A_323, %sub3A_331 : vector<16xf32>
        %mul3A_333 = arith.constant 5.000000e-01 : f32
        %mul3A_334 = vector.broadcast %mul3A_333 : f32 to vector<16xf32>
        %mul3A_335 = arith.mulf %mul3A_334, %get3A_315 : vector<16xf32>
        %mul3A_336 = arith.mulf %mul3A_335, %mul3A_332 : vector<16xf32>
        %mul3A_337 = arith.mulf %mul3A_336, %mul3A_332 : vector<16xf32>
        %sub3A_338 = arith.constant 1.500000e+00 : f32
        %sub3A_339 = vector.broadcast %sub3A_338 : f32 to vector<16xf32>
        %sub3A_340 = arith.subf %sub3A_339, %mul3A_337 : vector<16xf32>
        %mul3A_341 = arith.mulf %mul3A_332, %sub3A_340 : vector<16xf32>
        %mul3A_342 = arith.constant 5.000000e-01 : f32
        %mul3A_343 = vector.broadcast %mul3A_342 : f32 to vector<16xf32>
        %mul3A_344 = arith.mulf %mul3A_343, %get3A_315 : vector<16xf32>
        %mul3A_345 = arith.mulf %mul3A_344, %mul3A_341 : vector<16xf32>
        %mul3A_346 = arith.mulf %mul3A_345, %mul3A_341 : vector<16xf32>
        %sub3A_347 = arith.constant 1.500000e+00 : f32
        %sub3A_348 = vector.broadcast %sub3A_347 : f32 to vector<16xf32>
        %sub3A_349 = arith.subf %sub3A_348, %mul3A_346 : vector<16xf32>
        %mul3A_350 = arith.mulf %mul3A_341, %sub3A_349 : vector<16xf32>
        %mul3A_351 = arith.mulf %get3A_315, %mul3A_350 : vector<16xf32>
        %max3A_352 = arith.constant 9.99999997E-7 : f32
        %max3A_353 = vector.broadcast %max3A_352 : f32 to vector<16xf32>
        %max3A_354 = arith.maximumf %mul3A_351, %max3A_353 : vector<16xf32>
        %sub3A_355 = arith.subf %max3A_84, %max3A_354 : vector<16xf32>
        %mul3A_356 = arith.mulf %sub3A_355, %div3A_132 : vector<16xf32>
        %exp3A_357 = math.exp %mul3A_356 : vector<16xf32>
        %add3A_358 = arith.addf %add3A_304, %exp3A_357 : vector<16xf32>
        %mul3A_359 = arith.mulf %exp3A_357, %max3A_354 : vector<16xf32>
        %add3A_360 = arith.addf %add3A_306, %mul3A_359 : vector<16xf32>
        %mul3A_361 = arith.constant 16 : i32
        %mul3A_362 = arith.muli %scan3A_143, %mul3A_361 : i32
        %add3A_363 = arith.constant 4 : i32
        %add3A_364 = arith.addi %mul3A_362, %add3A_363 : i32
        %mul3A_365 = arith.constant 16 : i32
        %mul3A_366 = arith.muli %add3A_364, %mul3A_365 : i32
        %get3A_367 = arith.index_cast %mul3A_366 : i32 to index
        %get3A_368 = tpu.vector_load %arg5[%get3A_367] {strides = array<i32>} : memref<32768xf32, #tpu.memory_space<vmem>>, vector<16xf32>,
        %get3A_369 = vector.shape_cast %get3A_368 : vector<16xf32> to vector<16xf32>
        %bitcast_convert_type3A_370 = tpu.bitcast %get3A_369 : vector<16xf32> -> vector<16xi32>
        %shift_right_arithmetic3A_371 = arith.constant 1 : i32
        %shift_right_arithmetic3A_372 = vector.broadcast %shift_right_arithmetic3A_371 : i32 to vector<16xi32>
        %shift_right_arithmetic3A_373 = arith.shrsi %bitcast_convert_type3A_370, %shift_right_arithmetic3A_372 : vector<16xi32>
        %sub3A_374 = arith.constant 1597463007 : i32
        %sub3A_375 = vector.broadcast %sub3A_374 : i32 to vector<16xi32>
        %sub3A_376 = arith.subi %sub3A_375, %shift_right_arithmetic3A_373 : vector<16xi32>
        %bitcast_convert_type3A_377 = tpu.bitcast %sub3A_376 : vector<16xi32> -> vector<16xf32>
        %mul3A_378 = arith.constant 5.000000e-01 : f32
        %mul3A_379 = vector.broadcast %mul3A_378 : f32 to vector<16xf32>
        %mul3A_380 = arith.mulf %mul3A_379, %get3A_369 : vector<16xf32>
        %mul3A_381 = arith.mulf %mul3A_380, %bitcast_convert_type3A_377 : vector<16xf32>
        %mul3A_382 = arith.mulf %mul3A_381, %bitcast_convert_type3A_377 : vector<16xf32>
        %sub3A_383 = arith.constant 1.500000e+00 : f32
        %sub3A_384 = vector.broadcast %sub3A_383 : f32 to vector<16xf32>
        %sub3A_385 = arith.subf %sub3A_384, %mul3A_382 : vector<16xf32>
        %mul3A_386 = arith.mulf %bitcast_convert_type3A_377, %sub3A_385 : vector<16xf32>
        %mul3A_387 = arith.constant 5.000000e-01 : f32
        %mul3A_388 = vector.broadcast %mul3A_387 : f32 to vector<16xf32>
        %mul3A_389 = arith.mulf %mul3A_388, %get3A_369 : vector<16xf32>
        %mul3A_390 = arith.mulf %mul3A_389, %mul3A_386 : vector<16xf32>
        %mul3A_391 = arith.mulf %mul3A_390, %mul3A_386 : vector<16xf32>
        %sub3A_392 = arith.constant 1.500000e+00 : f32
        %sub3A_393 = vector.broadcast %sub3A_392 : f32 to vector<16xf32>
        %sub3A_394 = arith.subf %sub3A_393, %mul3A_391 : vector<16xf32>
        %mul3A_395 = arith.mulf %mul3A_386, %sub3A_394 : vector<16xf32>
        %mul3A_396 = arith.constant 5.000000e-01 : f32
        %mul3A_397 = vector.broadcast %mul3A_396 : f32 to vector<16xf32>
        %mul3A_398 = arith.mulf %mul3A_397, %get3A_369 : vector<16xf32>
        %mul3A_399 = arith.mulf %mul3A_398, %mul3A_395 : vector<16xf32>
        %mul3A_400 = arith.mulf %mul3A_399, %mul3A_395 : vector<16xf32>
        %sub3A_401 = arith.constant 1.500000e+00 : f32
        %sub3A_402 = vector.broadcast %sub3A_401 : f32 to vector<16xf32>
        %sub3A_403 = arith.subf %sub3A_402, %mul3A_400 : vector<16xf32>
        %mul3A_404 = arith.mulf %mul3A_395, %sub3A_403 : vector<16xf32>
        %mul3A_405 = arith.mulf %get3A_369, %mul3A_404 : vector<16xf32>
        %max3A_406 = arith.constant 9.99999997E-7 : f32
        %max3A_407 = vector.broadcast %max3A_406 : f32 to vector<16xf32>
        %max3A_408 = arith.maximumf %mul3A_405, %max3A_407 : vector<16xf32>
        %sub3A_409 = arith.subf %max3A_84, %max3A_408 : vector<16xf32>
        %mul3A_410 = arith.mulf %sub3A_409, %div3A_132 : vector<16xf32>
        %exp3A_411 = math.exp %mul3A_410 : vector<16xf32>
        %add3A_412 = arith.addf %add3A_358, %exp3A_411 : vector<16xf32>
        %mul3A_413 = arith.mulf %exp3A_411, %max3A_408 : vector<16xf32>
        %add3A_414 = arith.addf %add3A_360, %mul3A_413 : vector<16xf32>
        %mul3A_415 = arith.constant 16 : i32
        %mul3A_416 = arith.muli %scan3A_143, %mul3A_415 : i32
        %add3A_417 = arith.constant 5 : i32
        %add3A_418 = arith.addi %mul3A_416, %add3A_417 : i32
        %mul3A_419 = arith.constant 16 : i32
        %mul3A_420 = arith.muli %add3A_418, %mul3A_419 : i32
        %get3A_421 = arith.index_cast %mul3A_420 : i32 to index
        %get3A_422 = tpu.vector_load %arg5[%get3A_421] {strides = array<i32>} : memref<32768xf32, #tpu.memory_space<vmem>>, vector<16xf32>,
        %get3A_423 = vector.shape_cast %get3A_422 : vector<16xf32> to vector<16xf32>
        %bitcast_convert_type3A_424 = tpu.bitcast %get3A_423 : vector<16xf32> -> vector<16xi32>
        %shift_right_arithmetic3A_425 = arith.constant 1 : i32
        %shift_right_arithmetic3A_426 = vector.broadcast %shift_right_arithmetic3A_425 : i32 to vector<16xi32>
        %shift_right_arithmetic3A_427 = arith.shrsi %bitcast_convert_type3A_424, %shift_right_arithmetic3A_426 : vector<16xi32>
        %sub3A_428 = arith.constant 1597463007 : i32
        %sub3A_429 = vector.broadcast %sub3A_428 : i32 to vector<16xi32>
        %sub3A_430 = arith.subi %sub3A_429, %shift_right_arithmetic3A_427 : vector<16xi32>
        %bitcast_convert_type3A_431 = tpu.bitcast %sub3A_430 : vector<16xi32> -> vector<16xf32>
        %mul3A_432 = arith.constant 5.000000e-01 : f32
        %mul3A_433 = vector.broadcast %mul3A_432 : f32 to vector<16xf32>
        %mul3A_434 = arith.mulf %mul3A_433, %get3A_423 : vector<16xf32>
        %mul3A_435 = arith.mulf %mul3A_434, %bitcast_convert_type3A_431 : vector<16xf32>
        %mul3A_436 = arith.mulf %mul3A_435, %bitcast_convert_type3A_431 : vector<16xf32>
        %sub3A_437 = arith.constant 1.500000e+00 : f32
        %sub3A_438 = vector.broadcast %sub3A_437 : f32 to vector<16xf32>
        %sub3A_439 = arith.subf %sub3A_438, %mul3A_436 : vector<16xf32>
        %mul3A_440 = arith.mulf %bitcast_convert_type3A_431, %sub3A_439 : vector<16xf32>
        %mul3A_441 = arith.constant 5.000000e-01 : f32
        %mul3A_442 = vector.broadcast %mul3A_441 : f32 to vector<16xf32>
        %mul3A_443 = arith.mulf %mul3A_442, %get3A_423 : vector<16xf32>
        %mul3A_444 = arith.mulf %mul3A_443, %mul3A_440 : vector<16xf32>
        %mul3A_445 = arith.mulf %mul3A_444, %mul3A_440 : vector<16xf32>
        %sub3A_446 = arith.constant 1.500000e+00 : f32
        %sub3A_447 = vector.broadcast %sub3A_446 : f32 to vector<16xf32>
        %sub3A_448 = arith.subf %sub3A_447, %mul3A_445 : vector<16xf32>
        %mul3A_449 = arith.mulf %mul3A_440, %sub3A_448 : vector<16xf32>
        %mul3A_450 = arith.constant 5.000000e-01 : f32
        %mul3A_451 = vector.broadcast %mul3A_450 : f32 to vector<16xf32>
        %mul3A_452 = arith.mulf %mul3A_451, %get3A_423 : vector<16xf32>
        %mul3A_453 = arith.mulf %mul3A_452, %mul3A_449 : vector<16xf32>
        %mul3A_454 = arith.mulf %mul3A_453, %mul3A_449 : vector<16xf32>
        %sub3A_455 = arith.constant 1.500000e+00 : f32
        %sub3A_456 = vector.broadcast %sub3A_455 : f32 to vector<16xf32>
        %sub3A_457 = arith.subf %sub3A_456, %mul3A_454 : vector<16xf32>
        %mul3A_458 = arith.mulf %mul3A_449, %sub3A_457 : vector<16xf32>
        %mul3A_459 = arith.mulf %get3A_423, %mul3A_458 : vector<16xf32>
        %max3A_460 = arith.constant 9.99999997E-7 : f32
        %max3A_461 = vector.broadcast %max3A_460 : f32 to vector<16xf32>
        %max3A_462 = arith.maximumf %mul3A_459, %max3A_461 : vector<16xf32>
        %sub3A_463 = arith.subf %max3A_84, %max3A_462 : vector<16xf32>
        %mul3A_464 = arith.mulf %sub3A_463, %div3A_132 : vector<16xf32>
        %exp3A_465 = math.exp %mul3A_464 : vector<16xf32>
        %add3A_466 = arith.addf %add3A_412, %exp3A_465 : vector<16xf32>
        %mul3A_467 = arith.mulf %exp3A_465, %max3A_462 : vector<16xf32>
        %add3A_468 = arith.addf %add3A_414, %mul3A_467 : vector<16xf32>
        %mul3A_469 = arith.constant 16 : i32
        %mul3A_470 = arith.muli %scan3A_143, %mul3A_469 : i32
        %add3A_471 = arith.constant 6 : i32
        %add3A_472 = arith.addi %mul3A_470, %add3A_471 : i32
        %mul3A_473 = arith.constant 16 : i32
        %mul3A_474 = arith.muli %add3A_472, %mul3A_473 : i32
        %get3A_475 = arith.index_cast %mul3A_474 : i32 to index
        %get3A_476 = tpu.vector_load %arg5[%get3A_475] {strides = array<i32>} : memref<32768xf32, #tpu.memory_space<vmem>>, vector<16xf32>,
        %get3A_477 = vector.shape_cast %get3A_476 : vector<16xf32> to vector<16xf32>
        %bitcast_convert_type3A_478 = tpu.bitcast %get3A_477 : vector<16xf32> -> vector<16xi32>
        %shift_right_arithmetic3A_479 = arith.constant 1 : i32
        %shift_right_arithmetic3A_480 = vector.broadcast %shift_right_arithmetic3A_479 : i32 to vector<16xi32>
        %shift_right_arithmetic3A_481 = arith.shrsi %bitcast_convert_type3A_478, %shift_right_arithmetic3A_480 : vector<16xi32>
        %sub3A_482 = arith.constant 1597463007 : i32
        %sub3A_483 = vector.broadcast %sub3A_482 : i32 to vector<16xi32>
        %sub3A_484 = arith.subi %sub3A_483, %shift_right_arithmetic3A_481 : vector<16xi32>
        %bitcast_convert_type3A_485 = tpu.bitcast %sub3A_484 : vector<16xi32> -> vector<16xf32>
        %mul3A_486 = arith.constant 5.000000e-01 : f32
        %mul3A_487 = vector.broadcast %mul3A_486 : f32 to vector<16xf32>
        %mul3A_488 = arith.mulf %mul3A_487, %get3A_477 : vector<16xf32>
        %mul3A_489 = arith.mulf %mul3A_488, %bitcast_convert_type3A_485 : vector<16xf32>
        %mul3A_490 = arith.mulf %mul3A_489, %bitcast_convert_type3A_485 : vector<16xf32>
        %sub3A_491 = arith.constant 1.500000e+00 : f32
        %sub3A_492 = vector.broadcast %sub3A_491 : f32 to vector<16xf32>
        %sub3A_493 = arith.subf %sub3A_492, %mul3A_490 : vector<16xf32>
        %mul3A_494 = arith.mulf %bitcast_convert_type3A_485, %sub3A_493 : vector<16xf32>
        %mul3A_495 = arith.constant 5.000000e-01 : f32
        %mul3A_496 = vector.broadcast %mul3A_495 : f32 to vector<16xf32>
        %mul3A_497 = arith.mulf %mul3A_496, %get3A_477 : vector<16xf32>
        %mul3A_498 = arith.mulf %mul3A_497, %mul3A_494 : vector<16xf32>
        %mul3A_499 = arith.mulf %mul3A_498, %mul3A_494 : vector<16xf32>
        %sub3A_500 = arith.constant 1.500000e+00 : f32
        %sub3A_501 = vector.broadcast %sub3A_500 : f32 to vector<16xf32>
        %sub3A_502 = arith.subf %sub3A_501, %mul3A_499 : vector<16xf32>
        %mul3A_503 = arith.mulf %mul3A_494, %sub3A_502 : vector<16xf32>
        %mul3A_504 = arith.constant 5.000000e-01 : f32
        %mul3A_505 = vector.broadcast %mul3A_504 : f32 to vector<16xf32>
        %mul3A_506 = arith.mulf %mul3A_505, %get3A_477 : vector<16xf32>
        %mul3A_507 = arith.mulf %mul3A_506, %mul3A_503 : vector<16xf32>
        %mul3A_508 = arith.mulf %mul3A_507, %mul3A_503 : vector<16xf32>
        %sub3A_509 = arith.constant 1.500000e+00 : f32
        %sub3A_510 = vector.broadcast %sub3A_509 : f32 to vector<16xf32>
        %sub3A_511 = arith.subf %sub3A_510, %mul3A_508 : vector<16xf32>
        %mul3A_512 = arith.mulf %mul3A_503, %sub3A_511 : vector<16xf32>
        %mul3A_513 = arith.mulf %get3A_477, %mul3A_512 : vector<16xf32>
        %max3A_514 = arith.constant 9.99999997E-7 : f32
        %max3A_515 = vector.broadcast %max3A_514 : f32 to vector<16xf32>
        %max3A_516 = arith.maximumf %mul3A_513, %max3A_515 : vector<16xf32>
        %sub3A_517 = arith.subf %max3A_84, %max3A_516 : vector<16xf32>
        %mul3A_518 = arith.mulf %sub3A_517, %div3A_132 : vector<16xf32>
        %exp3A_519 = math.exp %mul3A_518 : vector<16xf32>
        %add3A_520 = arith.addf %add3A_466, %exp3A_519 : vector<16xf32>
        %mul3A_521 = arith.mulf %exp3A_519, %max3A_516 : vector<16xf32>
        %add3A_522 = arith.addf %add3A_468, %mul3A_521 : vector<16xf32>
        %mul3A_523 = arith.constant 16 : i32
        %mul3A_524 = arith.muli %scan3A_143, %mul3A_523 : i32
        %add3A_525 = arith.constant 7 : i32
        %add3A_526 = arith.addi %mul3A_524, %add3A_525 : i32
        %mul3A_527 = arith.constant 16 : i32
        %mul3A_528 = arith.muli %add3A_526, %mul3A_527 : i32
        %get3A_529 = arith.index_cast %mul3A_528 : i32 to index
        %get3A_530 = tpu.vector_load %arg5[%get3A_529] {strides = array<i32>} : memref<32768xf32, #tpu.memory_space<vmem>>, vector<16xf32>,
        %get3A_531 = vector.shape_cast %get3A_530 : vector<16xf32> to vector<16xf32>
        %bitcast_convert_type3A_532 = tpu.bitcast %get3A_531 : vector<16xf32> -> vector<16xi32>
        %shift_right_arithmetic3A_533 = arith.constant 1 : i32
        %shift_right_arithmetic3A_534 = vector.broadcast %shift_right_arithmetic3A_533 : i32 to vector<16xi32>
        %shift_right_arithmetic3A_535 = arith.shrsi %bitcast_convert_type3A_532, %shift_right_arithmetic3A_534 : vector<16xi32>
        %sub3A_536 = arith.constant 1597463007 : i32
        %sub3A_537 = vector.broadcast %sub3A_536 : i32 to vector<16xi32>
        %sub3A_538 = arith.subi %sub3A_537, %shift_right_arithmetic3A_535 : vector<16xi32>
        %bitcast_convert_type3A_539 = tpu.bitcast %sub3A_538 : vector<16xi32> -> vector<16xf32>
        %mul3A_540 = arith.constant 5.000000e-01 : f32
        %mul3A_541 = vector.broadcast %mul3A_540 : f32 to vector<16xf32>
        %mul3A_542 = arith.mulf %mul3A_541, %get3A_531 : vector<16xf32>
        %mul3A_543 = arith.mulf %mul3A_542, %bitcast_convert_type3A_539 : vector<16xf32>
        %mul3A_544 = arith.mulf %mul3A_543, %bitcast_convert_type3A_539 : vector<16xf32>
        %sub3A_545 = arith.constant 1.500000e+00 : f32
        %sub3A_546 = vector.broadcast %sub3A_545 : f32 to vector<16xf32>
        %sub3A_547 = arith.subf %sub3A_546, %mul3A_544 : vector<16xf32>
        %mul3A_548 = arith.mulf %bitcast_convert_type3A_539, %sub3A_547 : vector<16xf32>
        %mul3A_549 = arith.constant 5.000000e-01 : f32
        %mul3A_550 = vector.broadcast %mul3A_549 : f32 to vector<16xf32>
        %mul3A_551 = arith.mulf %mul3A_550, %get3A_531 : vector<16xf32>
        %mul3A_552 = arith.mulf %mul3A_551, %mul3A_548 : vector<16xf32>
        %mul3A_553 = arith.mulf %mul3A_552, %mul3A_548 : vector<16xf32>
        %sub3A_554 = arith.constant 1.500000e+00 : f32
        %sub3A_555 = vector.broadcast %sub3A_554 : f32 to vector<16xf32>
        %sub3A_556 = arith.subf %sub3A_555, %mul3A_553 : vector<16xf32>
        %mul3A_557 = arith.mulf %mul3A_548, %sub3A_556 : vector<16xf32>
        %mul3A_558 = arith.constant 5.000000e-01 : f32
        %mul3A_559 = vector.broadcast %mul3A_558 : f32 to vector<16xf32>
        %mul3A_560 = arith.mulf %mul3A_559, %get3A_531 : vector<16xf32>
        %mul3A_561 = arith.mulf %mul3A_560, %mul3A_557 : vector<16xf32>
        %mul3A_562 = arith.mulf %mul3A_561, %mul3A_557 : vector<16xf32>
        %sub3A_563 = arith.constant 1.500000e+00 : f32
        %sub3A_564 = vector.broadcast %sub3A_563 : f32 to vector<16xf32>
        %sub3A_565 = arith.subf %sub3A_564, %mul3A_562 : vector<16xf32>
        %mul3A_566 = arith.mulf %mul3A_557, %sub3A_565 : vector<16xf32>
        %mul3A_567 = arith.mulf %get3A_531, %mul3A_566 : vector<16xf32>
        %max3A_568 = arith.constant 9.99999997E-7 : f32
        %max3A_569 = vector.broadcast %max3A_568 : f32 to vector<16xf32>
        %max3A_570 = arith.maximumf %mul3A_567, %max3A_569 : vector<16xf32>
        %sub3A_571 = arith.subf %max3A_84, %max3A_570 : vector<16xf32>
        %mul3A_572 = arith.mulf %sub3A_571, %div3A_132 : vector<16xf32>
        %exp3A_573 = math.exp %mul3A_572 : vector<16xf32>
        %add3A_574 = arith.addf %add3A_520, %exp3A_573 : vector<16xf32>
        %mul3A_575 = arith.mulf %exp3A_573, %max3A_570 : vector<16xf32>
        %add3A_576 = arith.addf %add3A_522, %mul3A_575 : vector<16xf32>
        %mul3A_577 = arith.constant 16 : i32
        %mul3A_578 = arith.muli %scan3A_143, %mul3A_577 : i32
        %add3A_579 = arith.constant 8 : i32
        %add3A_580 = arith.addi %mul3A_578, %add3A_579 : i32
        %mul3A_581 = arith.constant 16 : i32
        %mul3A_582 = arith.muli %add3A_580, %mul3A_581 : i32
        %get3A_583 = arith.index_cast %mul3A_582 : i32 to index
        %get3A_584 = tpu.vector_load %arg5[%get3A_583] {strides = array<i32>} : memref<32768xf32, #tpu.memory_space<vmem>>, vector<16xf32>,
        %get3A_585 = vector.shape_cast %get3A_584 : vector<16xf32> to vector<16xf32>
        %bitcast_convert_type3A_586 = tpu.bitcast %get3A_585 : vector<16xf32> -> vector<16xi32>
        %shift_right_arithmetic3A_587 = arith.constant 1 : i32
        %shift_right_arithmetic3A_588 = vector.broadcast %shift_right_arithmetic3A_587 : i32 to vector<16xi32>
        %shift_right_arithmetic3A_589 = arith.shrsi %bitcast_convert_type3A_586, %shift_right_arithmetic3A_588 : vector<16xi32>
        %sub3A_590 = arith.constant 1597463007 : i32
        %sub3A_591 = vector.broadcast %sub3A_590 : i32 to vector<16xi32>
        %sub3A_592 = arith.subi %sub3A_591, %shift_right_arithmetic3A_589 : vector<16xi32>
        %bitcast_convert_type3A_593 = tpu.bitcast %sub3A_592 : vector<16xi32> -> vector<16xf32>
        %mul3A_594 = arith.constant 5.000000e-01 : f32
        %mul3A_595 = vector.broadcast %mul3A_594 : f32 to vector<16xf32>
        %mul3A_596 = arith.mulf %mul3A_595, %get3A_585 : vector<16xf32>
        %mul3A_597 = arith.mulf %mul3A_596, %bitcast_convert_type3A_593 : vector<16xf32>
        %mul3A_598 = arith.mulf %mul3A_597, %bitcast_convert_type3A_593 : vector<16xf32>
        %sub3A_599 = arith.constant 1.500000e+00 : f32
        %sub3A_600 = vector.broadcast %sub3A_599 : f32 to vector<16xf32>
        %sub3A_601 = arith.subf %sub3A_600, %mul3A_598 : vector<16xf32>
        %mul3A_602 = arith.mulf %bitcast_convert_type3A_593, %sub3A_601 : vector<16xf32>
        %mul3A_603 = arith.constant 5.000000e-01 : f32
        %mul3A_604 = vector.broadcast %mul3A_603 : f32 to vector<16xf32>
        %mul3A_605 = arith.mulf %mul3A_604, %get3A_585 : vector<16xf32>
        %mul3A_606 = arith.mulf %mul3A_605, %mul3A_602 : vector<16xf32>
        %mul3A_607 = arith.mulf %mul3A_606, %mul3A_602 : vector<16xf32>
        %sub3A_608 = arith.constant 1.500000e+00 : f32
        %sub3A_609 = vector.broadcast %sub3A_608 : f32 to vector<16xf32>
        %sub3A_610 = arith.subf %sub3A_609, %mul3A_607 : vector<16xf32>
        %mul3A_611 = arith.mulf %mul3A_602, %sub3A_610 : vector<16xf32>
        %mul3A_612 = arith.constant 5.000000e-01 : f32
        %mul3A_613 = vector.broadcast %mul3A_612 : f32 to vector<16xf32>
        %mul3A_614 = arith.mulf %mul3A_613, %get3A_585 : vector<16xf32>
        %mul3A_615 = arith.mulf %mul3A_614, %mul3A_611 : vector<16xf32>
        %mul3A_616 = arith.mulf %mul3A_615, %mul3A_611 : vector<16xf32>
        %sub3A_617 = arith.constant 1.500000e+00 : f32
        %sub3A_618 = vector.broadcast %sub3A_617 : f32 to vector<16xf32>
        %sub3A_619 = arith.subf %sub3A_618, %mul3A_616 : vector<16xf32>
        %mul3A_620 = arith.mulf %mul3A_611, %sub3A_619 : vector<16xf32>
        %mul3A_621 = arith.mulf %get3A_585, %mul3A_620 : vector<16xf32>
        %max3A_622 = arith.constant 9.99999997E-7 : f32
        %max3A_623 = vector.broadcast %max3A_622 : f32 to vector<16xf32>
        %max3A_624 = arith.maximumf %mul3A_621, %max3A_623 : vector<16xf32>
        %sub3A_625 = arith.subf %max3A_84, %max3A_624 : vector<16xf32>
        %mul3A_626 = arith.mulf %sub3A_625, %div3A_132 : vector<16xf32>
        %exp3A_627 = math.exp %mul3A_626 : vector<16xf32>
        %add3A_628 = arith.addf %add3A_574, %exp3A_627 : vector<16xf32>
        %mul3A_629 = arith.mulf %exp3A_627, %max3A_624 : vector<16xf32>
        %add3A_630 = arith.addf %add3A_576, %mul3A_629 : vector<16xf32>
        %mul3A_631 = arith.constant 16 : i32
        %mul3A_632 = arith.muli %scan3A_143, %mul3A_631 : i32
        %add3A_633 = arith.constant 9 : i32
        %add3A_634 = arith.addi %mul3A_632, %add3A_633 : i32
        %mul3A_635 = arith.constant 16 : i32
        %mul3A_636 = arith.muli %add3A_634, %mul3A_635 : i32
        %get3A_637 = arith.index_cast %mul3A_636 : i32 to index
        %get3A_638 = tpu.vector_load %arg5[%get3A_637] {strides = array<i32>} : memref<32768xf32, #tpu.memory_space<vmem>>, vector<16xf32>,
        %get3A_639 = vector.shape_cast %get3A_638 : vector<16xf32> to vector<16xf32>
        %bitcast_convert_type3A_640 = tpu.bitcast %get3A_639 : vector<16xf32> -> vector<16xi32>
        %shift_right_arithmetic3A_641 = arith.constant 1 : i32
        %shift_right_arithmetic3A_642 = vector.broadcast %shift_right_arithmetic3A_641 : i32 to vector<16xi32>
        %shift_right_arithmetic3A_643 = arith.shrsi %bitcast_convert_type3A_640, %shift_right_arithmetic3A_642 : vector<16xi32>
        %sub3A_644 = arith.constant 1597463007 : i32
        %sub3A_645 = vector.broadcast %sub3A_644 : i32 to vector<16xi32>
        %sub3A_646 = arith.subi %sub3A_645, %shift_right_arithmetic3A_643 : vector<16xi32>
        %bitcast_convert_type3A_647 = tpu.bitcast %sub3A_646 : vector<16xi32> -> vector<16xf32>
        %mul3A_648 = arith.constant 5.000000e-01 : f32
        %mul3A_649 = vector.broadcast %mul3A_648 : f32 to vector<16xf32>
        %mul3A_650 = arith.mulf %mul3A_649, %get3A_639 : vector<16xf32>
        %mul3A_651 = arith.mulf %mul3A_650, %bitcast_convert_type3A_647 : vector<16xf32>
        %mul3A_652 = arith.mulf %mul3A_651, %bitcast_convert_type3A_647 : vector<16xf32>
        %sub3A_653 = arith.constant 1.500000e+00 : f32
        %sub3A_654 = vector.broadcast %sub3A_653 : f32 to vector<16xf32>
        %sub3A_655 = arith.subf %sub3A_654, %mul3A_652 : vector<16xf32>
        %mul3A_656 = arith.mulf %bitcast_convert_type3A_647, %sub3A_655 : vector<16xf32>
        %mul3A_657 = arith.constant 5.000000e-01 : f32
        %mul3A_658 = vector.broadcast %mul3A_657 : f32 to vector<16xf32>
        %mul3A_659 = arith.mulf %mul3A_658, %get3A_639 : vector<16xf32>
        %mul3A_660 = arith.mulf %mul3A_659, %mul3A_656 : vector<16xf32>
        %mul3A_661 = arith.mulf %mul3A_660, %mul3A_656 : vector<16xf32>
        %sub3A_662 = arith.constant 1.500000e+00 : f32
        %sub3A_663 = vector.broadcast %sub3A_662 : f32 to vector<16xf32>
        %sub3A_664 = arith.subf %sub3A_663, %mul3A_661 : vector<16xf32>
        %mul3A_665 = arith.mulf %mul3A_656, %sub3A_664 : vector<16xf32>
        %mul3A_666 = arith.constant 5.000000e-01 : f32
        %mul3A_667 = vector.broadcast %mul3A_666 : f32 to vector<16xf32>
        %mul3A_668 = arith.mulf %mul3A_667, %get3A_639 : vector<16xf32>
        %mul3A_669 = arith.mulf %mul3A_668, %mul3A_665 : vector<16xf32>
        %mul3A_670 = arith.mulf %mul3A_669, %mul3A_665 : vector<16xf32>
        %sub3A_671 = arith.constant 1.500000e+00 : f32
        %sub3A_672 = vector.broadcast %sub3A_671 : f32 to vector<16xf32>
        %sub3A_673 = arith.subf %sub3A_672, %mul3A_670 : vector<16xf32>
        %mul3A_674 = arith.mulf %mul3A_665, %sub3A_673 : vector<16xf32>
        %mul3A_675 = arith.mulf %get3A_639, %mul3A_674 : vector<16xf32>
        %max3A_676 = arith.constant 9.99999997E-7 : f32
        %max3A_677 = vector.broadcast %max3A_676 : f32 to vector<16xf32>
        %max3A_678 = arith.maximumf %mul3A_675, %max3A_677 : vector<16xf32>
        %sub3A_679 = arith.subf %max3A_84, %max3A_678 : vector<16xf32>
        %mul3A_680 = arith.mulf %sub3A_679, %div3A_132 : vector<16xf32>
        %exp3A_681 = math.exp %mul3A_680 : vector<16xf32>
        %add3A_682 = arith.addf %add3A_628, %exp3A_681 : vector<16xf32>
        %mul3A_683 = arith.mulf %exp3A_681, %max3A_678 : vector<16xf32>
        %add3A_684 = arith.addf %add3A_630, %mul3A_683 : vector<16xf32>
        %mul3A_685 = arith.constant 16 : i32
        %mul3A_686 = arith.muli %scan3A_143, %mul3A_685 : i32
        %add3A_687 = arith.constant 10 : i32
        %add3A_688 = arith.addi %mul3A_686, %add3A_687 : i32
        %mul3A_689 = arith.constant 16 : i32
        %mul3A_690 = arith.muli %add3A_688, %mul3A_689 : i32
        %get3A_691 = arith.index_cast %mul3A_690 : i32 to index
        %get3A_692 = tpu.vector_load %arg5[%get3A_691] {strides = array<i32>} : memref<32768xf32, #tpu.memory_space<vmem>>, vector<16xf32>,
        %get3A_693 = vector.shape_cast %get3A_692 : vector<16xf32> to vector<16xf32>
        %bitcast_convert_type3A_694 = tpu.bitcast %get3A_693 : vector<16xf32> -> vector<16xi32>
        %shift_right_arithmetic3A_695 = arith.constant 1 : i32
        %shift_right_arithmetic3A_696 = vector.broadcast %shift_right_arithmetic3A_695 : i32 to vector<16xi32>
        %shift_right_arithmetic3A_697 = arith.shrsi %bitcast_convert_type3A_694, %shift_right_arithmetic3A_696 : vector<16xi32>
        %sub3A_698 = arith.constant 1597463007 : i32
        %sub3A_699 = vector.broadcast %sub3A_698 : i32 to vector<16xi32>
        %sub3A_700 = arith.subi %sub3A_699, %shift_right_arithmetic3A_697 : vector<16xi32>
        %bitcast_convert_type3A_701 = tpu.bitcast %sub3A_700 : vector<16xi32> -> vector<16xf32>
        %mul3A_702 = arith.constant 5.000000e-01 : f32
        %mul3A_703 = vector.broadcast %mul3A_702 : f32 to vector<16xf32>
        %mul3A_704 = arith.mulf %mul3A_703, %get3A_693 : vector<16xf32>
        %mul3A_705 = arith.mulf %mul3A_704, %bitcast_convert_type3A_701 : vector<16xf32>
        %mul3A_706 = arith.mulf %mul3A_705, %bitcast_convert_type3A_701 : vector<16xf32>
        %sub3A_707 = arith.constant 1.500000e+00 : f32
        %sub3A_708 = vector.broadcast %sub3A_707 : f32 to vector<16xf32>
        %sub3A_709 = arith.subf %sub3A_708, %mul3A_706 : vector<16xf32>
        %mul3A_710 = arith.mulf %bitcast_convert_type3A_701, %sub3A_709 : vector<16xf32>
        %mul3A_711 = arith.constant 5.000000e-01 : f32
        %mul3A_712 = vector.broadcast %mul3A_711 : f32 to vector<16xf32>
        %mul3A_713 = arith.mulf %mul3A_712, %get3A_693 : vector<16xf32>
        %mul3A_714 = arith.mulf %mul3A_713, %mul3A_710 : vector<16xf32>
        %mul3A_715 = arith.mulf %mul3A_714, %mul3A_710 : vector<16xf32>
        %sub3A_716 = arith.constant 1.500000e+00 : f32
        %sub3A_717 = vector.broadcast %sub3A_716 : f32 to vector<16xf32>
        %sub3A_718 = arith.subf %sub3A_717, %mul3A_715 : vector<16xf32>
        %mul3A_719 = arith.mulf %mul3A_710, %sub3A_718 : vector<16xf32>
        %mul3A_720 = arith.constant 5.000000e-01 : f32
        %mul3A_721 = vector.broadcast %mul3A_720 : f32 to vector<16xf32>
        %mul3A_722 = arith.mulf %mul3A_721, %get3A_693 : vector<16xf32>
        %mul3A_723 = arith.mulf %mul3A_722, %mul3A_719 : vector<16xf32>
        %mul3A_724 = arith.mulf %mul3A_723, %mul3A_719 : vector<16xf32>
        %sub3A_725 = arith.constant 1.500000e+00 : f32
        %sub3A_726 = vector.broadcast %sub3A_725 : f32 to vector<16xf32>
        %sub3A_727 = arith.subf %sub3A_726, %mul3A_724 : vector<16xf32>
        %mul3A_728 = arith.mulf %mul3A_719, %sub3A_727 : vector<16xf32>
        %mul3A_729 = arith.mulf %get3A_693, %mul3A_728 : vector<16xf32>
        %max3A_730 = arith.constant 9.99999997E-7 : f32
        %max3A_731 = vector.broadcast %max3A_730 : f32 to vector<16xf32>
        %max3A_732 = arith.maximumf %mul3A_729, %max3A_731 : vector<16xf32>
        %sub3A_733 = arith.subf %max3A_84, %max3A_732 : vector<16xf32>
        %mul3A_734 = arith.mulf %sub3A_733, %div3A_132 : vector<16xf32>
        %exp3A_735 = math.exp %mul3A_734 : vector<16xf32>
        %add3A_736 = arith.addf %add3A_682, %exp3A_735 : vector<16xf32>
        %mul3A_737 = arith.mulf %exp3A_735, %max3A_732 : vector<16xf32>
        %add3A_738 = arith.addf %add3A_684, %mul3A_737 : vector<16xf32>
        %mul3A_739 = arith.constant 16 : i32
        %mul3A_740 = arith.muli %scan3A_143, %mul3A_739 : i32
        %add3A_741 = arith.constant 11 : i32
        %add3A_742 = arith.addi %mul3A_740, %add3A_741 : i32
        %mul3A_743 = arith.constant 16 : i32
        %mul3A_744 = arith.muli %add3A_742, %mul3A_743 : i32
        %get3A_745 = arith.index_cast %mul3A_744 : i32 to index
        %get3A_746 = tpu.vector_load %arg5[%get3A_745] {strides = array<i32>} : memref<32768xf32, #tpu.memory_space<vmem>>, vector<16xf32>,
        %get3A_747 = vector.shape_cast %get3A_746 : vector<16xf32> to vector<16xf32>
        %bitcast_convert_type3A_748 = tpu.bitcast %get3A_747 : vector<16xf32> -> vector<16xi32>
        %shift_right_arithmetic3A_749 = arith.constant 1 : i32
        %shift_right_arithmetic3A_750 = vector.broadcast %shift_right_arithmetic3A_749 : i32 to vector<16xi32>
        %shift_right_arithmetic3A_751 = arith.shrsi %bitcast_convert_type3A_748, %shift_right_arithmetic3A_750 : vector<16xi32>
        %sub3A_752 = arith.constant 1597463007 : i32
        %sub3A_753 = vector.broadcast %sub3A_752 : i32 to vector<16xi32>
        %sub3A_754 = arith.subi %sub3A_753, %shift_right_arithmetic3A_751 : vector<16xi32>
        %bitcast_convert_type3A_755 = tpu.bitcast %sub3A_754 : vector<16xi32> -> vector<16xf32>
        %mul3A_756 = arith.constant 5.000000e-01 : f32
        %mul3A_757 = vector.broadcast %mul3A_756 : f32 to vector<16xf32>
        %mul3A_758 = arith.mulf %mul3A_757, %get3A_747 : vector<16xf32>
        %mul3A_759 = arith.mulf %mul3A_758, %bitcast_convert_type3A_755 : vector<16xf32>
        %mul3A_760 = arith.mulf %mul3A_759, %bitcast_convert_type3A_755 : vector<16xf32>
        %sub3A_761 = arith.constant 1.500000e+00 : f32
        %sub3A_762 = vector.broadcast %sub3A_761 : f32 to vector<16xf32>
        %sub3A_763 = arith.subf %sub3A_762, %mul3A_760 : vector<16xf32>
        %mul3A_764 = arith.mulf %bitcast_convert_type3A_755, %sub3A_763 : vector<16xf32>
        %mul3A_765 = arith.constant 5.000000e-01 : f32
        %mul3A_766 = vector.broadcast %mul3A_765 : f32 to vector<16xf32>
        %mul3A_767 = arith.mulf %mul3A_766, %get3A_747 : vector<16xf32>
        %mul3A_768 = arith.mulf %mul3A_767, %mul3A_764 : vector<16xf32>
        %mul3A_769 = arith.mulf %mul3A_768, %mul3A_764 : vector<16xf32>
        %sub3A_770 = arith.constant 1.500000e+00 : f32
        %sub3A_771 = vector.broadcast %sub3A_770 : f32 to vector<16xf32>
        %sub3A_772 = arith.subf %sub3A_771, %mul3A_769 : vector<16xf32>
        %mul3A_773 = arith.mulf %mul3A_764, %sub3A_772 : vector<16xf32>
        %mul3A_774 = arith.constant 5.000000e-01 : f32
        %mul3A_775 = vector.broadcast %mul3A_774 : f32 to vector<16xf32>
        %mul3A_776 = arith.mulf %mul3A_775, %get3A_747 : vector<16xf32>
        %mul3A_777 = arith.mulf %mul3A_776, %mul3A_773 : vector<16xf32>
        %mul3A_778 = arith.mulf %mul3A_777, %mul3A_773 : vector<16xf32>
        %sub3A_779 = arith.constant 1.500000e+00 : f32
        %sub3A_780 = vector.broadcast %sub3A_779 : f32 to vector<16xf32>
        %sub3A_781 = arith.subf %sub3A_780, %mul3A_778 : vector<16xf32>
        %mul3A_782 = arith.mulf %mul3A_773, %sub3A_781 : vector<16xf32>
        %mul3A_783 = arith.mulf %get3A_747, %mul3A_782 : vector<16xf32>
        %max3A_784 = arith.constant 9.99999997E-7 : f32
        %max3A_785 = vector.broadcast %max3A_784 : f32 to vector<16xf32>
        %max3A_786 = arith.maximumf %mul3A_783, %max3A_785 : vector<16xf32>
        %sub3A_787 = arith.subf %max3A_84, %max3A_786 : vector<16xf32>
        %mul3A_788 = arith.mulf %sub3A_787, %div3A_132 : vector<16xf32>
        %exp3A_789 = math.exp %mul3A_788 : vector<16xf32>
        %add3A_790 = arith.addf %add3A_736, %exp3A_789 : vector<16xf32>
        %mul3A_791 = arith.mulf %exp3A_789, %max3A_786 : vector<16xf32>
        %add3A_792 = arith.addf %add3A_738, %mul3A_791 : vector<16xf32>
        %mul3A_793 = arith.constant 16 : i32
        %mul3A_794 = arith.muli %scan3A_143, %mul3A_793 : i32
        %add3A_795 = arith.constant 12 : i32
        %add3A_796 = arith.addi %mul3A_794, %add3A_795 : i32
        %mul3A_797 = arith.constant 16 : i32
        %mul3A_798 = arith.muli %add3A_796, %mul3A_797 : i32
        %get3A_799 = arith.index_cast %mul3A_798 : i32 to index
        %get3A_800 = tpu.vector_load %arg5[%get3A_799] {strides = array<i32>} : memref<32768xf32, #tpu.memory_space<vmem>>, vector<16xf32>,
        %get3A_801 = vector.shape_cast %get3A_800 : vector<16xf32> to vector<16xf32>
        %bitcast_convert_type3A_802 = tpu.bitcast %get3A_801 : vector<16xf32> -> vector<16xi32>
        %shift_right_arithmetic3A_803 = arith.constant 1 : i32
        %shift_right_arithmetic3A_804 = vector.broadcast %shift_right_arithmetic3A_803 : i32 to vector<16xi32>
        %shift_right_arithmetic3A_805 = arith.shrsi %bitcast_convert_type3A_802, %shift_right_arithmetic3A_804 : vector<16xi32>
        %sub3A_806 = arith.constant 1597463007 : i32
        %sub3A_807 = vector.broadcast %sub3A_806 : i32 to vector<16xi32>
        %sub3A_808 = arith.subi %sub3A_807, %shift_right_arithmetic3A_805 : vector<16xi32>
        %bitcast_convert_type3A_809 = tpu.bitcast %sub3A_808 : vector<16xi32> -> vector<16xf32>
        %mul3A_810 = arith.constant 5.000000e-01 : f32
        %mul3A_811 = vector.broadcast %mul3A_810 : f32 to vector<16xf32>
        %mul3A_812 = arith.mulf %mul3A_811, %get3A_801 : vector<16xf32>
        %mul3A_813 = arith.mulf %mul3A_812, %bitcast_convert_type3A_809 : vector<16xf32>
        %mul3A_814 = arith.mulf %mul3A_813, %bitcast_convert_type3A_809 : vector<16xf32>
        %sub3A_815 = arith.constant 1.500000e+00 : f32
        %sub3A_816 = vector.broadcast %sub3A_815 : f32 to vector<16xf32>
        %sub3A_817 = arith.subf %sub3A_816, %mul3A_814 : vector<16xf32>
        %mul3A_818 = arith.mulf %bitcast_convert_type3A_809, %sub3A_817 : vector<16xf32>
        %mul3A_819 = arith.constant 5.000000e-01 : f32
        %mul3A_820 = vector.broadcast %mul3A_819 : f32 to vector<16xf32>
        %mul3A_821 = arith.mulf %mul3A_820, %get3A_801 : vector<16xf32>
        %mul3A_822 = arith.mulf %mul3A_821, %mul3A_818 : vector<16xf32>
        %mul3A_823 = arith.mulf %mul3A_822, %mul3A_818 : vector<16xf32>
        %sub3A_824 = arith.constant 1.500000e+00 : f32
        %sub3A_825 = vector.broadcast %sub3A_824 : f32 to vector<16xf32>
        %sub3A_826 = arith.subf %sub3A_825, %mul3A_823 : vector<16xf32>
        %mul3A_827 = arith.mulf %mul3A_818, %sub3A_826 : vector<16xf32>
        %mul3A_828 = arith.constant 5.000000e-01 : f32
        %mul3A_829 = vector.broadcast %mul3A_828 : f32 to vector<16xf32>
        %mul3A_830 = arith.mulf %mul3A_829, %get3A_801 : vector<16xf32>
        %mul3A_831 = arith.mulf %mul3A_830, %mul3A_827 : vector<16xf32>
        %mul3A_832 = arith.mulf %mul3A_831, %mul3A_827 : vector<16xf32>
        %sub3A_833 = arith.constant 1.500000e+00 : f32
        %sub3A_834 = vector.broadcast %sub3A_833 : f32 to vector<16xf32>
        %sub3A_835 = arith.subf %sub3A_834, %mul3A_832 : vector<16xf32>
        %mul3A_836 = arith.mulf %mul3A_827, %sub3A_835 : vector<16xf32>
        %mul3A_837 = arith.mulf %get3A_801, %mul3A_836 : vector<16xf32>
        %max3A_838 = arith.constant 9.99999997E-7 : f32
        %max3A_839 = vector.broadcast %max3A_838 : f32 to vector<16xf32>
        %max3A_840 = arith.maximumf %mul3A_837, %max3A_839 : vector<16xf32>
        %sub3A_841 = arith.subf %max3A_84, %max3A_840 : vector<16xf32>
        %mul3A_842 = arith.mulf %sub3A_841, %div3A_132 : vector<16xf32>
        %exp3A_843 = math.exp %mul3A_842 : vector<16xf32>
        %add3A_844 = arith.addf %add3A_790, %exp3A_843 : vector<16xf32>
        %mul3A_845 = arith.mulf %exp3A_843, %max3A_840 : vector<16xf32>
        %add3A_846 = arith.addf %add3A_792, %mul3A_845 : vector<16xf32>
        %mul3A_847 = arith.constant 16 : i32
        %mul3A_848 = arith.muli %scan3A_143, %mul3A_847 : i32
        %add3A_849 = arith.constant 13 : i32
        %add3A_850 = arith.addi %mul3A_848, %add3A_849 : i32
        %mul3A_851 = arith.constant 16 : i32
        %mul3A_852 = arith.muli %add3A_850, %mul3A_851 : i32
        %get3A_853 = arith.index_cast %mul3A_852 : i32 to index
        %get3A_854 = tpu.vector_load %arg5[%get3A_853] {strides = array<i32>} : memref<32768xf32, #tpu.memory_space<vmem>>, vector<16xf32>,
        %get3A_855 = vector.shape_cast %get3A_854 : vector<16xf32> to vector<16xf32>
        %bitcast_convert_type3A_856 = tpu.bitcast %get3A_855 : vector<16xf32> -> vector<16xi32>
        %shift_right_arithmetic3A_857 = arith.constant 1 : i32
        %shift_right_arithmetic3A_858 = vector.broadcast %shift_right_arithmetic3A_857 : i32 to vector<16xi32>
        %shift_right_arithmetic3A_859 = arith.shrsi %bitcast_convert_type3A_856, %shift_right_arithmetic3A_858 : vector<16xi32>
        %sub3A_860 = arith.constant 1597463007 : i32
        %sub3A_861 = vector.broadcast %sub3A_860 : i32 to vector<16xi32>
        %sub3A_862 = arith.subi %sub3A_861, %shift_right_arithmetic3A_859 : vector<16xi32>
        %bitcast_convert_type3A_863 = tpu.bitcast %sub3A_862 : vector<16xi32> -> vector<16xf32>
        %mul3A_864 = arith.constant 5.000000e-01 : f32
        %mul3A_865 = vector.broadcast %mul3A_864 : f32 to vector<16xf32>
        %mul3A_866 = arith.mulf %mul3A_865, %get3A_855 : vector<16xf32>
        %mul3A_867 = arith.mulf %mul3A_866, %bitcast_convert_type3A_863 : vector<16xf32>
        %mul3A_868 = arith.mulf %mul3A_867, %bitcast_convert_type3A_863 : vector<16xf32>
        %sub3A_869 = arith.constant 1.500000e+00 : f32
        %sub3A_870 = vector.broadcast %sub3A_869 : f32 to vector<16xf32>
        %sub3A_871 = arith.subf %sub3A_870, %mul3A_868 : vector<16xf32>
        %mul3A_872 = arith.mulf %bitcast_convert_type3A_863, %sub3A_871 : vector<16xf32>
        %mul3A_873 = arith.constant 5.000000e-01 : f32
        %mul3A_874 = vector.broadcast %mul3A_873 : f32 to vector<16xf32>
        %mul3A_875 = arith.mulf %mul3A_874, %get3A_855 : vector<16xf32>
        %mul3A_876 = arith.mulf %mul3A_875, %mul3A_872 : vector<16xf32>
        %mul3A_877 = arith.mulf %mul3A_876, %mul3A_872 : vector<16xf32>
        %sub3A_878 = arith.constant 1.500000e+00 : f32
        %sub3A_879 = vector.broadcast %sub3A_878 : f32 to vector<16xf32>
        %sub3A_880 = arith.subf %sub3A_879, %mul3A_877 : vector<16xf32>
        %mul3A_881 = arith.mulf %mul3A_872, %sub3A_880 : vector<16xf32>
        %mul3A_882 = arith.constant 5.000000e-01 : f32
        %mul3A_883 = vector.broadcast %mul3A_882 : f32 to vector<16xf32>
        %mul3A_884 = arith.mulf %mul3A_883, %get3A_855 : vector<16xf32>
        %mul3A_885 = arith.mulf %mul3A_884, %mul3A_881 : vector<16xf32>
        %mul3A_886 = arith.mulf %mul3A_885, %mul3A_881 : vector<16xf32>
        %sub3A_887 = arith.constant 1.500000e+00 : f32
        %sub3A_888 = vector.broadcast %sub3A_887 : f32 to vector<16xf32>
        %sub3A_889 = arith.subf %sub3A_888, %mul3A_886 : vector<16xf32>
        %mul3A_890 = arith.mulf %mul3A_881, %sub3A_889 : vector<16xf32>
        %mul3A_891 = arith.mulf %get3A_855, %mul3A_890 : vector<16xf32>
        %max3A_892 = arith.constant 9.99999997E-7 : f32
        %max3A_893 = vector.broadcast %max3A_892 : f32 to vector<16xf32>
        %max3A_894 = arith.maximumf %mul3A_891, %max3A_893 : vector<16xf32>
        %sub3A_895 = arith.subf %max3A_84, %max3A_894 : vector<16xf32>
        %mul3A_896 = arith.mulf %sub3A_895, %div3A_132 : vector<16xf32>
        %exp3A_897 = math.exp %mul3A_896 : vector<16xf32>
        %add3A_898 = arith.addf %add3A_844, %exp3A_897 : vector<16xf32>
        %mul3A_899 = arith.mulf %exp3A_897, %max3A_894 : vector<16xf32>
        %add3A_900 = arith.addf %add3A_846, %mul3A_899 : vector<16xf32>
        %mul3A_901 = arith.constant 16 : i32
        %mul3A_902 = arith.muli %scan3A_143, %mul3A_901 : i32
        %add3A_903 = arith.constant 14 : i32
        %add3A_904 = arith.addi %mul3A_902, %add3A_903 : i32
        %mul3A_905 = arith.constant 16 : i32
        %mul3A_906 = arith.muli %add3A_904, %mul3A_905 : i32
        %get3A_907 = arith.index_cast %mul3A_906 : i32 to index
        %get3A_908 = tpu.vector_load %arg5[%get3A_907] {strides = array<i32>} : memref<32768xf32, #tpu.memory_space<vmem>>, vector<16xf32>,
        %get3A_909 = vector.shape_cast %get3A_908 : vector<16xf32> to vector<16xf32>
        %bitcast_convert_type3A_910 = tpu.bitcast %get3A_909 : vector<16xf32> -> vector<16xi32>
        %shift_right_arithmetic3A_911 = arith.constant 1 : i32
        %shift_right_arithmetic3A_912 = vector.broadcast %shift_right_arithmetic3A_911 : i32 to vector<16xi32>
        %shift_right_arithmetic3A_913 = arith.shrsi %bitcast_convert_type3A_910, %shift_right_arithmetic3A_912 : vector<16xi32>
        %sub3A_914 = arith.constant 1597463007 : i32
        %sub3A_915 = vector.broadcast %sub3A_914 : i32 to vector<16xi32>
        %sub3A_916 = arith.subi %sub3A_915, %shift_right_arithmetic3A_913 : vector<16xi32>
        %bitcast_convert_type3A_917 = tpu.bitcast %sub3A_916 : vector<16xi32> -> vector<16xf32>
        %mul3A_918 = arith.constant 5.000000e-01 : f32
        %mul3A_919 = vector.broadcast %mul3A_918 : f32 to vector<16xf32>
        %mul3A_920 = arith.mulf %mul3A_919, %get3A_909 : vector<16xf32>
        %mul3A_921 = arith.mulf %mul3A_920, %bitcast_convert_type3A_917 : vector<16xf32>
        %mul3A_922 = arith.mulf %mul3A_921, %bitcast_convert_type3A_917 : vector<16xf32>
        %sub3A_923 = arith.constant 1.500000e+00 : f32
        %sub3A_924 = vector.broadcast %sub3A_923 : f32 to vector<16xf32>
        %sub3A_925 = arith.subf %sub3A_924, %mul3A_922 : vector<16xf32>
        %mul3A_926 = arith.mulf %bitcast_convert_type3A_917, %sub3A_925 : vector<16xf32>
        %mul3A_927 = arith.constant 5.000000e-01 : f32
        %mul3A_928 = vector.broadcast %mul3A_927 : f32 to vector<16xf32>
        %mul3A_929 = arith.mulf %mul3A_928, %get3A_909 : vector<16xf32>
        %mul3A_930 = arith.mulf %mul3A_929, %mul3A_926 : vector<16xf32>
        %mul3A_931 = arith.mulf %mul3A_930, %mul3A_926 : vector<16xf32>
        %sub3A_932 = arith.constant 1.500000e+00 : f32
        %sub3A_933 = vector.broadcast %sub3A_932 : f32 to vector<16xf32>
        %sub3A_934 = arith.subf %sub3A_933, %mul3A_931 : vector<16xf32>
        %mul3A_935 = arith.mulf %mul3A_926, %sub3A_934 : vector<16xf32>
        %mul3A_936 = arith.constant 5.000000e-01 : f32
        %mul3A_937 = vector.broadcast %mul3A_936 : f32 to vector<16xf32>
        %mul3A_938 = arith.mulf %mul3A_937, %get3A_909 : vector<16xf32>
        %mul3A_939 = arith.mulf %mul3A_938, %mul3A_935 : vector<16xf32>
        %mul3A_940 = arith.mulf %mul3A_939, %mul3A_935 : vector<16xf32>
        %sub3A_941 = arith.constant 1.500000e+00 : f32
        %sub3A_942 = vector.broadcast %sub3A_941 : f32 to vector<16xf32>
        %sub3A_943 = arith.subf %sub3A_942, %mul3A_940 : vector<16xf32>
        %mul3A_944 = arith.mulf %mul3A_935, %sub3A_943 : vector<16xf32>
        %mul3A_945 = arith.mulf %get3A_909, %mul3A_944 : vector<16xf32>
        %max3A_946 = arith.constant 9.99999997E-7 : f32
        %max3A_947 = vector.broadcast %max3A_946 : f32 to vector<16xf32>
        %max3A_948 = arith.maximumf %mul3A_945, %max3A_947 : vector<16xf32>
        %sub3A_949 = arith.subf %max3A_84, %max3A_948 : vector<16xf32>
        %mul3A_950 = arith.mulf %sub3A_949, %div3A_132 : vector<16xf32>
        %exp3A_951 = math.exp %mul3A_950 : vector<16xf32>
        %add3A_952 = arith.addf %add3A_898, %exp3A_951 : vector<16xf32>
        %mul3A_953 = arith.mulf %exp3A_951, %max3A_948 : vector<16xf32>
        %add3A_954 = arith.addf %add3A_900, %mul3A_953 : vector<16xf32>
        %mul3A_955 = arith.constant 16 : i32
        %mul3A_956 = arith.muli %scan3A_143, %mul3A_955 : i32
        %add3A_957 = arith.constant 15 : i32
        %add3A_958 = arith.addi %mul3A_956, %add3A_957 : i32
        %mul3A_959 = arith.constant 16 : i32
        %mul3A_960 = arith.muli %add3A_958, %mul3A_959 : i32
        %get3A_961 = arith.index_cast %mul3A_960 : i32 to index
        %get3A_962 = tpu.vector_load %arg5[%get3A_961] {strides = array<i32>} : memref<32768xf32, #tpu.memory_space<vmem>>, vector<16xf32>,
        %get3A_963 = vector.shape_cast %get3A_962 : vector<16xf32> to vector<16xf32>
        %bitcast_convert_type3A_964 = tpu.bitcast %get3A_963 : vector<16xf32> -> vector<16xi32>
        %shift_right_arithmetic3A_965 = arith.constant 1 : i32
        %shift_right_arithmetic3A_966 = vector.broadcast %shift_right_arithmetic3A_965 : i32 to vector<16xi32>
        %shift_right_arithmetic3A_967 = arith.shrsi %bitcast_convert_type3A_964, %shift_right_arithmetic3A_966 : vector<16xi32>
        %sub3A_968 = arith.constant 1597463007 : i32
        %sub3A_969 = vector.broadcast %sub3A_968 : i32 to vector<16xi32>
        %sub3A_970 = arith.subi %sub3A_969, %shift_right_arithmetic3A_967 : vector<16xi32>
        %bitcast_convert_type3A_971 = tpu.bitcast %sub3A_970 : vector<16xi32> -> vector<16xf32>
        %mul3A_972 = arith.constant 5.000000e-01 : f32
        %mul3A_973 = vector.broadcast %mul3A_972 : f32 to vector<16xf32>
        %mul3A_974 = arith.mulf %mul3A_973, %get3A_963 : vector<16xf32>
        %mul3A_975 = arith.mulf %mul3A_974, %bitcast_convert_type3A_971 : vector<16xf32>
        %mul3A_976 = arith.mulf %mul3A_975, %bitcast_convert_type3A_971 : vector<16xf32>
        %sub3A_977 = arith.constant 1.500000e+00 : f32
        %sub3A_978 = vector.broadcast %sub3A_977 : f32 to vector<16xf32>
        %sub3A_979 = arith.subf %sub3A_978, %mul3A_976 : vector<16xf32>
        %mul3A_980 = arith.mulf %bitcast_convert_type3A_971, %sub3A_979 : vector<16xf32>
        %mul3A_981 = arith.constant 5.000000e-01 : f32
        %mul3A_982 = vector.broadcast %mul3A_981 : f32 to vector<16xf32>
        %mul3A_983 = arith.mulf %mul3A_982, %get3A_963 : vector<16xf32>
        %mul3A_984 = arith.mulf %mul3A_983, %mul3A_980 : vector<16xf32>
        %mul3A_985 = arith.mulf %mul3A_984, %mul3A_980 : vector<16xf32>
        %sub3A_986 = arith.constant 1.500000e+00 : f32
        %sub3A_987 = vector.broadcast %sub3A_986 : f32 to vector<16xf32>
        %sub3A_988 = arith.subf %sub3A_987, %mul3A_985 : vector<16xf32>
        %mul3A_989 = arith.mulf %mul3A_980, %sub3A_988 : vector<16xf32>
        %mul3A_990 = arith.constant 5.000000e-01 : f32
        %mul3A_991 = vector.broadcast %mul3A_990 : f32 to vector<16xf32>
        %mul3A_992 = arith.mulf %mul3A_991, %get3A_963 : vector<16xf32>
        %mul3A_993 = arith.mulf %mul3A_992, %mul3A_989 : vector<16xf32>
        %mul3A_994 = arith.mulf %mul3A_993, %mul3A_989 : vector<16xf32>
        %sub3A_995 = arith.constant 1.500000e+00 : f32
        %sub3A_996 = vector.broadcast %sub3A_995 : f32 to vector<16xf32>
        %sub3A_997 = arith.subf %sub3A_996, %mul3A_994 : vector<16xf32>
        %mul3A_998 = arith.mulf %mul3A_989, %sub3A_997 : vector<16xf32>
        %mul3A_999 = arith.mulf %get3A_963, %mul3A_998 : vector<16xf32>
        %max3A_1000 = arith.constant 9.99999997E-7 : f32
        %max3A_1001 = vector.broadcast %max3A_1000 : f32 to vector<16xf32>
        %max3A_1002 = arith.maximumf %mul3A_999, %max3A_1001 : vector<16xf32>
        %sub3A_1003 = arith.subf %max3A_84, %max3A_1002 : vector<16xf32>
        %mul3A_1004 = arith.mulf %sub3A_1003, %div3A_132 : vector<16xf32>
        %exp3A_1005 = math.exp %mul3A_1004 : vector<16xf32>
        %add3A_1006 = arith.addf %add3A_952, %exp3A_1005 : vector<16xf32>
        %mul3A_1007 = arith.mulf %exp3A_1005, %max3A_1002 : vector<16xf32>
        %add3A_1008 = arith.addf %add3A_954, %mul3A_1007 : vector<16xf32>
        scf.yield %add3A_1006, %add3A_1008 : vector<16xf32>, vector<16xf32>
      }
      %scan3A_140 = arith.constant 128 : i32
      %div3A_141 = arith.divf %scan3A_139#1, %scan3A_139#0 : vector<16xf32>
      %add3A_142 = arith.addf %scan3A_12, %div3A_141 : vector<16xf32>
      scf.yield %add3A_142 : vector<16xf32>
    }
    %scan3A_7 = arith.constant 6 : i32
    %swap3A = arith.constant 0 : index
    %swap3A_8 = tpu.vector_load %arg6[%swap3A] {strides = array<i32>} : memref<16xf32, #tpu.memory_space<vmem>>, vector<16xf32>,
    %swap3A_9 = vector.shape_cast %swap3A_8 : vector<16xf32> to vector<16xf32>
    %swap3A_10 = vector.shape_cast %scan3A_6 : vector<16xf32> to vector<16xf32>
    tpu.vector_store %arg6[%swap3A], %swap3A_10 {strides = array<i32>} : memref<16xf32, #tpu.memory_space<vmem>>, vector<16xf32>,
    "tpu.region"() ({
      %run_scoped3A_11 = tpu.sem_alloc : memref<!tpu.dma_semaphore, #tpu.memory_space<semaphore_mem>>
      %dma_start3A = arith.constant 0 : i32
      %dma_start3A_12 = tpu.memref_slice %arg3[%add3A, %dma_start3A] : memref<32x16xf32, #tpu.memory_space<hbm>> -> memref<1x16xf32, #tpu.memory_space<hbm>>
      %dma_start3A_13 = tpu.memref_squeeze %dma_start3A_12 : memref<1x16xf32, #tpu.memory_space<hbm>> -> memref<16xf32, #tpu.memory_space<hbm>>
      %dma_start3A_14 = arith.constant 0 : i32
      %dma_start3A_15 = tpu.memref_slice %arg3[%add3A, %dma_start3A_14] : memref<32x16xf32, #tpu.memory_space<hbm>> -> memref<1x16xf32, #tpu.memory_space<hbm>>
      %dma_start3A_16 = tpu.memref_squeeze %dma_start3A_15 : memref<1x16xf32, #tpu.memory_space<hbm>> -> memref<16xf32, #tpu.memory_space<hbm>>
      tpu.enqueue_dma source(%arg6 : memref<16xf32, #tpu.memory_space<vmem>>) target(%dma_start3A_16 : memref<16xf32, #tpu.memory_space<hbm>>) target_semaphore(%run_scoped3A_11 : memref<!tpu.dma_semaphore, #tpu.memory_space<semaphore_mem>>)
      %dma_wait3A = arith.constant 0 : i32
      %dma_wait3A_17 = tpu.memref_slice %arg3[%add3A, %dma_wait3A] : memref<32x16xf32, #tpu.memory_space<hbm>> -> memref<1x16xf32, #tpu.memory_space<hbm>>
      %dma_wait3A_18 = tpu.memref_squeeze %dma_wait3A_17 : memref<1x16xf32, #tpu.memory_space<hbm>> -> memref<16xf32, #tpu.memory_space<hbm>>
      %dma_wait3A_19 = arith.constant 0 : i32
      %dma_wait3A_20 = tpu.memref_slice %arg3[%add3A, %dma_wait3A_19] : memref<32x16xf32, #tpu.memory_space<hbm>> -> memref<1x16xf32, #tpu.memory_space<hbm>>
      %dma_wait3A_21 = tpu.memref_squeeze %dma_wait3A_20 : memref<1x16xf32, #tpu.memory_space<hbm>> -> memref<16xf32, #tpu.memory_space<hbm>>
      tpu.wait_dma2 semaphore(%run_scoped3A_11 : memref<!tpu.dma_semaphore, #tpu.memory_space<semaphore_mem>>) src(%arg6 : memref<16xf32, #tpu.memory_space<vmem>>) dst(%dma_wait3A_21 : memref<16xf32, #tpu.memory_space<hbm>>)
      tpu.yield
    }) : () -> ()
    return
  }
}

module attributes {stable_mosaic.version = 14 : i64} {
  func.func @_tc_body(%arg0: i32, %arg1: memref<1x3x256xf32, #tpu.memory_space<vmem>>, %arg2: memref<1x3x2048xf32, #tpu.memory_space<vmem>>, %arg3: memref<1x1x1xf32, #tpu.memory_space<vmem>>) attributes {dimension_semantics = [#tpu.dimension_semantics<arbitrary>], iteration_bounds = array<i64: 52>, scalar_prefetch = 0 : i64, scratch_operands = 0 : i64, tpu.core_type = #tpu.core_type<tc>, window_params = [{transform_indices = @transform_0, window_bounds = array<i64: 1, 3, 256>}, {transform_indices = @transform_1, window_bounds = array<i64: 1, 3, 2048>}, {pipeline_mode = #tpu.pipeline_mode<synchronous>, transform_indices = @transform_2, window_bounds = array<i64: 1, 1, 1>}]} {
    %get3A = arith.constant 0 : index
    %get3A_0 = arith.constant 0 : index
    %get3A_1 = arith.constant 0 : index
    %get3A_2 = vector.load %arg1[%get3A, %get3A_0, %get3A_1] : memref<1x3x256xf32, #tpu.memory_space<vmem>>, vector<1x3x256xf32>
    %get3A_3 = vector.shape_cast %get3A_2 : vector<1x3x256xf32> to vector<3x256xf32>
    %get3A_4 = arith.constant 0 : index
    %get3A_5 = arith.constant 0 : index
    %get3A_6 = arith.constant 0 : index
    %get3A_7 = vector.load %arg2[%get3A_4, %get3A_5, %get3A_6] : memref<1x3x2048xf32, #tpu.memory_space<vmem>>, vector<1x3x2048xf32>
    %get3A_8 = vector.shape_cast %get3A_7 : vector<1x3x2048xf32> to vector<3x2048xf32>
    %slice3A = vector.extract_strided_slice %get3A_3 {offsets = [0, 0], sizes = [1, 256], strides = [1, 1]} : vector<3x256xf32> to vector<1x256xf32>
    %transpose3A = tpu.transpose %slice3A, [1, 0] : vector<1x256xf32> -> vector<256x1xf32>
    %slice3A_9 = vector.extract_strided_slice %get3A_3 {offsets = [1, 0], sizes = [1, 256], strides = [1, 1]} : vector<3x256xf32> to vector<1x256xf32>
    %transpose3A_10 = tpu.transpose %slice3A_9, [1, 0] : vector<1x256xf32> -> vector<256x1xf32>
    %slice3A_11 = vector.extract_strided_slice %get3A_3 {offsets = [2, 0], sizes = [1, 256], strides = [1, 1]} : vector<3x256xf32> to vector<1x256xf32>
    %transpose3A_12 = tpu.transpose %slice3A_11, [1, 0] : vector<1x256xf32> -> vector<256x1xf32>
    %broadcast_in_dim3A = arith.constant 3.000000e+38 : f32
    %broadcast_in_dim3A_13 = vector.broadcast %broadcast_in_dim3A : f32 to vector<256x128xf32>
    %slice3A_14 = vector.extract_strided_slice %get3A_8 {offsets = [0, 0], sizes = [3, 128], strides = [1, 1]} : vector<3x2048xf32> to vector<3x128xf32>
    %slice3A_15 = vector.extract_strided_slice %slice3A_14 {offsets = [0, 0], sizes = [1, 128], strides = [1, 1]} : vector<3x128xf32> to vector<1x128xf32>
    %sub3A = vector.broadcast %transpose3A : vector<256x1xf32> to vector<256x128xf32>
    %sub3A_16 = vector.broadcast %slice3A_15 : vector<1x128xf32> to vector<256x128xf32>
    %sub3A_17 = arith.subf %sub3A, %sub3A_16 : vector<256x128xf32>
    %integer_pow3A = arith.mulf %sub3A_17, %sub3A_17 : vector<256x128xf32>
    %slice3A_18 = vector.extract_strided_slice %slice3A_14 {offsets = [1, 0], sizes = [1, 128], strides = [1, 1]} : vector<3x128xf32> to vector<1x128xf32>
    %sub3A_19 = vector.broadcast %transpose3A_10 : vector<256x1xf32> to vector<256x128xf32>
    %sub3A_20 = vector.broadcast %slice3A_18 : vector<1x128xf32> to vector<256x128xf32>
    %sub3A_21 = arith.subf %sub3A_19, %sub3A_20 : vector<256x128xf32>
    %integer_pow3A_22 = arith.mulf %sub3A_21, %sub3A_21 : vector<256x128xf32>
    %add3A = arith.addf %integer_pow3A, %integer_pow3A_22 : vector<256x128xf32>
    %slice3A_23 = vector.extract_strided_slice %slice3A_14 {offsets = [2, 0], sizes = [1, 128], strides = [1, 1]} : vector<3x128xf32> to vector<1x128xf32>
    %sub3A_24 = vector.broadcast %transpose3A_12 : vector<256x1xf32> to vector<256x128xf32>
    %sub3A_25 = vector.broadcast %slice3A_23 : vector<1x128xf32> to vector<256x128xf32>
    %sub3A_26 = arith.subf %sub3A_24, %sub3A_25 : vector<256x128xf32>
    %integer_pow3A_27 = arith.mulf %sub3A_26, %sub3A_26 : vector<256x128xf32>
    %add3A_28 = arith.addf %add3A, %integer_pow3A_27 : vector<256x128xf32>
    %max3A = arith.constant 9.99999996E-13 : f32
    %max3A_29 = vector.broadcast %max3A : f32 to vector<256x128xf32>
    %max3A_30 = arith.maximumf %add3A_28, %max3A_29 : vector<256x128xf32>
    %max3A_31 = arith.maximumf %broadcast_in_dim3A_13, %max3A_30 : vector<256x128xf32>
    %min3A = arith.minimumf %broadcast_in_dim3A_13, %max3A_31 : vector<256x128xf32>
    %min3A_32 = arith.minimumf %broadcast_in_dim3A_13, %max3A_30 : vector<256x128xf32>
    %slice3A_33 = vector.extract_strided_slice %get3A_8 {offsets = [0, 128], sizes = [3, 128], strides = [1, 1]} : vector<3x2048xf32> to vector<3x128xf32>
    %slice3A_34 = vector.extract_strided_slice %slice3A_33 {offsets = [0, 0], sizes = [1, 128], strides = [1, 1]} : vector<3x128xf32> to vector<1x128xf32>
    %sub3A_35 = vector.broadcast %transpose3A : vector<256x1xf32> to vector<256x128xf32>
    %sub3A_36 = vector.broadcast %slice3A_34 : vector<1x128xf32> to vector<256x128xf32>
    %sub3A_37 = arith.subf %sub3A_35, %sub3A_36 : vector<256x128xf32>
    %integer_pow3A_38 = arith.mulf %sub3A_37, %sub3A_37 : vector<256x128xf32>
    %slice3A_39 = vector.extract_strided_slice %slice3A_33 {offsets = [1, 0], sizes = [1, 128], strides = [1, 1]} : vector<3x128xf32> to vector<1x128xf32>
    %sub3A_40 = vector.broadcast %transpose3A_10 : vector<256x1xf32> to vector<256x128xf32>
    %sub3A_41 = vector.broadcast %slice3A_39 : vector<1x128xf32> to vector<256x128xf32>
    %sub3A_42 = arith.subf %sub3A_40, %sub3A_41 : vector<256x128xf32>
    %integer_pow3A_43 = arith.mulf %sub3A_42, %sub3A_42 : vector<256x128xf32>
    %add3A_44 = arith.addf %integer_pow3A_38, %integer_pow3A_43 : vector<256x128xf32>
    %slice3A_45 = vector.extract_strided_slice %slice3A_33 {offsets = [2, 0], sizes = [1, 128], strides = [1, 1]} : vector<3x128xf32> to vector<1x128xf32>
    %sub3A_46 = vector.broadcast %transpose3A_12 : vector<256x1xf32> to vector<256x128xf32>
    %sub3A_47 = vector.broadcast %slice3A_45 : vector<1x128xf32> to vector<256x128xf32>
    %sub3A_48 = arith.subf %sub3A_46, %sub3A_47 : vector<256x128xf32>
    %integer_pow3A_49 = arith.mulf %sub3A_48, %sub3A_48 : vector<256x128xf32>
    %add3A_50 = arith.addf %add3A_44, %integer_pow3A_49 : vector<256x128xf32>
    %max3A_51 = arith.constant 9.99999996E-13 : f32
    %max3A_52 = vector.broadcast %max3A_51 : f32 to vector<256x128xf32>
    %max3A_53 = arith.maximumf %add3A_50, %max3A_52 : vector<256x128xf32>
    %max3A_54 = arith.maximumf %min3A_32, %max3A_53 : vector<256x128xf32>
    %min3A_55 = arith.minimumf %min3A, %max3A_54 : vector<256x128xf32>
    %min3A_56 = arith.minimumf %min3A_32, %max3A_53 : vector<256x128xf32>
    %slice3A_57 = vector.extract_strided_slice %get3A_8 {offsets = [0, 256], sizes = [3, 128], strides = [1, 1]} : vector<3x2048xf32> to vector<3x128xf32>
    %slice3A_58 = vector.extract_strided_slice %slice3A_57 {offsets = [0, 0], sizes = [1, 128], strides = [1, 1]} : vector<3x128xf32> to vector<1x128xf32>
    %sub3A_59 = vector.broadcast %transpose3A : vector<256x1xf32> to vector<256x128xf32>
    %sub3A_60 = vector.broadcast %slice3A_58 : vector<1x128xf32> to vector<256x128xf32>
    %sub3A_61 = arith.subf %sub3A_59, %sub3A_60 : vector<256x128xf32>
    %integer_pow3A_62 = arith.mulf %sub3A_61, %sub3A_61 : vector<256x128xf32>
    %slice3A_63 = vector.extract_strided_slice %slice3A_57 {offsets = [1, 0], sizes = [1, 128], strides = [1, 1]} : vector<3x128xf32> to vector<1x128xf32>
    %sub3A_64 = vector.broadcast %transpose3A_10 : vector<256x1xf32> to vector<256x128xf32>
    %sub3A_65 = vector.broadcast %slice3A_63 : vector<1x128xf32> to vector<256x128xf32>
    %sub3A_66 = arith.subf %sub3A_64, %sub3A_65 : vector<256x128xf32>
    %integer_pow3A_67 = arith.mulf %sub3A_66, %sub3A_66 : vector<256x128xf32>
    %add3A_68 = arith.addf %integer_pow3A_62, %integer_pow3A_67 : vector<256x128xf32>
    %slice3A_69 = vector.extract_strided_slice %slice3A_57 {offsets = [2, 0], sizes = [1, 128], strides = [1, 1]} : vector<3x128xf32> to vector<1x128xf32>
    %sub3A_70 = vector.broadcast %transpose3A_12 : vector<256x1xf32> to vector<256x128xf32>
    %sub3A_71 = vector.broadcast %slice3A_69 : vector<1x128xf32> to vector<256x128xf32>
    %sub3A_72 = arith.subf %sub3A_70, %sub3A_71 : vector<256x128xf32>
    %integer_pow3A_73 = arith.mulf %sub3A_72, %sub3A_72 : vector<256x128xf32>
    %add3A_74 = arith.addf %add3A_68, %integer_pow3A_73 : vector<256x128xf32>
    %max3A_75 = arith.constant 9.99999996E-13 : f32
    %max3A_76 = vector.broadcast %max3A_75 : f32 to vector<256x128xf32>
    %max3A_77 = arith.maximumf %add3A_74, %max3A_76 : vector<256x128xf32>
    %max3A_78 = arith.maximumf %min3A_56, %max3A_77 : vector<256x128xf32>
    %min3A_79 = arith.minimumf %min3A_55, %max3A_78 : vector<256x128xf32>
    %min3A_80 = arith.minimumf %min3A_56, %max3A_77 : vector<256x128xf32>
    %slice3A_81 = vector.extract_strided_slice %get3A_8 {offsets = [0, 384], sizes = [3, 128], strides = [1, 1]} : vector<3x2048xf32> to vector<3x128xf32>
    %slice3A_82 = vector.extract_strided_slice %slice3A_81 {offsets = [0, 0], sizes = [1, 128], strides = [1, 1]} : vector<3x128xf32> to vector<1x128xf32>
    %sub3A_83 = vector.broadcast %transpose3A : vector<256x1xf32> to vector<256x128xf32>
    %sub3A_84 = vector.broadcast %slice3A_82 : vector<1x128xf32> to vector<256x128xf32>
    %sub3A_85 = arith.subf %sub3A_83, %sub3A_84 : vector<256x128xf32>
    %integer_pow3A_86 = arith.mulf %sub3A_85, %sub3A_85 : vector<256x128xf32>
    %slice3A_87 = vector.extract_strided_slice %slice3A_81 {offsets = [1, 0], sizes = [1, 128], strides = [1, 1]} : vector<3x128xf32> to vector<1x128xf32>
    %sub3A_88 = vector.broadcast %transpose3A_10 : vector<256x1xf32> to vector<256x128xf32>
    %sub3A_89 = vector.broadcast %slice3A_87 : vector<1x128xf32> to vector<256x128xf32>
    %sub3A_90 = arith.subf %sub3A_88, %sub3A_89 : vector<256x128xf32>
    %integer_pow3A_91 = arith.mulf %sub3A_90, %sub3A_90 : vector<256x128xf32>
    %add3A_92 = arith.addf %integer_pow3A_86, %integer_pow3A_91 : vector<256x128xf32>
    %slice3A_93 = vector.extract_strided_slice %slice3A_81 {offsets = [2, 0], sizes = [1, 128], strides = [1, 1]} : vector<3x128xf32> to vector<1x128xf32>
    %sub3A_94 = vector.broadcast %transpose3A_12 : vector<256x1xf32> to vector<256x128xf32>
    %sub3A_95 = vector.broadcast %slice3A_93 : vector<1x128xf32> to vector<256x128xf32>
    %sub3A_96 = arith.subf %sub3A_94, %sub3A_95 : vector<256x128xf32>
    %integer_pow3A_97 = arith.mulf %sub3A_96, %sub3A_96 : vector<256x128xf32>
    %add3A_98 = arith.addf %add3A_92, %integer_pow3A_97 : vector<256x128xf32>
    %max3A_99 = arith.constant 9.99999996E-13 : f32
    %max3A_100 = vector.broadcast %max3A_99 : f32 to vector<256x128xf32>
    %max3A_101 = arith.maximumf %add3A_98, %max3A_100 : vector<256x128xf32>
    %max3A_102 = arith.maximumf %min3A_80, %max3A_101 : vector<256x128xf32>
    %min3A_103 = arith.minimumf %min3A_79, %max3A_102 : vector<256x128xf32>
    %min3A_104 = arith.minimumf %min3A_80, %max3A_101 : vector<256x128xf32>
    %slice3A_105 = vector.extract_strided_slice %get3A_8 {offsets = [0, 512], sizes = [3, 128], strides = [1, 1]} : vector<3x2048xf32> to vector<3x128xf32>
    %slice3A_106 = vector.extract_strided_slice %slice3A_105 {offsets = [0, 0], sizes = [1, 128], strides = [1, 1]} : vector<3x128xf32> to vector<1x128xf32>
    %sub3A_107 = vector.broadcast %transpose3A : vector<256x1xf32> to vector<256x128xf32>
    %sub3A_108 = vector.broadcast %slice3A_106 : vector<1x128xf32> to vector<256x128xf32>
    %sub3A_109 = arith.subf %sub3A_107, %sub3A_108 : vector<256x128xf32>
    %integer_pow3A_110 = arith.mulf %sub3A_109, %sub3A_109 : vector<256x128xf32>
    %slice3A_111 = vector.extract_strided_slice %slice3A_105 {offsets = [1, 0], sizes = [1, 128], strides = [1, 1]} : vector<3x128xf32> to vector<1x128xf32>
    %sub3A_112 = vector.broadcast %transpose3A_10 : vector<256x1xf32> to vector<256x128xf32>
    %sub3A_113 = vector.broadcast %slice3A_111 : vector<1x128xf32> to vector<256x128xf32>
    %sub3A_114 = arith.subf %sub3A_112, %sub3A_113 : vector<256x128xf32>
    %integer_pow3A_115 = arith.mulf %sub3A_114, %sub3A_114 : vector<256x128xf32>
    %add3A_116 = arith.addf %integer_pow3A_110, %integer_pow3A_115 : vector<256x128xf32>
    %slice3A_117 = vector.extract_strided_slice %slice3A_105 {offsets = [2, 0], sizes = [1, 128], strides = [1, 1]} : vector<3x128xf32> to vector<1x128xf32>
    %sub3A_118 = vector.broadcast %transpose3A_12 : vector<256x1xf32> to vector<256x128xf32>
    %sub3A_119 = vector.broadcast %slice3A_117 : vector<1x128xf32> to vector<256x128xf32>
    %sub3A_120 = arith.subf %sub3A_118, %sub3A_119 : vector<256x128xf32>
    %integer_pow3A_121 = arith.mulf %sub3A_120, %sub3A_120 : vector<256x128xf32>
    %add3A_122 = arith.addf %add3A_116, %integer_pow3A_121 : vector<256x128xf32>
    %max3A_123 = arith.constant 9.99999996E-13 : f32
    %max3A_124 = vector.broadcast %max3A_123 : f32 to vector<256x128xf32>
    %max3A_125 = arith.maximumf %add3A_122, %max3A_124 : vector<256x128xf32>
    %max3A_126 = arith.maximumf %min3A_104, %max3A_125 : vector<256x128xf32>
    %min3A_127 = arith.minimumf %min3A_103, %max3A_126 : vector<256x128xf32>
    %min3A_128 = arith.minimumf %min3A_104, %max3A_125 : vector<256x128xf32>
    %slice3A_129 = vector.extract_strided_slice %get3A_8 {offsets = [0, 640], sizes = [3, 128], strides = [1, 1]} : vector<3x2048xf32> to vector<3x128xf32>
    %slice3A_130 = vector.extract_strided_slice %slice3A_129 {offsets = [0, 0], sizes = [1, 128], strides = [1, 1]} : vector<3x128xf32> to vector<1x128xf32>
    %sub3A_131 = vector.broadcast %transpose3A : vector<256x1xf32> to vector<256x128xf32>
    %sub3A_132 = vector.broadcast %slice3A_130 : vector<1x128xf32> to vector<256x128xf32>
    %sub3A_133 = arith.subf %sub3A_131, %sub3A_132 : vector<256x128xf32>
    %integer_pow3A_134 = arith.mulf %sub3A_133, %sub3A_133 : vector<256x128xf32>
    %slice3A_135 = vector.extract_strided_slice %slice3A_129 {offsets = [1, 0], sizes = [1, 128], strides = [1, 1]} : vector<3x128xf32> to vector<1x128xf32>
    %sub3A_136 = vector.broadcast %transpose3A_10 : vector<256x1xf32> to vector<256x128xf32>
    %sub3A_137 = vector.broadcast %slice3A_135 : vector<1x128xf32> to vector<256x128xf32>
    %sub3A_138 = arith.subf %sub3A_136, %sub3A_137 : vector<256x128xf32>
    %integer_pow3A_139 = arith.mulf %sub3A_138, %sub3A_138 : vector<256x128xf32>
    %add3A_140 = arith.addf %integer_pow3A_134, %integer_pow3A_139 : vector<256x128xf32>
    %slice3A_141 = vector.extract_strided_slice %slice3A_129 {offsets = [2, 0], sizes = [1, 128], strides = [1, 1]} : vector<3x128xf32> to vector<1x128xf32>
    %sub3A_142 = vector.broadcast %transpose3A_12 : vector<256x1xf32> to vector<256x128xf32>
    %sub3A_143 = vector.broadcast %slice3A_141 : vector<1x128xf32> to vector<256x128xf32>
    %sub3A_144 = arith.subf %sub3A_142, %sub3A_143 : vector<256x128xf32>
    %integer_pow3A_145 = arith.mulf %sub3A_144, %sub3A_144 : vector<256x128xf32>
    %add3A_146 = arith.addf %add3A_140, %integer_pow3A_145 : vector<256x128xf32>
    %max3A_147 = arith.constant 9.99999996E-13 : f32
    %max3A_148 = vector.broadcast %max3A_147 : f32 to vector<256x128xf32>
    %max3A_149 = arith.maximumf %add3A_146, %max3A_148 : vector<256x128xf32>
    %max3A_150 = arith.maximumf %min3A_128, %max3A_149 : vector<256x128xf32>
    %min3A_151 = arith.minimumf %min3A_127, %max3A_150 : vector<256x128xf32>
    %min3A_152 = arith.minimumf %min3A_128, %max3A_149 : vector<256x128xf32>
    %slice3A_153 = vector.extract_strided_slice %get3A_8 {offsets = [0, 768], sizes = [3, 128], strides = [1, 1]} : vector<3x2048xf32> to vector<3x128xf32>
    %slice3A_154 = vector.extract_strided_slice %slice3A_153 {offsets = [0, 0], sizes = [1, 128], strides = [1, 1]} : vector<3x128xf32> to vector<1x128xf32>
    %sub3A_155 = vector.broadcast %transpose3A : vector<256x1xf32> to vector<256x128xf32>
    %sub3A_156 = vector.broadcast %slice3A_154 : vector<1x128xf32> to vector<256x128xf32>
    %sub3A_157 = arith.subf %sub3A_155, %sub3A_156 : vector<256x128xf32>
    %integer_pow3A_158 = arith.mulf %sub3A_157, %sub3A_157 : vector<256x128xf32>
    %slice3A_159 = vector.extract_strided_slice %slice3A_153 {offsets = [1, 0], sizes = [1, 128], strides = [1, 1]} : vector<3x128xf32> to vector<1x128xf32>
    %sub3A_160 = vector.broadcast %transpose3A_10 : vector<256x1xf32> to vector<256x128xf32>
    %sub3A_161 = vector.broadcast %slice3A_159 : vector<1x128xf32> to vector<256x128xf32>
    %sub3A_162 = arith.subf %sub3A_160, %sub3A_161 : vector<256x128xf32>
    %integer_pow3A_163 = arith.mulf %sub3A_162, %sub3A_162 : vector<256x128xf32>
    %add3A_164 = arith.addf %integer_pow3A_158, %integer_pow3A_163 : vector<256x128xf32>
    %slice3A_165 = vector.extract_strided_slice %slice3A_153 {offsets = [2, 0], sizes = [1, 128], strides = [1, 1]} : vector<3x128xf32> to vector<1x128xf32>
    %sub3A_166 = vector.broadcast %transpose3A_12 : vector<256x1xf32> to vector<256x128xf32>
    %sub3A_167 = vector.broadcast %slice3A_165 : vector<1x128xf32> to vector<256x128xf32>
    %sub3A_168 = arith.subf %sub3A_166, %sub3A_167 : vector<256x128xf32>
    %integer_pow3A_169 = arith.mulf %sub3A_168, %sub3A_168 : vector<256x128xf32>
    %add3A_170 = arith.addf %add3A_164, %integer_pow3A_169 : vector<256x128xf32>
    %max3A_171 = arith.constant 9.99999996E-13 : f32
    %max3A_172 = vector.broadcast %max3A_171 : f32 to vector<256x128xf32>
    %max3A_173 = arith.maximumf %add3A_170, %max3A_172 : vector<256x128xf32>
    %max3A_174 = arith.maximumf %min3A_152, %max3A_173 : vector<256x128xf32>
    %min3A_175 = arith.minimumf %min3A_151, %max3A_174 : vector<256x128xf32>
    %min3A_176 = arith.minimumf %min3A_152, %max3A_173 : vector<256x128xf32>
    %slice3A_177 = vector.extract_strided_slice %get3A_8 {offsets = [0, 896], sizes = [3, 128], strides = [1, 1]} : vector<3x2048xf32> to vector<3x128xf32>
    %slice3A_178 = vector.extract_strided_slice %slice3A_177 {offsets = [0, 0], sizes = [1, 128], strides = [1, 1]} : vector<3x128xf32> to vector<1x128xf32>
    %sub3A_179 = vector.broadcast %transpose3A : vector<256x1xf32> to vector<256x128xf32>
    %sub3A_180 = vector.broadcast %slice3A_178 : vector<1x128xf32> to vector<256x128xf32>
    %sub3A_181 = arith.subf %sub3A_179, %sub3A_180 : vector<256x128xf32>
    %integer_pow3A_182 = arith.mulf %sub3A_181, %sub3A_181 : vector<256x128xf32>
    %slice3A_183 = vector.extract_strided_slice %slice3A_177 {offsets = [1, 0], sizes = [1, 128], strides = [1, 1]} : vector<3x128xf32> to vector<1x128xf32>
    %sub3A_184 = vector.broadcast %transpose3A_10 : vector<256x1xf32> to vector<256x128xf32>
    %sub3A_185 = vector.broadcast %slice3A_183 : vector<1x128xf32> to vector<256x128xf32>
    %sub3A_186 = arith.subf %sub3A_184, %sub3A_185 : vector<256x128xf32>
    %integer_pow3A_187 = arith.mulf %sub3A_186, %sub3A_186 : vector<256x128xf32>
    %add3A_188 = arith.addf %integer_pow3A_182, %integer_pow3A_187 : vector<256x128xf32>
    %slice3A_189 = vector.extract_strided_slice %slice3A_177 {offsets = [2, 0], sizes = [1, 128], strides = [1, 1]} : vector<3x128xf32> to vector<1x128xf32>
    %sub3A_190 = vector.broadcast %transpose3A_12 : vector<256x1xf32> to vector<256x128xf32>
    %sub3A_191 = vector.broadcast %slice3A_189 : vector<1x128xf32> to vector<256x128xf32>
    %sub3A_192 = arith.subf %sub3A_190, %sub3A_191 : vector<256x128xf32>
    %integer_pow3A_193 = arith.mulf %sub3A_192, %sub3A_192 : vector<256x128xf32>
    %add3A_194 = arith.addf %add3A_188, %integer_pow3A_193 : vector<256x128xf32>
    %max3A_195 = arith.constant 9.99999996E-13 : f32
    %max3A_196 = vector.broadcast %max3A_195 : f32 to vector<256x128xf32>
    %max3A_197 = arith.maximumf %add3A_194, %max3A_196 : vector<256x128xf32>
    %max3A_198 = arith.maximumf %min3A_176, %max3A_197 : vector<256x128xf32>
    %min3A_199 = arith.minimumf %min3A_175, %max3A_198 : vector<256x128xf32>
    %min3A_200 = arith.minimumf %min3A_176, %max3A_197 : vector<256x128xf32>
    %slice3A_201 = vector.extract_strided_slice %get3A_8 {offsets = [0, 1024], sizes = [3, 128], strides = [1, 1]} : vector<3x2048xf32> to vector<3x128xf32>
    %slice3A_202 = vector.extract_strided_slice %slice3A_201 {offsets = [0, 0], sizes = [1, 128], strides = [1, 1]} : vector<3x128xf32> to vector<1x128xf32>
    %sub3A_203 = vector.broadcast %transpose3A : vector<256x1xf32> to vector<256x128xf32>
    %sub3A_204 = vector.broadcast %slice3A_202 : vector<1x128xf32> to vector<256x128xf32>
    %sub3A_205 = arith.subf %sub3A_203, %sub3A_204 : vector<256x128xf32>
    %integer_pow3A_206 = arith.mulf %sub3A_205, %sub3A_205 : vector<256x128xf32>
    %slice3A_207 = vector.extract_strided_slice %slice3A_201 {offsets = [1, 0], sizes = [1, 128], strides = [1, 1]} : vector<3x128xf32> to vector<1x128xf32>
    %sub3A_208 = vector.broadcast %transpose3A_10 : vector<256x1xf32> to vector<256x128xf32>
    %sub3A_209 = vector.broadcast %slice3A_207 : vector<1x128xf32> to vector<256x128xf32>
    %sub3A_210 = arith.subf %sub3A_208, %sub3A_209 : vector<256x128xf32>
    %integer_pow3A_211 = arith.mulf %sub3A_210, %sub3A_210 : vector<256x128xf32>
    %add3A_212 = arith.addf %integer_pow3A_206, %integer_pow3A_211 : vector<256x128xf32>
    %slice3A_213 = vector.extract_strided_slice %slice3A_201 {offsets = [2, 0], sizes = [1, 128], strides = [1, 1]} : vector<3x128xf32> to vector<1x128xf32>
    %sub3A_214 = vector.broadcast %transpose3A_12 : vector<256x1xf32> to vector<256x128xf32>
    %sub3A_215 = vector.broadcast %slice3A_213 : vector<1x128xf32> to vector<256x128xf32>
    %sub3A_216 = arith.subf %sub3A_214, %sub3A_215 : vector<256x128xf32>
    %integer_pow3A_217 = arith.mulf %sub3A_216, %sub3A_216 : vector<256x128xf32>
    %add3A_218 = arith.addf %add3A_212, %integer_pow3A_217 : vector<256x128xf32>
    %max3A_219 = arith.constant 9.99999996E-13 : f32
    %max3A_220 = vector.broadcast %max3A_219 : f32 to vector<256x128xf32>
    %max3A_221 = arith.maximumf %add3A_218, %max3A_220 : vector<256x128xf32>
    %max3A_222 = arith.maximumf %min3A_200, %max3A_221 : vector<256x128xf32>
    %min3A_223 = arith.minimumf %min3A_199, %max3A_222 : vector<256x128xf32>
    %min3A_224 = arith.minimumf %min3A_200, %max3A_221 : vector<256x128xf32>
    %slice3A_225 = vector.extract_strided_slice %get3A_8 {offsets = [0, 1152], sizes = [3, 128], strides = [1, 1]} : vector<3x2048xf32> to vector<3x128xf32>
    %slice3A_226 = vector.extract_strided_slice %slice3A_225 {offsets = [0, 0], sizes = [1, 128], strides = [1, 1]} : vector<3x128xf32> to vector<1x128xf32>
    %sub3A_227 = vector.broadcast %transpose3A : vector<256x1xf32> to vector<256x128xf32>
    %sub3A_228 = vector.broadcast %slice3A_226 : vector<1x128xf32> to vector<256x128xf32>
    %sub3A_229 = arith.subf %sub3A_227, %sub3A_228 : vector<256x128xf32>
    %integer_pow3A_230 = arith.mulf %sub3A_229, %sub3A_229 : vector<256x128xf32>
    %slice3A_231 = vector.extract_strided_slice %slice3A_225 {offsets = [1, 0], sizes = [1, 128], strides = [1, 1]} : vector<3x128xf32> to vector<1x128xf32>
    %sub3A_232 = vector.broadcast %transpose3A_10 : vector<256x1xf32> to vector<256x128xf32>
    %sub3A_233 = vector.broadcast %slice3A_231 : vector<1x128xf32> to vector<256x128xf32>
    %sub3A_234 = arith.subf %sub3A_232, %sub3A_233 : vector<256x128xf32>
    %integer_pow3A_235 = arith.mulf %sub3A_234, %sub3A_234 : vector<256x128xf32>
    %add3A_236 = arith.addf %integer_pow3A_230, %integer_pow3A_235 : vector<256x128xf32>
    %slice3A_237 = vector.extract_strided_slice %slice3A_225 {offsets = [2, 0], sizes = [1, 128], strides = [1, 1]} : vector<3x128xf32> to vector<1x128xf32>
    %sub3A_238 = vector.broadcast %transpose3A_12 : vector<256x1xf32> to vector<256x128xf32>
    %sub3A_239 = vector.broadcast %slice3A_237 : vector<1x128xf32> to vector<256x128xf32>
    %sub3A_240 = arith.subf %sub3A_238, %sub3A_239 : vector<256x128xf32>
    %integer_pow3A_241 = arith.mulf %sub3A_240, %sub3A_240 : vector<256x128xf32>
    %add3A_242 = arith.addf %add3A_236, %integer_pow3A_241 : vector<256x128xf32>
    %max3A_243 = arith.constant 9.99999996E-13 : f32
    %max3A_244 = vector.broadcast %max3A_243 : f32 to vector<256x128xf32>
    %max3A_245 = arith.maximumf %add3A_242, %max3A_244 : vector<256x128xf32>
    %max3A_246 = arith.maximumf %min3A_224, %max3A_245 : vector<256x128xf32>
    %min3A_247 = arith.minimumf %min3A_223, %max3A_246 : vector<256x128xf32>
    %min3A_248 = arith.minimumf %min3A_224, %max3A_245 : vector<256x128xf32>
    %slice3A_249 = vector.extract_strided_slice %get3A_8 {offsets = [0, 1280], sizes = [3, 128], strides = [1, 1]} : vector<3x2048xf32> to vector<3x128xf32>
    %slice3A_250 = vector.extract_strided_slice %slice3A_249 {offsets = [0, 0], sizes = [1, 128], strides = [1, 1]} : vector<3x128xf32> to vector<1x128xf32>
    %sub3A_251 = vector.broadcast %transpose3A : vector<256x1xf32> to vector<256x128xf32>
    %sub3A_252 = vector.broadcast %slice3A_250 : vector<1x128xf32> to vector<256x128xf32>
    %sub3A_253 = arith.subf %sub3A_251, %sub3A_252 : vector<256x128xf32>
    %integer_pow3A_254 = arith.mulf %sub3A_253, %sub3A_253 : vector<256x128xf32>
    %slice3A_255 = vector.extract_strided_slice %slice3A_249 {offsets = [1, 0], sizes = [1, 128], strides = [1, 1]} : vector<3x128xf32> to vector<1x128xf32>
    %sub3A_256 = vector.broadcast %transpose3A_10 : vector<256x1xf32> to vector<256x128xf32>
    %sub3A_257 = vector.broadcast %slice3A_255 : vector<1x128xf32> to vector<256x128xf32>
    %sub3A_258 = arith.subf %sub3A_256, %sub3A_257 : vector<256x128xf32>
    %integer_pow3A_259 = arith.mulf %sub3A_258, %sub3A_258 : vector<256x128xf32>
    %add3A_260 = arith.addf %integer_pow3A_254, %integer_pow3A_259 : vector<256x128xf32>
    %slice3A_261 = vector.extract_strided_slice %slice3A_249 {offsets = [2, 0], sizes = [1, 128], strides = [1, 1]} : vector<3x128xf32> to vector<1x128xf32>
    %sub3A_262 = vector.broadcast %transpose3A_12 : vector<256x1xf32> to vector<256x128xf32>
    %sub3A_263 = vector.broadcast %slice3A_261 : vector<1x128xf32> to vector<256x128xf32>
    %sub3A_264 = arith.subf %sub3A_262, %sub3A_263 : vector<256x128xf32>
    %integer_pow3A_265 = arith.mulf %sub3A_264, %sub3A_264 : vector<256x128xf32>
    %add3A_266 = arith.addf %add3A_260, %integer_pow3A_265 : vector<256x128xf32>
    %max3A_267 = arith.constant 9.99999996E-13 : f32
    %max3A_268 = vector.broadcast %max3A_267 : f32 to vector<256x128xf32>
    %max3A_269 = arith.maximumf %add3A_266, %max3A_268 : vector<256x128xf32>
    %max3A_270 = arith.maximumf %min3A_248, %max3A_269 : vector<256x128xf32>
    %min3A_271 = arith.minimumf %min3A_247, %max3A_270 : vector<256x128xf32>
    %min3A_272 = arith.minimumf %min3A_248, %max3A_269 : vector<256x128xf32>
    %slice3A_273 = vector.extract_strided_slice %get3A_8 {offsets = [0, 1408], sizes = [3, 128], strides = [1, 1]} : vector<3x2048xf32> to vector<3x128xf32>
    %slice3A_274 = vector.extract_strided_slice %slice3A_273 {offsets = [0, 0], sizes = [1, 128], strides = [1, 1]} : vector<3x128xf32> to vector<1x128xf32>
    %sub3A_275 = vector.broadcast %transpose3A : vector<256x1xf32> to vector<256x128xf32>
    %sub3A_276 = vector.broadcast %slice3A_274 : vector<1x128xf32> to vector<256x128xf32>
    %sub3A_277 = arith.subf %sub3A_275, %sub3A_276 : vector<256x128xf32>
    %integer_pow3A_278 = arith.mulf %sub3A_277, %sub3A_277 : vector<256x128xf32>
    %slice3A_279 = vector.extract_strided_slice %slice3A_273 {offsets = [1, 0], sizes = [1, 128], strides = [1, 1]} : vector<3x128xf32> to vector<1x128xf32>
    %sub3A_280 = vector.broadcast %transpose3A_10 : vector<256x1xf32> to vector<256x128xf32>
    %sub3A_281 = vector.broadcast %slice3A_279 : vector<1x128xf32> to vector<256x128xf32>
    %sub3A_282 = arith.subf %sub3A_280, %sub3A_281 : vector<256x128xf32>
    %integer_pow3A_283 = arith.mulf %sub3A_282, %sub3A_282 : vector<256x128xf32>
    %add3A_284 = arith.addf %integer_pow3A_278, %integer_pow3A_283 : vector<256x128xf32>
    %slice3A_285 = vector.extract_strided_slice %slice3A_273 {offsets = [2, 0], sizes = [1, 128], strides = [1, 1]} : vector<3x128xf32> to vector<1x128xf32>
    %sub3A_286 = vector.broadcast %transpose3A_12 : vector<256x1xf32> to vector<256x128xf32>
    %sub3A_287 = vector.broadcast %slice3A_285 : vector<1x128xf32> to vector<256x128xf32>
    %sub3A_288 = arith.subf %sub3A_286, %sub3A_287 : vector<256x128xf32>
    %integer_pow3A_289 = arith.mulf %sub3A_288, %sub3A_288 : vector<256x128xf32>
    %add3A_290 = arith.addf %add3A_284, %integer_pow3A_289 : vector<256x128xf32>
    %max3A_291 = arith.constant 9.99999996E-13 : f32
    %max3A_292 = vector.broadcast %max3A_291 : f32 to vector<256x128xf32>
    %max3A_293 = arith.maximumf %add3A_290, %max3A_292 : vector<256x128xf32>
    %max3A_294 = arith.maximumf %min3A_272, %max3A_293 : vector<256x128xf32>
    %min3A_295 = arith.minimumf %min3A_271, %max3A_294 : vector<256x128xf32>
    %min3A_296 = arith.minimumf %min3A_272, %max3A_293 : vector<256x128xf32>
    %slice3A_297 = vector.extract_strided_slice %get3A_8 {offsets = [0, 1536], sizes = [3, 128], strides = [1, 1]} : vector<3x2048xf32> to vector<3x128xf32>
    %slice3A_298 = vector.extract_strided_slice %slice3A_297 {offsets = [0, 0], sizes = [1, 128], strides = [1, 1]} : vector<3x128xf32> to vector<1x128xf32>
    %sub3A_299 = vector.broadcast %transpose3A : vector<256x1xf32> to vector<256x128xf32>
    %sub3A_300 = vector.broadcast %slice3A_298 : vector<1x128xf32> to vector<256x128xf32>
    %sub3A_301 = arith.subf %sub3A_299, %sub3A_300 : vector<256x128xf32>
    %integer_pow3A_302 = arith.mulf %sub3A_301, %sub3A_301 : vector<256x128xf32>
    %slice3A_303 = vector.extract_strided_slice %slice3A_297 {offsets = [1, 0], sizes = [1, 128], strides = [1, 1]} : vector<3x128xf32> to vector<1x128xf32>
    %sub3A_304 = vector.broadcast %transpose3A_10 : vector<256x1xf32> to vector<256x128xf32>
    %sub3A_305 = vector.broadcast %slice3A_303 : vector<1x128xf32> to vector<256x128xf32>
    %sub3A_306 = arith.subf %sub3A_304, %sub3A_305 : vector<256x128xf32>
    %integer_pow3A_307 = arith.mulf %sub3A_306, %sub3A_306 : vector<256x128xf32>
    %add3A_308 = arith.addf %integer_pow3A_302, %integer_pow3A_307 : vector<256x128xf32>
    %slice3A_309 = vector.extract_strided_slice %slice3A_297 {offsets = [2, 0], sizes = [1, 128], strides = [1, 1]} : vector<3x128xf32> to vector<1x128xf32>
    %sub3A_310 = vector.broadcast %transpose3A_12 : vector<256x1xf32> to vector<256x128xf32>
    %sub3A_311 = vector.broadcast %slice3A_309 : vector<1x128xf32> to vector<256x128xf32>
    %sub3A_312 = arith.subf %sub3A_310, %sub3A_311 : vector<256x128xf32>
    %integer_pow3A_313 = arith.mulf %sub3A_312, %sub3A_312 : vector<256x128xf32>
    %add3A_314 = arith.addf %add3A_308, %integer_pow3A_313 : vector<256x128xf32>
    %max3A_315 = arith.constant 9.99999996E-13 : f32
    %max3A_316 = vector.broadcast %max3A_315 : f32 to vector<256x128xf32>
    %max3A_317 = arith.maximumf %add3A_314, %max3A_316 : vector<256x128xf32>
    %max3A_318 = arith.maximumf %min3A_296, %max3A_317 : vector<256x128xf32>
    %min3A_319 = arith.minimumf %min3A_295, %max3A_318 : vector<256x128xf32>
    %min3A_320 = arith.minimumf %min3A_296, %max3A_317 : vector<256x128xf32>
    %slice3A_321 = vector.extract_strided_slice %get3A_8 {offsets = [0, 1664], sizes = [3, 128], strides = [1, 1]} : vector<3x2048xf32> to vector<3x128xf32>
    %slice3A_322 = vector.extract_strided_slice %slice3A_321 {offsets = [0, 0], sizes = [1, 128], strides = [1, 1]} : vector<3x128xf32> to vector<1x128xf32>
    %sub3A_323 = vector.broadcast %transpose3A : vector<256x1xf32> to vector<256x128xf32>
    %sub3A_324 = vector.broadcast %slice3A_322 : vector<1x128xf32> to vector<256x128xf32>
    %sub3A_325 = arith.subf %sub3A_323, %sub3A_324 : vector<256x128xf32>
    %integer_pow3A_326 = arith.mulf %sub3A_325, %sub3A_325 : vector<256x128xf32>
    %slice3A_327 = vector.extract_strided_slice %slice3A_321 {offsets = [1, 0], sizes = [1, 128], strides = [1, 1]} : vector<3x128xf32> to vector<1x128xf32>
    %sub3A_328 = vector.broadcast %transpose3A_10 : vector<256x1xf32> to vector<256x128xf32>
    %sub3A_329 = vector.broadcast %slice3A_327 : vector<1x128xf32> to vector<256x128xf32>
    %sub3A_330 = arith.subf %sub3A_328, %sub3A_329 : vector<256x128xf32>
    %integer_pow3A_331 = arith.mulf %sub3A_330, %sub3A_330 : vector<256x128xf32>
    %add3A_332 = arith.addf %integer_pow3A_326, %integer_pow3A_331 : vector<256x128xf32>
    %slice3A_333 = vector.extract_strided_slice %slice3A_321 {offsets = [2, 0], sizes = [1, 128], strides = [1, 1]} : vector<3x128xf32> to vector<1x128xf32>
    %sub3A_334 = vector.broadcast %transpose3A_12 : vector<256x1xf32> to vector<256x128xf32>
    %sub3A_335 = vector.broadcast %slice3A_333 : vector<1x128xf32> to vector<256x128xf32>
    %sub3A_336 = arith.subf %sub3A_334, %sub3A_335 : vector<256x128xf32>
    %integer_pow3A_337 = arith.mulf %sub3A_336, %sub3A_336 : vector<256x128xf32>
    %add3A_338 = arith.addf %add3A_332, %integer_pow3A_337 : vector<256x128xf32>
    %max3A_339 = arith.constant 9.99999996E-13 : f32
    %max3A_340 = vector.broadcast %max3A_339 : f32 to vector<256x128xf32>
    %max3A_341 = arith.maximumf %add3A_338, %max3A_340 : vector<256x128xf32>
    %max3A_342 = arith.maximumf %min3A_320, %max3A_341 : vector<256x128xf32>
    %min3A_343 = arith.minimumf %min3A_319, %max3A_342 : vector<256x128xf32>
    %min3A_344 = arith.minimumf %min3A_320, %max3A_341 : vector<256x128xf32>
    %slice3A_345 = vector.extract_strided_slice %get3A_8 {offsets = [0, 1792], sizes = [3, 128], strides = [1, 1]} : vector<3x2048xf32> to vector<3x128xf32>
    %slice3A_346 = vector.extract_strided_slice %slice3A_345 {offsets = [0, 0], sizes = [1, 128], strides = [1, 1]} : vector<3x128xf32> to vector<1x128xf32>
    %sub3A_347 = vector.broadcast %transpose3A : vector<256x1xf32> to vector<256x128xf32>
    %sub3A_348 = vector.broadcast %slice3A_346 : vector<1x128xf32> to vector<256x128xf32>
    %sub3A_349 = arith.subf %sub3A_347, %sub3A_348 : vector<256x128xf32>
    %integer_pow3A_350 = arith.mulf %sub3A_349, %sub3A_349 : vector<256x128xf32>
    %slice3A_351 = vector.extract_strided_slice %slice3A_345 {offsets = [1, 0], sizes = [1, 128], strides = [1, 1]} : vector<3x128xf32> to vector<1x128xf32>
    %sub3A_352 = vector.broadcast %transpose3A_10 : vector<256x1xf32> to vector<256x128xf32>
    %sub3A_353 = vector.broadcast %slice3A_351 : vector<1x128xf32> to vector<256x128xf32>
    %sub3A_354 = arith.subf %sub3A_352, %sub3A_353 : vector<256x128xf32>
    %integer_pow3A_355 = arith.mulf %sub3A_354, %sub3A_354 : vector<256x128xf32>
    %add3A_356 = arith.addf %integer_pow3A_350, %integer_pow3A_355 : vector<256x128xf32>
    %slice3A_357 = vector.extract_strided_slice %slice3A_345 {offsets = [2, 0], sizes = [1, 128], strides = [1, 1]} : vector<3x128xf32> to vector<1x128xf32>
    %sub3A_358 = vector.broadcast %transpose3A_12 : vector<256x1xf32> to vector<256x128xf32>
    %sub3A_359 = vector.broadcast %slice3A_357 : vector<1x128xf32> to vector<256x128xf32>
    %sub3A_360 = arith.subf %sub3A_358, %sub3A_359 : vector<256x128xf32>
    %integer_pow3A_361 = arith.mulf %sub3A_360, %sub3A_360 : vector<256x128xf32>
    %add3A_362 = arith.addf %add3A_356, %integer_pow3A_361 : vector<256x128xf32>
    %max3A_363 = arith.constant 9.99999996E-13 : f32
    %max3A_364 = vector.broadcast %max3A_363 : f32 to vector<256x128xf32>
    %max3A_365 = arith.maximumf %add3A_362, %max3A_364 : vector<256x128xf32>
    %max3A_366 = arith.maximumf %min3A_344, %max3A_365 : vector<256x128xf32>
    %min3A_367 = arith.minimumf %min3A_343, %max3A_366 : vector<256x128xf32>
    %min3A_368 = arith.minimumf %min3A_344, %max3A_365 : vector<256x128xf32>
    %slice3A_369 = vector.extract_strided_slice %get3A_8 {offsets = [0, 1920], sizes = [3, 128], strides = [1, 1]} : vector<3x2048xf32> to vector<3x128xf32>
    %slice3A_370 = vector.extract_strided_slice %slice3A_369 {offsets = [0, 0], sizes = [1, 128], strides = [1, 1]} : vector<3x128xf32> to vector<1x128xf32>
    %sub3A_371 = vector.broadcast %transpose3A : vector<256x1xf32> to vector<256x128xf32>
    %sub3A_372 = vector.broadcast %slice3A_370 : vector<1x128xf32> to vector<256x128xf32>
    %sub3A_373 = arith.subf %sub3A_371, %sub3A_372 : vector<256x128xf32>
    %integer_pow3A_374 = arith.mulf %sub3A_373, %sub3A_373 : vector<256x128xf32>
    %slice3A_375 = vector.extract_strided_slice %slice3A_369 {offsets = [1, 0], sizes = [1, 128], strides = [1, 1]} : vector<3x128xf32> to vector<1x128xf32>
    %sub3A_376 = vector.broadcast %transpose3A_10 : vector<256x1xf32> to vector<256x128xf32>
    %sub3A_377 = vector.broadcast %slice3A_375 : vector<1x128xf32> to vector<256x128xf32>
    %sub3A_378 = arith.subf %sub3A_376, %sub3A_377 : vector<256x128xf32>
    %integer_pow3A_379 = arith.mulf %sub3A_378, %sub3A_378 : vector<256x128xf32>
    %add3A_380 = arith.addf %integer_pow3A_374, %integer_pow3A_379 : vector<256x128xf32>
    %slice3A_381 = vector.extract_strided_slice %slice3A_369 {offsets = [2, 0], sizes = [1, 128], strides = [1, 1]} : vector<3x128xf32> to vector<1x128xf32>
    %sub3A_382 = vector.broadcast %transpose3A_12 : vector<256x1xf32> to vector<256x128xf32>
    %sub3A_383 = vector.broadcast %slice3A_381 : vector<1x128xf32> to vector<256x128xf32>
    %sub3A_384 = arith.subf %sub3A_382, %sub3A_383 : vector<256x128xf32>
    %integer_pow3A_385 = arith.mulf %sub3A_384, %sub3A_384 : vector<256x128xf32>
    %add3A_386 = arith.addf %add3A_380, %integer_pow3A_385 : vector<256x128xf32>
    %max3A_387 = arith.constant 9.99999996E-13 : f32
    %max3A_388 = vector.broadcast %max3A_387 : f32 to vector<256x128xf32>
    %max3A_389 = arith.maximumf %add3A_386, %max3A_388 : vector<256x128xf32>
    %max3A_390 = arith.maximumf %min3A_368, %max3A_389 : vector<256x128xf32>
    %min3A_391 = arith.minimumf %min3A_367, %max3A_390 : vector<256x128xf32>
    %min3A_392 = arith.minimumf %min3A_368, %max3A_389 : vector<256x128xf32>
    %concatenate3A = tpu.concatenate %max3A_30, %max3A_53, %max3A_77, %max3A_101, %max3A_125, %max3A_149, %max3A_173, %max3A_197, %max3A_221, %max3A_245, %max3A_269, %max3A_293, %max3A_317, %max3A_341, %max3A_365, %max3A_389 in 1 : vector<256x128xf32>, vector<256x128xf32>, vector<256x128xf32>, vector<256x128xf32>, vector<256x128xf32>, vector<256x128xf32>, vector<256x128xf32>, vector<256x128xf32>, vector<256x128xf32>, vector<256x128xf32>, vector<256x128xf32>, vector<256x128xf32>, vector<256x128xf32>, vector<256x128xf32>, vector<256x128xf32>, vector<256x128xf32> -> vector<256x2048xf32>
    %reduce_min3A = arith.constant dense<0x7F800000> : vector<256xf32>
    %reduce_min3A_393 = vector.multi_reduction <minimumf>, %min3A_392, %reduce_min3A [1] : vector<256x128xf32> to vector<256xf32>
    %broadcast_in_dim3A_394 = vector.shape_cast %reduce_min3A_393 : vector<256xf32> to vector<256x1xf32>
    %eq3A = vector.broadcast %broadcast_in_dim3A_394 : vector<256x1xf32> to vector<256x128xf32>
    %eq3A_395 = arith.cmpf oeq, %min3A_392, %eq3A : vector<256x128xf32>
    %convert_element_type3A = arith.extui %eq3A_395 : vector<256x128xi1> to vector<256x128xi32>
    %convert_element_type3A_396 = arith.sitofp %convert_element_type3A : vector<256x128xi32> to vector<256x128xf32>
    %reduce_sum3A = arith.constant dense<0.000000e+00> : vector<256xf32>
    %reduce_sum3A_397 = vector.multi_reduction <add>, %convert_element_type3A_396, %reduce_sum3A [1] : vector<256x128xf32> to vector<256xf32>
    %broadcast_in_dim3A_398 = vector.shape_cast %reduce_sum3A_397 : vector<256xf32> to vector<256x1xf32>
    %jit3A = arith.constant 3.000000e+38 : f32
    %broadcast_in_dim3A_399 = vector.broadcast %jit3A : f32 to vector<256x128xf32>
    %select_n3A = arith.select %eq3A_395, %broadcast_in_dim3A_399, %min3A_392 : vector<256x128xi1>, vector<256x128xf32>
    %reduce_min3A_400 = arith.constant dense<0x7F800000> : vector<256xf32>
    %reduce_min3A_401 = vector.multi_reduction <minimumf>, %select_n3A, %reduce_min3A_400 [1] : vector<256x128xf32> to vector<256xf32>
    %broadcast_in_dim3A_402 = vector.shape_cast %reduce_min3A_401 : vector<256xf32> to vector<256x1xf32>
    %reduce_min3A_403 = arith.constant dense<0x7F800000> : vector<256xf32>
    %reduce_min3A_404 = vector.multi_reduction <minimumf>, %min3A_391, %reduce_min3A_403 [1] : vector<256x128xf32> to vector<256xf32>
    %broadcast_in_dim3A_405 = vector.shape_cast %reduce_min3A_404 : vector<256xf32> to vector<256x1xf32>
    %gt3A = arith.constant 1.000000e+00 : f32
    %gt3A_406 = vector.broadcast %gt3A : f32 to vector<256x1xf32>
    %gt3A_407 = arith.cmpf ogt, %broadcast_in_dim3A_398, %gt3A_406 : vector<256x1xf32>
    %min3A_408 = arith.minimumf %broadcast_in_dim3A_402, %broadcast_in_dim3A_405 : vector<256x1xf32>
    %select_n3A_409 = arith.select %gt3A_407, %broadcast_in_dim3A_394, %min3A_408 : vector<256x1xi1>, vector<256x1xf32>
    %sqrt3A = math.sqrt %broadcast_in_dim3A_394 : vector<256x1xf32>
    %max3A_410 = arith.constant 9.99999997E-7 : f32
    %max3A_411 = vector.broadcast %max3A_410 : f32 to vector<256x1xf32>
    %max3A_412 = arith.maximumf %sqrt3A, %max3A_411 : vector<256x1xf32>
    %sqrt3A_413 = math.sqrt %select_n3A_409 : vector<256x1xf32>
    %max3A_414 = arith.constant 9.99999997E-7 : f32
    %max3A_415 = vector.broadcast %max3A_414 : f32 to vector<256x1xf32>
    %max3A_416 = arith.maximumf %sqrt3A_413, %max3A_415 : vector<256x1xf32>
    %sub3A_417 = arith.subf %max3A_416, %max3A_412 : vector<256x1xf32>
    %mul3A = arith.constant 0.11098256 : f32
    %mul3A_418 = vector.broadcast %mul3A : f32 to vector<256x1xf32>
    %mul3A_419 = arith.mulf %sub3A_417, %mul3A_418 : vector<256x1xf32>
    %max3A_420 = arith.constant 9.99999997E-7 : f32
    %max3A_421 = vector.broadcast %max3A_420 : f32 to vector<256x1xf32>
    %max3A_422 = arith.maximumf %mul3A_419, %max3A_421 : vector<256x1xf32>
    %div3A = arith.constant 1.000000e+00 : f32
    %div3A_423 = vector.broadcast %div3A : f32 to vector<256x1xf32>
    %div3A_424 = arith.divf %div3A_423, %max3A_422 : vector<256x1xf32>
    %broadcast_in_dim3A_425 = arith.constant 0.000000e+00 : f32
    %broadcast_in_dim3A_426 = vector.broadcast %broadcast_in_dim3A_425 : f32 to vector<256x128xf32>
    %slice3A_427 = vector.extract_strided_slice %concatenate3A {offsets = [0, 0], sizes = [256, 128], strides = [1, 1]} : vector<256x2048xf32> to vector<256x128xf32>
    %rsqrt3A = math.rsqrt %slice3A_427 : vector<256x128xf32>
    %mul3A_428 = arith.mulf %slice3A_427, %rsqrt3A : vector<256x128xf32>
    %max3A_429 = arith.constant 9.99999997E-7 : f32
    %max3A_430 = vector.broadcast %max3A_429 : f32 to vector<256x128xf32>
    %max3A_431 = arith.maximumf %mul3A_428, %max3A_430 : vector<256x128xf32>
    %sub3A_432 = vector.broadcast %max3A_412 : vector<256x1xf32> to vector<256x128xf32>
    %sub3A_433 = arith.subf %sub3A_432, %max3A_431 : vector<256x128xf32>
    %mul3A_434 = vector.broadcast %div3A_424 : vector<256x1xf32> to vector<256x128xf32>
    %mul3A_435 = arith.mulf %sub3A_433, %mul3A_434 : vector<256x128xf32>
    %exp3A = math.exp %mul3A_435 : vector<256x128xf32>
    %add3A_436 = arith.addf %broadcast_in_dim3A_426, %exp3A : vector<256x128xf32>
    %mul3A_437 = arith.mulf %exp3A, %max3A_431 : vector<256x128xf32>
    %add3A_438 = arith.addf %broadcast_in_dim3A_426, %mul3A_437 : vector<256x128xf32>
    %slice3A_439 = vector.extract_strided_slice %concatenate3A {offsets = [0, 128], sizes = [256, 128], strides = [1, 1]} : vector<256x2048xf32> to vector<256x128xf32>
    %rsqrt3A_440 = math.rsqrt %slice3A_439 : vector<256x128xf32>
    %mul3A_441 = arith.mulf %slice3A_439, %rsqrt3A_440 : vector<256x128xf32>
    %max3A_442 = arith.constant 9.99999997E-7 : f32
    %max3A_443 = vector.broadcast %max3A_442 : f32 to vector<256x128xf32>
    %max3A_444 = arith.maximumf %mul3A_441, %max3A_443 : vector<256x128xf32>
    %sub3A_445 = vector.broadcast %max3A_412 : vector<256x1xf32> to vector<256x128xf32>
    %sub3A_446 = arith.subf %sub3A_445, %max3A_444 : vector<256x128xf32>
    %mul3A_447 = vector.broadcast %div3A_424 : vector<256x1xf32> to vector<256x128xf32>
    %mul3A_448 = arith.mulf %sub3A_446, %mul3A_447 : vector<256x128xf32>
    %exp3A_449 = math.exp %mul3A_448 : vector<256x128xf32>
    %add3A_450 = arith.addf %add3A_436, %exp3A_449 : vector<256x128xf32>
    %mul3A_451 = arith.mulf %exp3A_449, %max3A_444 : vector<256x128xf32>
    %add3A_452 = arith.addf %add3A_438, %mul3A_451 : vector<256x128xf32>
    %slice3A_453 = vector.extract_strided_slice %concatenate3A {offsets = [0, 256], sizes = [256, 128], strides = [1, 1]} : vector<256x2048xf32> to vector<256x128xf32>
    %rsqrt3A_454 = math.rsqrt %slice3A_453 : vector<256x128xf32>
    %mul3A_455 = arith.mulf %slice3A_453, %rsqrt3A_454 : vector<256x128xf32>
    %max3A_456 = arith.constant 9.99999997E-7 : f32
    %max3A_457 = vector.broadcast %max3A_456 : f32 to vector<256x128xf32>
    %max3A_458 = arith.maximumf %mul3A_455, %max3A_457 : vector<256x128xf32>
    %sub3A_459 = vector.broadcast %max3A_412 : vector<256x1xf32> to vector<256x128xf32>
    %sub3A_460 = arith.subf %sub3A_459, %max3A_458 : vector<256x128xf32>
    %mul3A_461 = vector.broadcast %div3A_424 : vector<256x1xf32> to vector<256x128xf32>
    %mul3A_462 = arith.mulf %sub3A_460, %mul3A_461 : vector<256x128xf32>
    %exp3A_463 = math.exp %mul3A_462 : vector<256x128xf32>
    %add3A_464 = arith.addf %add3A_450, %exp3A_463 : vector<256x128xf32>
    %mul3A_465 = arith.mulf %exp3A_463, %max3A_458 : vector<256x128xf32>
    %add3A_466 = arith.addf %add3A_452, %mul3A_465 : vector<256x128xf32>
    %slice3A_467 = vector.extract_strided_slice %concatenate3A {offsets = [0, 384], sizes = [256, 128], strides = [1, 1]} : vector<256x2048xf32> to vector<256x128xf32>
    %rsqrt3A_468 = math.rsqrt %slice3A_467 : vector<256x128xf32>
    %mul3A_469 = arith.mulf %slice3A_467, %rsqrt3A_468 : vector<256x128xf32>
    %max3A_470 = arith.constant 9.99999997E-7 : f32
    %max3A_471 = vector.broadcast %max3A_470 : f32 to vector<256x128xf32>
    %max3A_472 = arith.maximumf %mul3A_469, %max3A_471 : vector<256x128xf32>
    %sub3A_473 = vector.broadcast %max3A_412 : vector<256x1xf32> to vector<256x128xf32>
    %sub3A_474 = arith.subf %sub3A_473, %max3A_472 : vector<256x128xf32>
    %mul3A_475 = vector.broadcast %div3A_424 : vector<256x1xf32> to vector<256x128xf32>
    %mul3A_476 = arith.mulf %sub3A_474, %mul3A_475 : vector<256x128xf32>
    %exp3A_477 = math.exp %mul3A_476 : vector<256x128xf32>
    %add3A_478 = arith.addf %add3A_464, %exp3A_477 : vector<256x128xf32>
    %mul3A_479 = arith.mulf %exp3A_477, %max3A_472 : vector<256x128xf32>
    %add3A_480 = arith.addf %add3A_466, %mul3A_479 : vector<256x128xf32>
    %slice3A_481 = vector.extract_strided_slice %concatenate3A {offsets = [0, 512], sizes = [256, 128], strides = [1, 1]} : vector<256x2048xf32> to vector<256x128xf32>
    %rsqrt3A_482 = math.rsqrt %slice3A_481 : vector<256x128xf32>
    %mul3A_483 = arith.mulf %slice3A_481, %rsqrt3A_482 : vector<256x128xf32>
    %max3A_484 = arith.constant 9.99999997E-7 : f32
    %max3A_485 = vector.broadcast %max3A_484 : f32 to vector<256x128xf32>
    %max3A_486 = arith.maximumf %mul3A_483, %max3A_485 : vector<256x128xf32>
    %sub3A_487 = vector.broadcast %max3A_412 : vector<256x1xf32> to vector<256x128xf32>
    %sub3A_488 = arith.subf %sub3A_487, %max3A_486 : vector<256x128xf32>
    %mul3A_489 = vector.broadcast %div3A_424 : vector<256x1xf32> to vector<256x128xf32>
    %mul3A_490 = arith.mulf %sub3A_488, %mul3A_489 : vector<256x128xf32>
    %exp3A_491 = math.exp %mul3A_490 : vector<256x128xf32>
    %add3A_492 = arith.addf %add3A_478, %exp3A_491 : vector<256x128xf32>
    %mul3A_493 = arith.mulf %exp3A_491, %max3A_486 : vector<256x128xf32>
    %add3A_494 = arith.addf %add3A_480, %mul3A_493 : vector<256x128xf32>
    %slice3A_495 = vector.extract_strided_slice %concatenate3A {offsets = [0, 640], sizes = [256, 128], strides = [1, 1]} : vector<256x2048xf32> to vector<256x128xf32>
    %rsqrt3A_496 = math.rsqrt %slice3A_495 : vector<256x128xf32>
    %mul3A_497 = arith.mulf %slice3A_495, %rsqrt3A_496 : vector<256x128xf32>
    %max3A_498 = arith.constant 9.99999997E-7 : f32
    %max3A_499 = vector.broadcast %max3A_498 : f32 to vector<256x128xf32>
    %max3A_500 = arith.maximumf %mul3A_497, %max3A_499 : vector<256x128xf32>
    %sub3A_501 = vector.broadcast %max3A_412 : vector<256x1xf32> to vector<256x128xf32>
    %sub3A_502 = arith.subf %sub3A_501, %max3A_500 : vector<256x128xf32>
    %mul3A_503 = vector.broadcast %div3A_424 : vector<256x1xf32> to vector<256x128xf32>
    %mul3A_504 = arith.mulf %sub3A_502, %mul3A_503 : vector<256x128xf32>
    %exp3A_505 = math.exp %mul3A_504 : vector<256x128xf32>
    %add3A_506 = arith.addf %add3A_492, %exp3A_505 : vector<256x128xf32>
    %mul3A_507 = arith.mulf %exp3A_505, %max3A_500 : vector<256x128xf32>
    %add3A_508 = arith.addf %add3A_494, %mul3A_507 : vector<256x128xf32>
    %slice3A_509 = vector.extract_strided_slice %concatenate3A {offsets = [0, 768], sizes = [256, 128], strides = [1, 1]} : vector<256x2048xf32> to vector<256x128xf32>
    %rsqrt3A_510 = math.rsqrt %slice3A_509 : vector<256x128xf32>
    %mul3A_511 = arith.mulf %slice3A_509, %rsqrt3A_510 : vector<256x128xf32>
    %max3A_512 = arith.constant 9.99999997E-7 : f32
    %max3A_513 = vector.broadcast %max3A_512 : f32 to vector<256x128xf32>
    %max3A_514 = arith.maximumf %mul3A_511, %max3A_513 : vector<256x128xf32>
    %sub3A_515 = vector.broadcast %max3A_412 : vector<256x1xf32> to vector<256x128xf32>
    %sub3A_516 = arith.subf %sub3A_515, %max3A_514 : vector<256x128xf32>
    %mul3A_517 = vector.broadcast %div3A_424 : vector<256x1xf32> to vector<256x128xf32>
    %mul3A_518 = arith.mulf %sub3A_516, %mul3A_517 : vector<256x128xf32>
    %exp3A_519 = math.exp %mul3A_518 : vector<256x128xf32>
    %add3A_520 = arith.addf %add3A_506, %exp3A_519 : vector<256x128xf32>
    %mul3A_521 = arith.mulf %exp3A_519, %max3A_514 : vector<256x128xf32>
    %add3A_522 = arith.addf %add3A_508, %mul3A_521 : vector<256x128xf32>
    %slice3A_523 = vector.extract_strided_slice %concatenate3A {offsets = [0, 896], sizes = [256, 128], strides = [1, 1]} : vector<256x2048xf32> to vector<256x128xf32>
    %rsqrt3A_524 = math.rsqrt %slice3A_523 : vector<256x128xf32>
    %mul3A_525 = arith.mulf %slice3A_523, %rsqrt3A_524 : vector<256x128xf32>
    %max3A_526 = arith.constant 9.99999997E-7 : f32
    %max3A_527 = vector.broadcast %max3A_526 : f32 to vector<256x128xf32>
    %max3A_528 = arith.maximumf %mul3A_525, %max3A_527 : vector<256x128xf32>
    %sub3A_529 = vector.broadcast %max3A_412 : vector<256x1xf32> to vector<256x128xf32>
    %sub3A_530 = arith.subf %sub3A_529, %max3A_528 : vector<256x128xf32>
    %mul3A_531 = vector.broadcast %div3A_424 : vector<256x1xf32> to vector<256x128xf32>
    %mul3A_532 = arith.mulf %sub3A_530, %mul3A_531 : vector<256x128xf32>
    %exp3A_533 = math.exp %mul3A_532 : vector<256x128xf32>
    %add3A_534 = arith.addf %add3A_520, %exp3A_533 : vector<256x128xf32>
    %mul3A_535 = arith.mulf %exp3A_533, %max3A_528 : vector<256x128xf32>
    %add3A_536 = arith.addf %add3A_522, %mul3A_535 : vector<256x128xf32>
    %slice3A_537 = vector.extract_strided_slice %concatenate3A {offsets = [0, 1024], sizes = [256, 128], strides = [1, 1]} : vector<256x2048xf32> to vector<256x128xf32>
    %rsqrt3A_538 = math.rsqrt %slice3A_537 : vector<256x128xf32>
    %mul3A_539 = arith.mulf %slice3A_537, %rsqrt3A_538 : vector<256x128xf32>
    %max3A_540 = arith.constant 9.99999997E-7 : f32
    %max3A_541 = vector.broadcast %max3A_540 : f32 to vector<256x128xf32>
    %max3A_542 = arith.maximumf %mul3A_539, %max3A_541 : vector<256x128xf32>
    %sub3A_543 = vector.broadcast %max3A_412 : vector<256x1xf32> to vector<256x128xf32>
    %sub3A_544 = arith.subf %sub3A_543, %max3A_542 : vector<256x128xf32>
    %mul3A_545 = vector.broadcast %div3A_424 : vector<256x1xf32> to vector<256x128xf32>
    %mul3A_546 = arith.mulf %sub3A_544, %mul3A_545 : vector<256x128xf32>
    %exp3A_547 = math.exp %mul3A_546 : vector<256x128xf32>
    %add3A_548 = arith.addf %add3A_534, %exp3A_547 : vector<256x128xf32>
    %mul3A_549 = arith.mulf %exp3A_547, %max3A_542 : vector<256x128xf32>
    %add3A_550 = arith.addf %add3A_536, %mul3A_549 : vector<256x128xf32>
    %slice3A_551 = vector.extract_strided_slice %concatenate3A {offsets = [0, 1152], sizes = [256, 128], strides = [1, 1]} : vector<256x2048xf32> to vector<256x128xf32>
    %rsqrt3A_552 = math.rsqrt %slice3A_551 : vector<256x128xf32>
    %mul3A_553 = arith.mulf %slice3A_551, %rsqrt3A_552 : vector<256x128xf32>
    %max3A_554 = arith.constant 9.99999997E-7 : f32
    %max3A_555 = vector.broadcast %max3A_554 : f32 to vector<256x128xf32>
    %max3A_556 = arith.maximumf %mul3A_553, %max3A_555 : vector<256x128xf32>
    %sub3A_557 = vector.broadcast %max3A_412 : vector<256x1xf32> to vector<256x128xf32>
    %sub3A_558 = arith.subf %sub3A_557, %max3A_556 : vector<256x128xf32>
    %mul3A_559 = vector.broadcast %div3A_424 : vector<256x1xf32> to vector<256x128xf32>
    %mul3A_560 = arith.mulf %sub3A_558, %mul3A_559 : vector<256x128xf32>
    %exp3A_561 = math.exp %mul3A_560 : vector<256x128xf32>
    %add3A_562 = arith.addf %add3A_548, %exp3A_561 : vector<256x128xf32>
    %mul3A_563 = arith.mulf %exp3A_561, %max3A_556 : vector<256x128xf32>
    %add3A_564 = arith.addf %add3A_550, %mul3A_563 : vector<256x128xf32>
    %slice3A_565 = vector.extract_strided_slice %concatenate3A {offsets = [0, 1280], sizes = [256, 128], strides = [1, 1]} : vector<256x2048xf32> to vector<256x128xf32>
    %rsqrt3A_566 = math.rsqrt %slice3A_565 : vector<256x128xf32>
    %mul3A_567 = arith.mulf %slice3A_565, %rsqrt3A_566 : vector<256x128xf32>
    %max3A_568 = arith.constant 9.99999997E-7 : f32
    %max3A_569 = vector.broadcast %max3A_568 : f32 to vector<256x128xf32>
    %max3A_570 = arith.maximumf %mul3A_567, %max3A_569 : vector<256x128xf32>
    %sub3A_571 = vector.broadcast %max3A_412 : vector<256x1xf32> to vector<256x128xf32>
    %sub3A_572 = arith.subf %sub3A_571, %max3A_570 : vector<256x128xf32>
    %mul3A_573 = vector.broadcast %div3A_424 : vector<256x1xf32> to vector<256x128xf32>
    %mul3A_574 = arith.mulf %sub3A_572, %mul3A_573 : vector<256x128xf32>
    %exp3A_575 = math.exp %mul3A_574 : vector<256x128xf32>
    %add3A_576 = arith.addf %add3A_562, %exp3A_575 : vector<256x128xf32>
    %mul3A_577 = arith.mulf %exp3A_575, %max3A_570 : vector<256x128xf32>
    %add3A_578 = arith.addf %add3A_564, %mul3A_577 : vector<256x128xf32>
    %slice3A_579 = vector.extract_strided_slice %concatenate3A {offsets = [0, 1408], sizes = [256, 128], strides = [1, 1]} : vector<256x2048xf32> to vector<256x128xf32>
    %rsqrt3A_580 = math.rsqrt %slice3A_579 : vector<256x128xf32>
    %mul3A_581 = arith.mulf %slice3A_579, %rsqrt3A_580 : vector<256x128xf32>
    %max3A_582 = arith.constant 9.99999997E-7 : f32
    %max3A_583 = vector.broadcast %max3A_582 : f32 to vector<256x128xf32>
    %max3A_584 = arith.maximumf %mul3A_581, %max3A_583 : vector<256x128xf32>
    %sub3A_585 = vector.broadcast %max3A_412 : vector<256x1xf32> to vector<256x128xf32>
    %sub3A_586 = arith.subf %sub3A_585, %max3A_584 : vector<256x128xf32>
    %mul3A_587 = vector.broadcast %div3A_424 : vector<256x1xf32> to vector<256x128xf32>
    %mul3A_588 = arith.mulf %sub3A_586, %mul3A_587 : vector<256x128xf32>
    %exp3A_589 = math.exp %mul3A_588 : vector<256x128xf32>
    %add3A_590 = arith.addf %add3A_576, %exp3A_589 : vector<256x128xf32>
    %mul3A_591 = arith.mulf %exp3A_589, %max3A_584 : vector<256x128xf32>
    %add3A_592 = arith.addf %add3A_578, %mul3A_591 : vector<256x128xf32>
    %slice3A_593 = vector.extract_strided_slice %concatenate3A {offsets = [0, 1536], sizes = [256, 128], strides = [1, 1]} : vector<256x2048xf32> to vector<256x128xf32>
    %rsqrt3A_594 = math.rsqrt %slice3A_593 : vector<256x128xf32>
    %mul3A_595 = arith.mulf %slice3A_593, %rsqrt3A_594 : vector<256x128xf32>
    %max3A_596 = arith.constant 9.99999997E-7 : f32
    %max3A_597 = vector.broadcast %max3A_596 : f32 to vector<256x128xf32>
    %max3A_598 = arith.maximumf %mul3A_595, %max3A_597 : vector<256x128xf32>
    %sub3A_599 = vector.broadcast %max3A_412 : vector<256x1xf32> to vector<256x128xf32>
    %sub3A_600 = arith.subf %sub3A_599, %max3A_598 : vector<256x128xf32>
    %mul3A_601 = vector.broadcast %div3A_424 : vector<256x1xf32> to vector<256x128xf32>
    %mul3A_602 = arith.mulf %sub3A_600, %mul3A_601 : vector<256x128xf32>
    %exp3A_603 = math.exp %mul3A_602 : vector<256x128xf32>
    %add3A_604 = arith.addf %add3A_590, %exp3A_603 : vector<256x128xf32>
    %mul3A_605 = arith.mulf %exp3A_603, %max3A_598 : vector<256x128xf32>
    %add3A_606 = arith.addf %add3A_592, %mul3A_605 : vector<256x128xf32>
    %slice3A_607 = vector.extract_strided_slice %concatenate3A {offsets = [0, 1664], sizes = [256, 128], strides = [1, 1]} : vector<256x2048xf32> to vector<256x128xf32>
    %rsqrt3A_608 = math.rsqrt %slice3A_607 : vector<256x128xf32>
    %mul3A_609 = arith.mulf %slice3A_607, %rsqrt3A_608 : vector<256x128xf32>
    %max3A_610 = arith.constant 9.99999997E-7 : f32
    %max3A_611 = vector.broadcast %max3A_610 : f32 to vector<256x128xf32>
    %max3A_612 = arith.maximumf %mul3A_609, %max3A_611 : vector<256x128xf32>
    %sub3A_613 = vector.broadcast %max3A_412 : vector<256x1xf32> to vector<256x128xf32>
    %sub3A_614 = arith.subf %sub3A_613, %max3A_612 : vector<256x128xf32>
    %mul3A_615 = vector.broadcast %div3A_424 : vector<256x1xf32> to vector<256x128xf32>
    %mul3A_616 = arith.mulf %sub3A_614, %mul3A_615 : vector<256x128xf32>
    %exp3A_617 = math.exp %mul3A_616 : vector<256x128xf32>
    %add3A_618 = arith.addf %add3A_604, %exp3A_617 : vector<256x128xf32>
    %mul3A_619 = arith.mulf %exp3A_617, %max3A_612 : vector<256x128xf32>
    %add3A_620 = arith.addf %add3A_606, %mul3A_619 : vector<256x128xf32>
    %slice3A_621 = vector.extract_strided_slice %concatenate3A {offsets = [0, 1792], sizes = [256, 128], strides = [1, 1]} : vector<256x2048xf32> to vector<256x128xf32>
    %rsqrt3A_622 = math.rsqrt %slice3A_621 : vector<256x128xf32>
    %mul3A_623 = arith.mulf %slice3A_621, %rsqrt3A_622 : vector<256x128xf32>
    %max3A_624 = arith.constant 9.99999997E-7 : f32
    %max3A_625 = vector.broadcast %max3A_624 : f32 to vector<256x128xf32>
    %max3A_626 = arith.maximumf %mul3A_623, %max3A_625 : vector<256x128xf32>
    %sub3A_627 = vector.broadcast %max3A_412 : vector<256x1xf32> to vector<256x128xf32>
    %sub3A_628 = arith.subf %sub3A_627, %max3A_626 : vector<256x128xf32>
    %mul3A_629 = vector.broadcast %div3A_424 : vector<256x1xf32> to vector<256x128xf32>
    %mul3A_630 = arith.mulf %sub3A_628, %mul3A_629 : vector<256x128xf32>
    %exp3A_631 = math.exp %mul3A_630 : vector<256x128xf32>
    %add3A_632 = arith.addf %add3A_618, %exp3A_631 : vector<256x128xf32>
    %mul3A_633 = arith.mulf %exp3A_631, %max3A_626 : vector<256x128xf32>
    %add3A_634 = arith.addf %add3A_620, %mul3A_633 : vector<256x128xf32>
    %slice3A_635 = vector.extract_strided_slice %concatenate3A {offsets = [0, 1920], sizes = [256, 128], strides = [1, 1]} : vector<256x2048xf32> to vector<256x128xf32>
    %rsqrt3A_636 = math.rsqrt %slice3A_635 : vector<256x128xf32>
    %mul3A_637 = arith.mulf %slice3A_635, %rsqrt3A_636 : vector<256x128xf32>
    %max3A_638 = arith.constant 9.99999997E-7 : f32
    %max3A_639 = vector.broadcast %max3A_638 : f32 to vector<256x128xf32>
    %max3A_640 = arith.maximumf %mul3A_637, %max3A_639 : vector<256x128xf32>
    %sub3A_641 = vector.broadcast %max3A_412 : vector<256x1xf32> to vector<256x128xf32>
    %sub3A_642 = arith.subf %sub3A_641, %max3A_640 : vector<256x128xf32>
    %mul3A_643 = vector.broadcast %div3A_424 : vector<256x1xf32> to vector<256x128xf32>
    %mul3A_644 = arith.mulf %sub3A_642, %mul3A_643 : vector<256x128xf32>
    %exp3A_645 = math.exp %mul3A_644 : vector<256x128xf32>
    %add3A_646 = arith.addf %add3A_632, %exp3A_645 : vector<256x128xf32>
    %mul3A_647 = arith.mulf %exp3A_645, %max3A_640 : vector<256x128xf32>
    %add3A_648 = arith.addf %add3A_634, %mul3A_647 : vector<256x128xf32>
    %reduce_sum3A_649 = arith.constant dense<0.000000e+00> : vector<256xf32>
    %reduce_sum3A_650 = vector.multi_reduction <add>, %add3A_646, %reduce_sum3A_649 [1] : vector<256x128xf32> to vector<256xf32>
    %broadcast_in_dim3A_651 = vector.shape_cast %reduce_sum3A_650 : vector<256xf32> to vector<256x1xf32>
    %reduce_sum3A_652 = arith.constant dense<0.000000e+00> : vector<256xf32>
    %reduce_sum3A_653 = vector.multi_reduction <add>, %add3A_648, %reduce_sum3A_652 [1] : vector<256x128xf32> to vector<256xf32>
    %broadcast_in_dim3A_654 = vector.shape_cast %reduce_sum3A_653 : vector<256xf32> to vector<256x1xf32>
    %div3A_655 = arith.divf %broadcast_in_dim3A_654, %broadcast_in_dim3A_651 : vector<256x1xf32>
    %reduce_sum3A_656 = vector.shape_cast %div3A_655 : vector<256x1xf32> to vector<1x256x1xf32>
    %reduce_sum3A_657 = arith.constant dense<0.000000e+00> : vector<1xf32>
    %reduce_sum3A_658 = vector.multi_reduction <add>, %reduce_sum3A_656, %reduce_sum3A_657 [1, 2] : vector<1x256x1xf32> to vector<1xf32>
    %reduce_sum3A_659 = vector.shape_cast %reduce_sum3A_658 : vector<1xf32> to vector<1x1x1xf32>
    %reduce_sum3A_660 = vector.extract %reduce_sum3A_659[0, 0, 0] : f32 from vector<1x1x1xf32>
    %broadcast_in_dim3A_661 = vector.broadcast %reduce_sum3A_660 : f32 to vector<1x1xf32>
    %eq3A_662 = arith.constant 0 : i32
    %eq3A_663 = arith.cmpi eq, %arg0, %eq3A_662 : i32
    %convert_element_type3A_664 = arith.extui %eq3A_663 : i1 to i32
    %cond3A = arith.constant 0 : i32
    %cond3A_665 = arith.cmpi ne, %convert_element_type3A_664, %cond3A : i32
    scf.if %cond3A_665 {
      %broadcast_in_dim3A_677 = arith.constant 0.000000e+00 : f32
      %broadcast_in_dim3A_678 = vector.broadcast %broadcast_in_dim3A_677 : f32 to vector<1x1xf32>
      %swap3A_679 = arith.constant 0 : index
      %swap3A_680 = arith.constant 0 : index
      %swap3A_681 = arith.constant 0 : index
      %swap3A_682 = vector.load %arg3[%swap3A_679, %swap3A_680, %swap3A_681] : memref<1x1x1xf32, #tpu.memory_space<vmem>>, vector<1x1x1xf32>
      %swap3A_683 = vector.shape_cast %swap3A_682 : vector<1x1x1xf32> to vector<1x1xf32>
      %swap3A_684 = vector.shape_cast %broadcast_in_dim3A_678 : vector<1x1xf32> to vector<1x1x1xf32>
      tpu.vector_store %arg3[%swap3A_679, %swap3A_680, %swap3A_681], %swap3A_684 {strides = array<i32>} : memref<1x1x1xf32, #tpu.memory_space<vmem>>, vector<1x1x1xf32>,
    } else {
    }
    %get3A_666 = arith.constant 0 : index
    %get3A_667 = arith.constant 0 : index
    %get3A_668 = arith.constant 0 : index
    %get3A_669 = vector.load %arg3[%get3A_666, %get3A_667, %get3A_668] : memref<1x1x1xf32, #tpu.memory_space<vmem>>, vector<1x1x1xf32>
    %get3A_670 = vector.shape_cast %get3A_669 : vector<1x1x1xf32> to vector<1x1xf32>
    %add3A_671 = arith.addf %get3A_670, %broadcast_in_dim3A_661 : vector<1x1xf32>
    %swap3A = arith.constant 0 : index
    %swap3A_672 = arith.constant 0 : index
    %swap3A_673 = arith.constant 0 : index
    %swap3A_674 = vector.load %arg3[%swap3A, %swap3A_672, %swap3A_673] : memref<1x1x1xf32, #tpu.memory_space<vmem>>, vector<1x1x1xf32>
    %swap3A_675 = vector.shape_cast %swap3A_674 : vector<1x1x1xf32> to vector<1x1xf32>
    %swap3A_676 = vector.shape_cast %add3A_671 : vector<1x1xf32> to vector<1x1x1xf32>
    tpu.vector_store %arg3[%swap3A, %swap3A_672, %swap3A_673], %swap3A_676 {strides = array<i32>} : memref<1x1x1xf32, #tpu.memory_space<vmem>>, vector<1x1x1xf32>,
    return
  }
  func.func @transform_0(%arg0: i32) -> (i32, i32, i32) {
    %jit3A = arith.constant 8 : i32
    %div3A = arith.divsi %arg0, %jit3A : i32
    %sign3A = arith.constant 0 : i32
    %sign3A_0 = arith.cmpi sgt, %arg0, %sign3A : i32
    %sign3A_1 = arith.extui %sign3A_0 : i1 to i32
    %sign3A_2 = arith.constant 0 : i32
    %sign3A_3 = arith.cmpi slt, %arg0, %sign3A_2 : i32
    %sign3A_4 = arith.extui %sign3A_3 : i1 to i32
    %sign3A_5 = arith.subi %sign3A_1, %sign3A_4 : i32
    %sign3A_6 = arith.constant 0 : i32
    %sign3A_7 = arith.cmpi sgt, %jit3A, %sign3A_6 : i32
    %sign3A_8 = arith.extui %sign3A_7 : i1 to i32
    %sign3A_9 = arith.constant 0 : i32
    %sign3A_10 = arith.cmpi slt, %jit3A, %sign3A_9 : i32
    %sign3A_11 = arith.extui %sign3A_10 : i1 to i32
    %sign3A_12 = arith.subi %sign3A_8, %sign3A_11 : i32
    %ne3A = arith.cmpi ne, %sign3A_5, %sign3A_12 : i32
    %rem3A = arith.remsi %arg0, %jit3A : i32
    %ne3A_13 = arith.constant 0 : i32
    %ne3A_14 = arith.cmpi ne, %rem3A, %ne3A_13 : i32
    %and3A = arith.andi %ne3A, %ne3A_14 : i1
    %sub3A = arith.constant 1 : i32
    %sub3A_15 = arith.subi %div3A, %sub3A : i32
    %select_n3A = arith.select %and3A, %sub3A_15, %div3A : i32
    %ge3A = arith.constant 3 : i32
    %ge3A_16 = arith.cmpi sge, %select_n3A, %ge3A : i32
    %add3A = arith.constant 2 : i32
    %add3A_17 = arith.addi %select_n3A, %add3A : i32
    %add3A_18 = arith.constant 1 : i32
    %add3A_19 = arith.addi %select_n3A, %add3A_18 : i32
    %select_n3A_20 = arith.select %ge3A_16, %add3A_17, %add3A_19 : i32
    %lt3A = arith.constant 48 : i32
    %lt3A_21 = arith.cmpi slt, %arg0, %lt3A : i32
    %jit3A_22 = arith.constant 4 : i32
    %select_n3A_23 = arith.select %lt3A_21, %select_n3A_20, %jit3A_22 : i32
    %lt3A_24 = arith.constant 48 : i32
    %lt3A_25 = arith.cmpi slt, %arg0, %lt3A_24 : i32
    %jit3A_26 = arith.constant 8 : i32
    %eq3A = arith.constant 0 : i32
    %eq3A_27 = arith.cmpi eq, %jit3A_26, %eq3A : i32
    %jit3A_28 = arith.constant 1 : i32
    %select_n3A_29 = arith.select %eq3A_27, %jit3A_28, %jit3A_26 : i32
    %rem3A_30 = arith.remsi %arg0, %select_n3A_29 : i32
    %ne3A_31 = arith.constant 0 : i32
    %ne3A_32 = arith.cmpi ne, %rem3A_30, %ne3A_31 : i32
    %lt3A_33 = arith.constant 0 : i32
    %lt3A_34 = arith.cmpi slt, %rem3A_30, %lt3A_33 : i32
    %lt3A_35 = arith.constant 0 : i32
    %lt3A_36 = arith.cmpi slt, %select_n3A_29, %lt3A_35 : i32
    %ne3A_37 = arith.xori %lt3A_34, %lt3A_36 : i1
    %and3A_38 = arith.andi %ne3A_37, %ne3A_32 : i1
    %add3A_39 = arith.addi %rem3A_30, %select_n3A_29 : i32
    %select_n3A_40 = arith.select %and3A_38, %add3A_39, %rem3A_30 : i32
    %sub3A_41 = arith.constant 48 : i32
    %sub3A_42 = arith.subi %arg0, %sub3A_41 : i32
    %add3A_43 = arith.constant 4 : i32
    %add3A_44 = arith.addi %sub3A_42, %add3A_43 : i32
    %select_n3A_45 = arith.select %lt3A_25, %select_n3A_40, %add3A_44 : i32
    %c0_i32 = arith.constant 0 : i32
    %c0_i32_46 = arith.constant 0 : i32
    return %select_n3A_23, %c0_i32, %select_n3A_45 : i32, i32, i32
  }
  func.func @transform_1(%arg0: i32) -> (i32, i32, i32) {
    %jit3A = arith.constant 8 : i32
    %div3A = arith.divsi %arg0, %jit3A : i32
    %sign3A = arith.constant 0 : i32
    %sign3A_0 = arith.cmpi sgt, %arg0, %sign3A : i32
    %sign3A_1 = arith.extui %sign3A_0 : i1 to i32
    %sign3A_2 = arith.constant 0 : i32
    %sign3A_3 = arith.cmpi slt, %arg0, %sign3A_2 : i32
    %sign3A_4 = arith.extui %sign3A_3 : i1 to i32
    %sign3A_5 = arith.subi %sign3A_1, %sign3A_4 : i32
    %sign3A_6 = arith.constant 0 : i32
    %sign3A_7 = arith.cmpi sgt, %jit3A, %sign3A_6 : i32
    %sign3A_8 = arith.extui %sign3A_7 : i1 to i32
    %sign3A_9 = arith.constant 0 : i32
    %sign3A_10 = arith.cmpi slt, %jit3A, %sign3A_9 : i32
    %sign3A_11 = arith.extui %sign3A_10 : i1 to i32
    %sign3A_12 = arith.subi %sign3A_8, %sign3A_11 : i32
    %ne3A = arith.cmpi ne, %sign3A_5, %sign3A_12 : i32
    %rem3A = arith.remsi %arg0, %jit3A : i32
    %ne3A_13 = arith.constant 0 : i32
    %ne3A_14 = arith.cmpi ne, %rem3A, %ne3A_13 : i32
    %and3A = arith.andi %ne3A, %ne3A_14 : i1
    %sub3A = arith.constant 1 : i32
    %sub3A_15 = arith.subi %div3A, %sub3A : i32
    %select_n3A = arith.select %and3A, %sub3A_15, %div3A : i32
    %ge3A = arith.constant 3 : i32
    %ge3A_16 = arith.cmpi sge, %select_n3A, %ge3A : i32
    %add3A = arith.constant 2 : i32
    %add3A_17 = arith.addi %select_n3A, %add3A : i32
    %add3A_18 = arith.constant 1 : i32
    %add3A_19 = arith.addi %select_n3A, %add3A_18 : i32
    %select_n3A_20 = arith.select %ge3A_16, %add3A_17, %add3A_19 : i32
    %lt3A = arith.constant 48 : i32
    %lt3A_21 = arith.cmpi slt, %arg0, %lt3A : i32
    %jit3A_22 = arith.constant 4 : i32
    %select_n3A_23 = arith.select %lt3A_21, %select_n3A_20, %jit3A_22 : i32
    %add3A_24 = arith.constant 4 : i32
    %add3A_25 = arith.addi %select_n3A_23, %add3A_24 : i32
    %jit3A_26 = arith.constant 8 : i32
    %eq3A = arith.constant 0 : i32
    %eq3A_27 = arith.cmpi eq, %jit3A_26, %eq3A : i32
    %jit3A_28 = arith.constant 1 : i32
    %select_n3A_29 = arith.select %eq3A_27, %jit3A_28, %jit3A_26 : i32
    %rem3A_30 = arith.remsi %add3A_25, %select_n3A_29 : i32
    %ne3A_31 = arith.constant 0 : i32
    %ne3A_32 = arith.cmpi ne, %rem3A_30, %ne3A_31 : i32
    %lt3A_33 = arith.constant 0 : i32
    %lt3A_34 = arith.cmpi slt, %rem3A_30, %lt3A_33 : i32
    %lt3A_35 = arith.constant 0 : i32
    %lt3A_36 = arith.cmpi slt, %select_n3A_29, %lt3A_35 : i32
    %ne3A_37 = arith.xori %lt3A_34, %lt3A_36 : i1
    %and3A_38 = arith.andi %ne3A_37, %ne3A_32 : i1
    %add3A_39 = arith.addi %rem3A_30, %select_n3A_29 : i32
    %select_n3A_40 = arith.select %and3A_38, %add3A_39, %rem3A_30 : i32
    %c0_i32 = arith.constant 0 : i32
    %c0_i32_41 = arith.constant 0 : i32
    %c0_i32_42 = arith.constant 0 : i32
    return %select_n3A_40, %c0_i32, %c0_i32_41 : i32, i32, i32
  }
  func.func @transform_2(%arg0: i32) -> (i32, i32, i32) {
    %c0_i32 = arith.constant 0 : i32
    %c0_i32_0 = arith.constant 0 : i32
    %c0_i32_1 = arith.constant 0 : i32
    %c0_i32_2 = arith.constant 0 : i32
    return %c0_i32, %c0_i32_0, %c0_i32_1 : i32, i32, i32
  }
}

</mosaic_0001>

<sc_bundles>
// kernel: kernel.4.cloned.1.call-start
scs
__scs_entry_jumppad:
0x0: {  	(pc) =	sbr.rel $0x88, $3  }
0x1: {  	(tag) =	ssettag $0x0;
	lr =	simm.s32 $0x1  }
0x2: {  	[smem:$0x3F9F] =	sst lr;
	_ =	strace $0xD0000000  }
0x3: {  	_ = 	snop  }
0x4: {  	_ = 	snop  }
0x5: {  	_ = 	snop  }
0x6: {  	_ = 	snop  }
0x7: {  	_ = 	snop  }
__scs_overlays_trampoline_lowered:
0x8: {  	[smem:$0x3FAE] =	sst s0  }
0x9: {  	[smem:$0x3FAF] =	sst s1  }
0xa: {  	[smem:$0x3FB0] =	sst s2  }
0xb: {  	[smem:$0x3FB1] =	sst s3  }
0xc: {  	[smem:$0x3FB2] =	sst s4  }
0xd: {  	[smem:$0x3FB3] =	sst s5  }
0xe: {  	[smem:$0x3FB4] =	sst s6  }
0xf: {  	[smem:$0x3FB5] =	sst s7  }
0x10: {  	[smem:$0x3FB6] =	sst s8  }
0x11: {  	[smem:$0x3FB7] =	sst s9;
	s0 =	simm.s32 @!p0 $0x0  }
0x12: {  	s1 =	sld [smem:$0x3F9D];
	s0 =	simm.s32 @p0 $0x1  }
0x13: {  	[smem:$0x3FB8] =	sst s0;
	s0 =	simm.s32 @!p1 $0x0  }
0x14: {  	s2 =	sld [smem:$0x3F9C];
	s0 =	simm.s32 @p1 $0x1  }
0x15: {  	[smem:$0x3FB9] =	sst s0;
	s0 =	simm.s32 @!p2 $0x0  }
0x16: {  	s3 =	sld [smem:$0x3FDB];
	s0 =	simm.s32 @p2 $0x1  }
0x17: {  	s4 =	simm.s32 $0x1BF5;
	[smem:$0x3FBB] =	sst s0  }
0x18: {  	s0 =	sld [smem:$0x3F9E];
	_ =	swait.ge [sflag:s4], $0x0  }
0x19: {  	s7 =	sld [smem:$0x3F9F]  }
0x1a: {  	s8 =	sadd.s32 $0xFFFFE003, lr  }
0x1b: {  	s9 =	sadd.s32 $0xFFFFFEF7, lr;
	s5 =	simm.s32 $0xFFFFFFFF;
	p2 =	slt.u32 s8, $0xFFFFF086  }
0x1c: {  	p1 =	slt.u32 s9, $0xF7A;
	s5 =	simm.s32 @!p2 $0x0  }
0x1d: {  	s5 =	simm.s32 @p1 $0x1;
	p0 =	seq.s32 s7, s2  }
0x1e: {  	s7 =	smul.u32 @!p0 $0xF7A, s2;
	p2 =	seq.s32 @!p0 s5, $0x0  }
0x1f: {  	s9 =	smul.u32 $0xF7A, s1;
	s8 =	simm.s32 @!p0 $0x1BF5;
	p2 =	por !p2, p0  }
0x20: {  	[sflag:s8] =	ssyncset.s32 @!p0 $0xFFFFF086;
	s6 =	sadd.s32 @!p0 s3, s7;
	s7 =	simm.s32 @!p0 $0x108  }
0x21: {  	s3 =	sadd.s32 s3, s9;
	s6 =	sadd.s32 @!p0 $0x88, s6;
	s7 =	simm.s32 @p2 $0x1082  }
0x22: {  	[simem:s7], [sflag:s8] =	dma.local @!p0 [hbm:s6], $0xF7A  }
0x23: {  	s9 =	sor.u32 $0xD0000000, s2;
	s6 =	simm.s32 $0x108;
	_ =	swait.ge @!p0 [sflag:s8], $0x0  }
0x24: {  	s3 =	sadd.s32 $0x88, s3;
	s6 =	simm.s32 @!p1 $0x1082;
	[sflag:s4] =	ssyncset.s32 $0xFFFFF086  }
0x25: {  	[simem:s6], [sflag:s4] =	dma.local [hbm:s3], $0xF7A  }
0x26: {  	[smem:$0x3F9F] =	sst s1;
	(tag) =	ssettag s2;
	_ =	strace s9  }
0x27: {  	s1 =	sld [smem:$0x3FAF]  }
0x28: {  	s2 =	sld [smem:$0x3FB0]  }
0x29: {  	s4 =	sld [smem:$0x3FB2]  }
0x2a: {  	p0 =	seq.s32 s5, $0x0;
	s5 =	sld [smem:$0x3FB3]  }
0x2b: {  	s6 =	sld [smem:$0x3FB4]  }
0x2c: {  	s7 =	sld [smem:$0x3FB5]  }
0x2d: {  	s3 =	simm.s32 $0x108;
	s8 =	sld [smem:$0x3FB6]  }
0x2e: {  	s3 =	simm.s32 @!p0 $0x1082;
	s9 =	sld [smem:$0x3FB7]  }
0x2f: {  	lr =	sadd.s32 s0, s3;
	s0 =	sld [smem:$0x3FAE]  }
0x30: {  	s3 =	sld [smem:$0x3FB1]  }
0x31: {  	[smem:$0x3FBA] =	sst s10  }
0x32: {  	s10 =	sld [smem:$0x3FB8];
	_ =	sdelay $0x3  }
0x33: {  	p0 =	seq.s32 s10, $0x1;
	s10 =	sld [smem:$0x3FBA];
	_ =	sdelay $0x3  }
0x34: {  	[smem:$0x3FBA] =	sst s10  }
0x35: {  	s10 =	sld [smem:$0x3FB9];
	_ =	sdelay $0x3  }
0x36: {  	p1 =	seq.s32 s10, $0x1;
	s10 =	sld [smem:$0x3FBA];
	_ =	sdelay $0x3  }
0x37: {  	[smem:$0x3FBA] =	sst s10  }
0x38: {  	s10 =	sld [smem:$0x3FBB]  }
0x39: {  	_ = 	snop;
	(pc) =	sbr.ind lr, $3  }
0x3a: {  	_ = 	snop  }
0x3b: {  	_ = 	snop  }
0x3c: {  	p2 =	seq.s32 s10, $0x1;
	s10 =	sld [smem:$0x3FBA]  }
0x3d: {  	_ =	shalt  }
0x3e: {  	_ =	shalt  }
0x3f: {  	_ =	shalt  }
0x40: {  	_ =	shalt  }
0x41: {  	_ =	shalt  }
0x42: {  	_ =	shalt  }
0x43: {  	_ =	shalt  }
0x44: {  	_ =	shalt  }
0x45: {  	_ =	shalt  }
0x46: {  	_ =	shalt  }
0x47: {  	_ =	shalt  }
0x48: {  	_ =	shalt  }
0x49: {  	_ =	shalt  }
0x4a: {  	_ =	shalt  }
0x4b: {  	_ =	shalt  }
0x4c: {  	_ =	shalt  }
0x4d: {  	_ =	shalt  }
0x4e: {  	_ =	shalt  }
0x4f: {  	_ =	shalt  }
0x50: {  	_ =	shalt  }
0x51: {  	_ =	shalt  }
0x52: {  	_ =	shalt  }
0x53: {  	_ =	shalt  }
0x54: {  	_ =	shalt  }
0x55: {  	_ =	shalt  }
0x56: {  	_ =	shalt  }
0x57: {  	_ =	shalt  }
0x58: {  	_ =	shalt  }
0x59: {  	_ =	shalt  }
0x5a: {  	_ =	shalt  }
0x5b: {  	_ =	shalt  }
0x5c: {  	_ =	shalt  }
0x5d: {  	_ =	shalt  }
0x5e: {  	_ =	shalt  }
0x5f: {  	_ =	shalt  }
0x60: {  	_ =	shalt  }
0x61: {  	_ =	shalt  }
0x62: {  	_ =	shalt  }
0x63: {  	_ =	shalt  }
0x64: {  	_ =	shalt  }
0x65: {  	_ =	shalt  }
0x66: {  	_ =	shalt  }
0x67: {  	_ =	shalt  }
0x68: {  	_ =	shalt  }
0x69: {  	_ =	shalt  }
0x6a: {  	_ =	shalt  }
0x6b: {  	_ =	shalt  }
0x6c: {  	_ =	shalt  }
0x6d: {  	_ =	shalt  }
0x6e: {  	_ =	shalt  }
0x6f: {  	_ =	shalt  }
0x70: {  	_ =	shalt  }
0x71: {  	_ =	shalt  }
0x72: {  	_ =	shalt  }
0x73: {  	_ =	shalt  }
0x74: {  	_ =	shalt  }
0x75: {  	_ =	shalt  }
0x76: {  	_ =	shalt  }
0x77: {  	_ =	shalt  }
0x78: {  	_ =	shalt  }
0x79: {  	_ =	shalt  }
0x7a: {  	_ =	shalt  }
0x7b: {  	_ =	shalt  }
0x7c: {  	_ =	shalt  }
0x7d: {  	_ =	shalt  }
0x7e: {  	_ =	shalt  }
0x7f: {  	_ =	shalt  }
0x80: {  	_ =	shalt  }
0x81: {  	_ =	shalt  }
0x82: {  	_ =	shalt  }
0x83: {  	_ =	shalt  }
0x84: {  	_ =	shalt  }
0x85: {  	_ =	shalt  }
0x86: {  	_ =	shalt  }
0x87: {  	_ =	shalt  }
.Lfunc_end0:
.L_simem_size_0:
called_computation_lowered:
.L_overlay_start_0:
0x88: {  	s2 =	sld [smem:$0x3FD9]  }
0x89: {  	s3 =	sld [smem:$0x3FFE];
	_ =	sdelay $0x1  }
0x8a: {  	s1 =	srdreg.scid  }
0x8b: {  	s0 =	sand.u32 $0x1, s1  }
0x8c: {  	s16 =	sshll.u32 s0, $0xA;
	s2 =	sadd.s32 s3, s2  }
0x8d: {  	s2 =	sadd.s32 s2, s16  }
0x8e: {  	[smem:$0x3FC6] =	sst s2  }
0x8f: {  	_ = 	snop  }
0x90: {  	(tm) =	ssettm $0x1  }
0x91: {  	s17 =	sld [smem:$0x3FFB];
	_ =	sdelay $0x3  }
0x92: {  	_ =	strace s17  }
0x93: {  	s2 =	sld [smem:$0x3FFC];
	_ =	sdelay $0x3  }
0x94: {  	_ =	strace s2  }
0x95: {  	s2 =	sld [smem:$0x3FFD];
	_ =	sdelay $0x3  }
0x96: {  	_ =	strace s2  }
0x97: {  	_ =	strace $0x8FFFFFFF  }
0x98: {  	s18 =	sld [smem:$0x3FDB];
	_ =	sdelay $0x1  }
0x99: {  	s19 =	simm.s32 $_scs_section_size  }
0x9a: {  	s4 =	simm.s32 $_size__tile_overlayer_lowered;
	s5 =	simm.s32 $_tile_overlayer_lowered  }
0x9b: {  	s22 =	simm.s32 $0x1BFF;
	s21 =	sshll.u32 s5, $0x1;
	s2 =	sadd.s32 s19, s18  }
0x9c: {  	s6 =	simm.s32 $0x0;
	s20 =	sshll.u32 s4, $0x1;
	s4 =	sadd.s32 s21, s2  }
0x9d: {  	[timem:s6], [sflag:s22] =	dma.local [hbm:s4], s20  }
0x9e: {  	_ =	swait.ge [sflag:s22], s20  }
0x9f: {  	s3 =	ssub.s32 $0x0, s20;
	[sflag:s22] =	ssyncset.done $0x0  }
0xa0: {  	[sflag:s22] =	ssyncadd.s32 s3;
	_ =	sdelay $0x1  }
0xa1: {  	s23 =	simm.s32 $0x1B8B  }
0xa2: {  	_ =	swait.ge [sflag:s23], $0x1  }
0xa3: {  	[sflag:s23] =	ssyncset.done $0x0  }
0xa4: {  	s25 =	simm.s32 $0x1B8E;
	s24 =	sld [smem:$0x3FFE];
	[sflag:s23] =	ssyncadd.s32 $0xFFFFFFFF  }
0xa5: {  	s26 =	simm.s32 $execute0_lowered;
	[smem:$0x3FD2] =	sst s25  }
0xa6: {  	s4 =	sshll.u32 s26, $0x1;
	_ =	strace $0x80000046;
	[dreg:$0x1] =	wrdreg $0xFFFFFFFF  }
0xa7: {  	s28 =	simm.s32 $_size_execute0_lowered;
	s2 =	sadd.s32 s2, s4;
	[dreg:$0x0] =	wrdreg $0x0  }
0xa8: {  	s4 =	sshll.u32 s28, $0x1;
	[dreg:$0x2] =	wrdreg s2  }
0xa9: {  	[dreg:$0x3] =	wrdreg s4  }
0xaa: {  	[dreg:$0x4] =	wrdreg $0xC0  }
0xab: {  	_ =	task [dreg:s6], $0x5FFFF  }
0xac: {  	[dreg:$0x1] =	wrdreg $0xFFFFFFFF  }
0xad: {  	[dreg:$0x0] =	wrdreg $0x60  }
0xae: {  	[dreg:$0x2] =	wrdreg s24  }
0xaf: {  	[dreg:$0x3] =	wrdreg $0x9  }
0xb0: {  	_ =	task.clear_ibuf [dreg:s6], $0x4FFFF;
	_ =	strace $0x90000046  }
0xb1: {  	s29 =	simm.s32 $0x9;
	_ =	strace $0x80000048  }
0xb2: {  	_ =	swait.ge [sflag:s29], $0x1  }
0xb3: {  	[sflag:s29] =	ssyncadd.s32 $0xFFFFFFFF  }
0xb4: {  	_ =	strace $0x90000048  }
0xb5: {  	_ =	sfence  }
0xb6: {  	s30 =	sld [smem:$0x0];
	_ =	sdelay $0x2  }
0xb7: {  	s31 =	sshll.u32 s1, $0xD;
	s1 =	sshrl.u32 s1, $0x2  }
0xb8: {  	s3 =	sand.u32 $0x4000, s31;
	s1 =	sadd.s32 s1, s30  }
0xb9: {  	s0 =	sor.u32 s3, s0;
	s1 =	sshll.u32 s1, $0x11  }
0xba: {  	s0 =	sor.u32 s1, s0  }
0xbb: {  	s0 =	sadd.s32 $0x8F2B, s0  }
0xbc: {  	[sflag:s0] =	ssyncadd.remote.s32 $0x1  }
0xbd: {  	_ =	sfence.sel $0xFFFF  }
0xbe: {  	[dreg:$0x0] =	wrdreg $0xFFFFFFFF;
	(pc) =	sbr.abs _section_cstart, $3  }
0xbf: {  	[dreg:$0x1] =	wrdreg $0xFFFFFFFF  }
0xc0: {  	_ =	task.clear_ibuf [dreg:s6], $0x2FFFF;
	_ =	strace $0x9FFFFFFF  }
0xc1: {  	(tm) =	ssettm $0x7FFFFFFF  }
tec
execute0_lowered:
.L_overlay_start_1:
0x0: {  	(tag) =	ssettag $0x1  }
0x1: {  	s4 =	rddreg [dreg:$0x0]  }
0x2: {  	s0 =	rddreg [dreg:$0x1]  }
0x3: {  	s2 =	simm.s32 $0x0;
	s3 =	srdreg.scid;
	s1 =	stileid.u32  }
0x4: {  	s9 =	simm.s32 $0x400;
	s10 =	simm.s32 $0x1;
	s11 =	simm.s32 $0x1800  }
0x5: {  	s12 =	simm.s32 $0xB000;
	s13 =	simm.s32 $0x0;
	[smem:$0x7FF] =	sst s2  }
0x6: {  	s3 =	sand.u32 $0x1, s3;
	s5 =	sshll.u32 s1, $0x1;
	_ =	strace $0x80000047  }
0x7: {  	s5 =	sor.u32 s3, s5;
	s6 =	ssub.s32 $0x2, s3;
	s3 =	sadd.s32 $0x400, s4  }
0x8: {  	s7 =	sshll.u32 s5, $0x4;
	s8 =	sshrl.u32 s6, $0x1;
	s5 =	smul.u32 $0x6, s5  }
0x9: {  	s7 =	sadd.s32 s7, s4;
	s8 =	ssub.s32 s6, s8;
	s4 =	sadd.s32 $0x440, s4  }
0xa: {  	s6 =	sadd.s32 $0x1C00, s7;
	s7 =	smax.u32 s8, $0x1;
	s8 =	simm.s32 $0x80  }
.LBB2_1:
0xb: {  	[tilespmem:s2], [sflag:$0x1] =	stream.strided.gather [hbm4b:s3+s8], $0x1800, s9, s8, $0x38;
	[tilespmem:$0xB080] =	vst v63  }
0xc: {  	_ =	swait.ge [sflag:s10], $0x1800  }
0xd: {  	[sflag:s10] =	ssyncset.done $0x0  }
0xe: {  	[sflag:s10] =	ssyncadd.s32 $0xFFFFE800  }
0xf: {  	[tilespmem:s11], [sflag:$0x1] =	stream.strided.gather [hbm4b:s4+s8], $0x1800, s9, s8, $0x38;
	[tilespmem:$0xB080] =	vst v63  }
0x10: {  	_ =	swait.ge [sflag:s10], $0x1800  }
0x11: {  	[sflag:s10] =	ssyncset.done $0x0  }
0x12: {  	v0 =	vimm.f32 $0.0e+00;
	s14 =	simm.s32 $0x0;
	[sflag:s10] =	ssyncadd.s32 $0xFFFFE800  }
.LBB2_2:
0x13: {  	s15 =	sadd.s32 s5, s14  }
0x14: {  	s16 =	simm.s32 $0xFFFFF80;
	p0 =	sgt.u32 s15, $0x7F  }
0x15: {  	s16 =	simm.s32 @!p0 $0x0  }
0x16: {  	s17 =	simm.s32 $0x1800;
	s15 =	sadd.s32 s15, s16  }
0x17: {  	s17 =	simm.s32 @!p0 $0x0;
	s15 =	sshll.u32 s15, $0x4  }
0x18: {  	s30 =	sadd.s32 s17, s15  }
0x19: {  	s15 =	sand.u32 $0x70, s15;
	s16 =	sand.u32 $0xFFFFFF80, s30  }
0x1a: {  	s31 =	sor.u32 s15, s16  }
0x1b: {  	s15 =	simm.s32 $0x0;
	v1 =	vld [tilespmem:s31+$0x0]  }
0x1c: {  	s19 =	simm.s32 $0x3080;
	s15 =	simm.s32 @!p0 $0x1800;
	v2 =	vld [tilespmem:s31+$0x800]  }
0x1d: {  	v8 =	vimm.f32 $3.000000010e+38;
	v9 =	vimm.f32 $3.000000010e+38;
	s16 =	simm.s32 $0x0;
	v3 =	vld [tilespmem:s31+$0x1000];
	s17 =	sadd.s32 $0x800, s15;
	s18 =	sadd.s32 $0x1000, s15  }
.LBB2_3:
0x1e: {  	s20 =	sand.u32 $0x780, s16  }
0x1f: {  	s21 =	sand.u32 $0x70, s16;
	s22 =	sadd.s32 s20, s15  }
0x20: {  	s23 =	sadd.s32 s20, s17;
	s22 =	sadd.s32 s21, s22  }
0x21: {  	s20 =	sadd.s32 s20, s18;
	s31 =	sadd.s32 s21, s23;
	v5 =	vld [tilespmem:s22+$0x0]  }
0x22: {  	s20 =	sadd.s32 s21, s20;
	v6 =	vld [tilespmem:s31+$0x0]  }
0x23: {  	v4 =	vld [tilespmem:s20+$0x0];
	_ =	sdelay $0x3  }
0x24: {  	v7 =	vbroadcast v5, $0x0  }
0x25: {  	v10 =	vbroadcast v6, $0x0;
	v11 =	vbroadcast v4, $0x0  }
0x26: {  	v12 =	vbroadcast v5, $0x1;
	v13 =	vbroadcast v6, $0x1  }
0x27: {  	v41 =	vbroadcast v4, $0x1;
	v14 =	vbroadcast v6, $0x2  }
0x28: {  	v15 =	vbroadcast v4, $0x2;
	v45 =	vbroadcast v5, $0x3  }
0x29: {  	v46 =	vbroadcast v6, $0x3;
	v49 =	vbroadcast v4, $0x3  }
0x2a: {  	v52 =	vbroadcast v5, $0x4;
	v53 =	vbroadcast v6, $0x4  }
0x2b: {  	v56 =	vbroadcast v4, $0x4;
	v17 =	vbroadcast v6, $0x5  }
0x2c: {  	v18 =	vbroadcast v4, $0x5;
	v61 =	vbroadcast v5, $0x6  }
0x2d: {  	v62 =	vbroadcast v6, $0x6;
	v23 =	vbroadcast v4, $0x6  }
0x2e: {  	v25 =	vbroadcast v5, $0x7;
	v26 =	vbroadcast v6, $0x7;
	v7 =	vsub.f32 v1, v7  }
0x2f: {  	v30 =	vbroadcast v4, $0x7;
	v10 =	vsub.f32 v2, v10;
	v11 =	vsub.f32 v3, v11  }
0x30: {  	v31 =	vbroadcast v5, $0x8;
	v40 =	vsub.f32 v2, v13;
	v13 =	vsub.f32 v3, v41  }
0x31: {  	v20 =	vbroadcast v6, $0x8;
	v14 =	vsub.f32 v2, v14;
	v43 =	vsub.f32 v3, v15  }
0x32: {  	v36 =	vbroadcast v5, $0x9;
	v54 =	vsub.f32 v1, v52;
	v55 =	vsub.f32 v2, v53  }
0x33: {  	v37 =	vbroadcast v6, $0x9;
	v15 =	vsub.f32 v3, v56;
	v17 =	vsub.f32 v2, v17  }
0x34: {  	v58 =	vsub.f32 v3, v18;
	v21 =	vsub.f32 v1, v61;
	v52 =	vbroadcast v4, $0xB  }
0x35: {  	v28 =	vsub.f32 v1, v25;
	v56 =	vbroadcast v5, $0xC;
	v25 =	vbroadcast v4, $0xC  }
0x36: {  	v22 =	vsub.f32 v2, v62;
	v7 =	vmul.f32 v7, v7;
	v10 =	vmul.f32 v10, v10  }
0x37: {  	v29 =	vsub.f32 v2, v26;
	v26 =	vbroadcast v4, $0xD;
	v62 =	vbroadcast v6, $0xE  }
0x38: {  	v42 =	vmul.f32 v13, v13;
	v7 =	vadd.f32 v10, v7;
	v10 =	vmul.f32 v11, v11  }
0x39: {  	v20 =	vsub.f32 v2, v20;
	v14 =	vmul.f32 v14, v14;
	v57 =	vmul.f32 v15, v15  }
0x3a: {  	v11 =	vsub.f32 v1, v12;
	v7 =	vadd.f32 v10, v7;
	v10 =	vbroadcast v5, $0x2  }
0x3b: {  	v38 =	vsub.f32 v1, v36;
	v17 =	vmul.f32 v17, v17;
	v59 =	vmul.f32 v58, v58  }
0x3c: {  	v12 =	vmul.f32 v40, v40;
	v11 =	vmul.f32 v11, v11;
	v10 =	vsub.f32 v1, v10  }
0x3d: {  	v39 =	vsub.f32 v2, v37;
	v18 =	vmul.f32 v29, v29;
	v20 =	vmul.f32 v20, v20  }
0x3e: {  	v16 =	vmax.f32 v9, v7;
	v11 =	vadd.f32 v12, v11;
	v10 =	vmul.f32 v10, v10  }
0x3f: {  	v58 =	vbroadcast v5, $0xD;
	v40 =	vbroadcast v4, $0x9;
	v44 =	vmin.f32 v8, v16  }
0x40: {  	v8 =	vadd.f32 v42, v11;
	v11 =	vmul.f32 v43, v43;
	v10 =	vadd.f32 v14, v10  }
0x41: {  	v9 =	vmin.f32 v9, v7;
	v12 =	vsub.f32 v3, v49;
	[tilespmem:s19+$0xFFFFFF80] =	vst v7;
	v7 =	vsub.f32 v3, v25  }
0x42: {  	v47 =	vmax.f32 v9, v8;
	v48 =	vmin.f32 v9, v8;
	v9 =	vadd.f32 v11, v10  }
0x43: {  	v42 =	vbroadcast v5, $0xA;
	v10 =	vsub.f32 v1, v45;
	v11 =	vsub.f32 v2, v46  }
0x44: {  	v7 =	vmul.f32 v7, v7;
	v14 =	vmul.f32 v55, v55;
	[tilespmem:s19+$0xFFFFFF90] =	vst v8;
	v8 =	vsub.f32 v3, v26  }
0x45: {  	v50 =	vmin.f32 v44, v47;
	v10 =	vmul.f32 v10, v10;
	v11 =	vmul.f32 v11, v11  }
0x46: {  	v47 =	vbroadcast v5, $0xB;
	v51 =	vmax.f32 v48, v9;
	v16 =	vmin.f32 v48, v9  }
0x47: {  	v48 =	vbroadcast v6, $0xB;
	v10 =	vadd.f32 v11, v10;
	v11 =	vmul.f32 v12, v12  }
0x48: {  	v13 =	vmin.f32 v50, v51;
	v50 =	vsub.f32 v1, v47;
	v12 =	vmul.f32 v54, v54  }
0x49: {  	v51 =	vsub.f32 v2, v48;
	v10 =	vadd.f32 v11, v10;
	v11 =	vbroadcast v5, $0x5  }
0x4a: {  	v8 =	vmul.f32 v8, v8;
	v54 =	vsub.f32 v3, v52;
	v12 =	vadd.f32 v14, v12  }
0x4b: {  	v14 =	vmul.f32 v21, v21;
	v21 =	vbroadcast v4, $0x8;
	v11 =	vsub.f32 v1, v11  }
0x4c: {  	v19 =	vmax.f32 v16, v10;
	v12 =	vadd.f32 v57, v12;
	v60 =	vmin.f32 v16, v10  }
0x4d: {  	v16 =	vmul.f32 v22, v22;
	v33 =	vsub.f32 v3, v21;
	v21 =	vmul.f32 v50, v50  }
0x4e: {  	v57 =	vbroadcast v6, $0xC;
	v13 =	vmin.f32 v13, v19;
	v19 =	vsub.f32 v3, v30  }
0x4f: {  	v11 =	vmul.f32 v11, v11;
	v63 =	vmax.f32 v60, v12;
	v15 =	vmin.f32 v60, v12  }
0x50: {  	v14 =	vadd.f32 v16, v14;
	v16 =	vsub.f32 v1, v31;
	v34 =	vmul.f32 v33, v33  }
0x51: {  	v13 =	vmin.f32 v13, v63;
	v32 =	vmul.f32 v19, v19;
	v63 =	vbroadcast v4, $0xE  }
0x52: {  	v19 =	vmul.f32 v39, v39;
	v11 =	vadd.f32 v17, v11;
	v17 =	vsub.f32 v3, v23  }
0x53: {  	[tilespmem:s19+$0xFFFFFFC0] =	vst v12;
	v16 =	vmul.f32 v16, v16;
	v23 =	vbroadcast v6, $0xA;
	v12 =	vsub.f32 v3, v63  }
0x54: {  	v11 =	vadd.f32 v59, v11;
	v27 =	vmul.f32 v17, v17;
	v17 =	vmul.f32 v28, v28  }
0x55: {  	v16 =	vadd.f32 v20, v16;
	v20 =	vsub.f32 v3, v40;
	v59 =	vbroadcast v6, $0xD  }
0x56: {  	v23 =	vsub.f32 v2, v23;
	v6 =	vbroadcast v6, $0xF;
	v12 =	vmul.f32 v12, v12  }
0x57: {  	v24 =	vmax.f32 v15, v11;
	v15 =	vmin.f32 v15, v11;
	v14 =	vadd.f32 v27, v14  }
0x58: {  	v17 =	vadd.f32 v18, v17;
	v16 =	vadd.f32 v34, v16;
	v18 =	vmul.f32 v38, v38  }
0x59: {  	v43 =	vmul.f32 v20, v20;
	v46 =	vmul.f32 v23, v23;
	v23 =	vsub.f32 v2, v57  }
0x5a: {  	[tilespmem:s19+$0xFFFFFFD0] =	vst v11;
	v11 =	vsub.f32 v2, v62;
	v6 =	vsub.f32 v2, v6;
	v13 =	vmin.f32 v13, v24  }
0x5b: {  	v24 =	vbroadcast v4, $0xA;
	v4 =	vbroadcast v4, $0xF;
	v22 =	vmax.f32 v15, v14  }
0x5c: {  	v17 =	vadd.f32 v32, v17;
	v13 =	vmin.f32 v13, v22;
	v22 =	vsub.f32 v1, v42  }
0x5d: {  	v15 =	vmin.f32 v15, v14;
	v18 =	vadd.f32 v19, v18;
	v23 =	vmul.f32 v23, v23  }
0x5e: {  	v44 =	vsub.f32 v3, v24;
	v45 =	vmul.f32 v22, v22;
	v22 =	vmul.f32 v51, v51  }
0x5f: {  	v11 =	vmul.f32 v11, v11;
	v24 =	vsub.f32 v2, v59;
	v4 =	vsub.f32 v3, v4  }
0x60: {  	v6 =	vmul.f32 v6, v6;
	v21 =	vadd.f32 v22, v21;
	v22 =	vsub.f32 v1, v56  }
0x61: {  	v35 =	vmax.f32 v15, v17;
	v15 =	vmin.f32 v15, v17;
	v18 =	vadd.f32 v43, v18  }
0x62: {  	v13 =	vmin.f32 v13, v35;
	v41 =	vmax.f32 v15, v16;
	v22 =	vmul.f32 v22, v22  }
0x63: {  	v15 =	vmin.f32 v15, v16;
	v20 =	vmul.f32 v44, v44;
	v49 =	vadd.f32 v46, v45  }
0x64: {  	[tilespmem:s19+$0xFFFFFFA0] =	vst v9;
	v24 =	vmul.f32 v24, v24;
	v4 =	vmul.f32 v4, v4;
	v9 =	vadd.f32 v23, v22  }
0x65: {  	v13 =	vmin.f32 v13, v41;
	v19 =	vadd.f32 v20, v49;
	v20 =	vmul.f32 v54, v54  }
0x66: {  	v53 =	vmax.f32 v15, v18;
	v7 =	vadd.f32 v7, v9;
	v9 =	vbroadcast v5, $0xE  }
0x67: {  	v20 =	vadd.f32 v20, v21;
	v21 =	vsub.f32 v1, v58;
	v5 =	vbroadcast v5, $0xF  }
0x68: {  	[tilespmem:s19+$0xFFFFFFB0] =	vst v10;
	v15 =	vmin.f32 v15, v18;
	v13 =	vmin.f32 v13, v53;
	v9 =	vsub.f32 v1, v9  }
0x69: {  	[tilespmem:s19+$0xFFFFFFE0] =	vst v14;
	v55 =	vmax.f32 v15, v19;
	v21 =	vmul.f32 v21, v21;
	v5 =	vsub.f32 v1, v5  }
0x6a: {  	[tilespmem:s19+$0x0] =	vst v16;
	v15 =	vmin.f32 v15, v19;
	v13 =	vmin.f32 v13, v55;
	v9 =	vmul.f32 v9, v9  }
0x6b: {  	[tilespmem:s19+$0xFFFFFFF0] =	vst v17;
	v60 =	vmax.f32 v15, v20;
	v61 =	vadd.f32 v24, v21;
	v5 =	vmul.f32 v5, v5  }
0x6c: {  	[tilespmem:s19+$0x10] =	vst v18;
	v10 =	vmin.f32 v13, v60;
	v9 =	vadd.f32 v11, v9;
	v11 =	vmin.f32 v15, v20  }
0x6d: {  	p0 =	sne.s32 s16, $0x7F0;
	[tilespmem:s19+$0x20] =	vst v19;
	v8 =	vadd.f32 v8, v61;
	v5 =	vadd.f32 v6, v5;
	v6 =	vmax.f32 v11, v7  }
.Ltmp0:
0x6e: {  	[tilespmem:s19+$0x40] =	vst v7;
	v7 =	vmin.f32 v11, v7;
	v6 =	vmin.f32 v10, v6;
	v9 =	vadd.f32 v12, v9;
	(pc) =	sbr.rel @p0 .LBB2_3-.Ltmp0, $4  }
0x6f: {  	[tilespmem:s19+$0x30] =	vst v20;
	v10 =	vmax.f32 v7, v8;
	v7 =	vmin.f32 v7, v8;
	v4 =	vadd.f32 v4, v5  }
0x70: {  	[tilespmem:s19+$0x50] =	vst v8;
	v5 =	vmin.f32 v6, v10;
	v6 =	vmax.f32 v7, v9;
	v7 =	vmin.f32 v7, v9  }
0x71: {  	[tilespmem:s19+$0x60] =	vst v9;
	v5 =	vmin.f32 v5, v6;
	v6 =	vmax.f32 v7, v4  }
0x72: {  	s16 =	sadd.s32 $0x10, s16;
	[tilespmem:s19+$0x70] =	vst v4;
	s19 =	sadd.s32 $0x100, s19;
	v9 =	vmin.f32 v7, v4;
	v8 =	vmin.f32 v5, v6  }
0x73: {  	v1 =	vshra.s32 v9, $0x1  }
0x74: {  	v2 =	vmul.f32 $5.000000000e-01, v9;
	v3 =	vshra.s32 v8, $0x1;
	v4 =	vmul.f32 $5.000000000e-01, v8;
	s15 =	simm.s32 $0x0  }
0x75: {  	[tilespmem:$0x1FFC0] =	vst v0;
	v1 =	vsub.s32 $0x5F3759DF, v1;
	v3 =	vsub.s32 $0x5F3759DF, v3;
	v0 =	vld [tilespmem:s15+$0x30E0]  }
0x76: {  	v18 =	vld [tilespmem:s15+$0x30B0];
	v5 =	vmul.f32 v1, v2;
	v6 =	vmul.f32 v3, v4  }
0x77: {  	v16 =	vld [tilespmem:s15+$0x30A0]  }
0x78: {  	v12 =	vld [tilespmem:s15+$0x3070];
	v5 =	vmul.f32 v1, v5;
	v6 =	vmul.f32 v3, v6  }
0x79: {  	v63 =	vld [tilespmem:s15+$0x3050]  }
0x7a: {  	v61 =	vld [tilespmem:s15+$0x3040];
	v5 =	vsub.f32 $1.500000000e+00, v5;
	v6 =	vsub.f32 $1.500000000e+00, v6  }
0x7b: {  	v11 =	vld [tilespmem:s15+$0x3020];
	v27 =	vmul.f32 $5.000000000e-01, v18  }
0x7c: {  	v10 =	vld [tilespmem:s15+$0x3000];
	v35 =	vshra.s32 v0, $0x1;
	v1 =	vmul.f32 v1, v5;
	v3 =	vmul.f32 v3, v6  }
0x7d: {  	v38 =	vshra.s32 v18, $0x1;
	v29 =	vmul.f32 $5.000000000e-01, v16;
	v32 =	vmul.f32 $5.000000000e-01, v12  }
0x7e: {  	v40 =	vshra.s32 v16, $0x1;
	v5 =	vmul.f32 v1, v2;
	v6 =	vmul.f32 v3, v4  }
0x7f: {  	v43 =	vshra.s32 v12, $0x1;
	v21 =	vmul.f32 $5.000000000e-01, v63;
	v23 =	vmul.f32 $5.000000000e-01, v61  }
0x80: {  	v44 =	vshra.s32 v61, $0x1;
	v5 =	vmul.f32 v5, v1;
	v6 =	vmul.f32 v6, v3  }
0x81: {  	v24 =	vmul.f32 $5.000000000e-01, v11;
	v25 =	vmul.f32 $5.000000000e-01, v10;
	v40 =	vsub.s32 $0x5F3759DF, v40  }
0x82: {  	v38 =	vsub.s32 $0x5F3759DF, v38;
	v5 =	vsub.f32 $1.500000000e+00, v5;
	v6 =	vsub.f32 $1.500000000e+00, v6  }
0x83: {  	v45 =	vshra.s32 v63, $0x1;
	v54 =	vmul.f32 v38, v27;
	v55 =	vmul.f32 v40, v29  }
0x84: {  	v48 =	vshra.s32 v11, $0x1;
	v1 =	vmul.f32 v5, v1;
	v3 =	vmul.f32 v6, v3  }
0x85: {  	v49 =	vshra.s32 v10, $0x1;
	v54 =	vmul.f32 v38, v54;
	v55 =	vmul.f32 v40, v55  }
0x86: {  	v43 =	vsub.s32 $0x5F3759DF, v43;
	v6 =	vld [tilespmem:s15+$0x30F0];
	v2 =	vmul.f32 v1, v2;
	v4 =	vmul.f32 v3, v4  }
0x87: {  	v35 =	vsub.s32 $0x5F3759DF, v35;
	v58 =	vmul.f32 v43, v32;
	v54 =	vsub.f32 $1.500000000e+00, v54  }
0x88: {  	v55 =	vsub.f32 $1.500000000e+00, v55;
	v2 =	vmul.f32 v2, v1;
	v4 =	vmul.f32 v4, v3  }
0x89: {  	v48 =	vsub.s32 $0x5F3759DF, v48;
	v54 =	vmul.f32 v38, v54;
	v38 =	vmul.f32 v43, v58  }
0x8a: {  	v55 =	vmul.f32 v40, v55;
	v2 =	vsub.f32 $1.500000000e+00, v2;
	v4 =	vsub.f32 $1.500000000e+00, v4  }
0x8b: {  	v40 =	vmul.f32 v48, v24;
	v5 =	vld [tilespmem:s15+$0x3060];
	v34 =	vshra.s32 v6, $0x1;
	v19 =	vmul.f32 $5.000000000e-01, v6  }
0x8c: {  	v34 =	vsub.s32 $0x5F3759DF, v34;
	v1 =	vmul.f32 v2, v1;
	v2 =	vmul.f32 v4, v3;
	v3 =	vld [tilespmem:s15+$0x30C0]  }
0x8d: {  	v38 =	vsub.f32 $1.500000000e+00, v38;
	v40 =	vmul.f32 v48, v40;
	v50 =	vmul.f32 v34, v19;
	v4 =	vld [tilespmem:s15+$0x3080]  }
0x8e: {  	v45 =	vsub.s32 $0x5F3759DF, v45;
	v1 =	vmul.f32 v1, v9;
	v2 =	vmul.f32 v2, v8  }
0x8f: {  	v44 =	vsub.s32 $0x5F3759DF, v44;
	v56 =	vmul.f32 v43, v38;
	v50 =	vmul.f32 v34, v50;
	v9 =	vld [tilespmem:s15+$0x30D0]  }
0x90: {  	v33 =	vmul.f32 $5.000000000e-01, v5;
	v8 =	vld [tilespmem:s15+$0x3090];
	v1 =	vmax.f32 v1, $9.999999970e-07;
	v2 =	vmax.f32 v2, $9.999999970e-07  }
0x91: {  	v50 =	vsub.f32 $1.500000000e+00, v50;
	v2 =	vsub.f32 v2, v1;
	v36 =	vshra.s32 v3, $0x1  }
0x92: {  	v28 =	vmul.f32 $5.000000000e-01, v3;
	v41 =	vshra.s32 v4, $0x1;
	v30 =	vmul.f32 $5.000000000e-01, v4  }
0x93: {  	v34 =	vmul.f32 v34, v50;
	v36 =	vsub.s32 $0x5F3759DF, v36;
	v41 =	vsub.s32 $0x5F3759DF, v41  }
0x94: {  	v15 =	vmovc v3;
	v3 =	vld [tilespmem:s15+$0x3010];
	v2 =	vmul.f32 $1.109825600e-01, v2;
	v37 =	vshra.s32 v9, $0x1;
	v20 =	vmul.f32 $5.000000000e-01, v9  }
0x95: {  	v39 =	vshra.s32 v8, $0x1;
	v31 =	vmul.f32 $5.000000000e-01, v8;
	v53 =	vmul.f32 v36, v28  }
0x96: {  	v57 =	vmul.f32 v41, v30;
	v37 =	vsub.s32 $0x5F3759DF, v37;
	v39 =	vsub.s32 $0x5F3759DF, v39  }
0x97: {  	v2 =	vmax.f32 v2, $9.999999970e-07;
	v51 =	vmul.f32 v37, v20;
	v62 =	vmul.f32 v39, v31  }
0x98: {  	v49 =	vsub.s32 $0x5F3759DF, v49;
	v53 =	vmul.f32 v36, v53;
	(erf) = vrcp.f32 v2  }
0x99: {  	v40 =	vsub.f32 $1.500000000e+00, v40;
	v2 =	vmul.f32 $5.000000000e-01, v0;
	v26 =	vmul.f32 $5.000000000e-01, v3  }
0x9a: {  	v59 =	vmovc v0;
	v0 =	vld [tilespmem:s15+$0x3030];
	v47 =	vshra.s32 v3, $0x1;
	v51 =	vmul.f32 v37, v51;
	v50 =	vmul.f32 v39, v62  }
0x9b: {  	v53 =	vsub.f32 $1.500000000e+00, v53;
	v62 =	vmul.f32 v45, v21;
	v47 =	vsub.s32 $0x5F3759DF, v47  }
0x9c: {  	v42 =	vshra.s32 v5, $0x1;
	v52 =	vmul.f32 v35, v2;
	v58 =	vmul.f32 v47, v26  }
0x9d: {  	v51 =	vsub.f32 $1.500000000e+00, v51;
	v36 =	vmul.f32 v36, v53;
	v53 =	vmul.f32 v45, v62  }
0x9e: {  	v50 =	vsub.f32 $1.500000000e+00, v50;
	v52 =	vmul.f32 v35, v52;
	v43 =	vmul.f32 v47, v58  }
0x9f: {  	v42 =	vsub.s32 $0x5F3759DF, v42;
	v22 =	vmul.f32 $5.000000000e-01, v0;
	v51 =	vmul.f32 v37, v51  }
0xa0: {  	v46 =	vshra.s32 v0, $0x1;
	v50 =	vmul.f32 v39, v50;
	v39 =	vmul.f32 v44, v23  }
0xa1: {  	v37 =	vmul.f32 v41, v57;
	v53 =	vsub.f32 $1.500000000e+00, v53;
	v46 =	vsub.s32 $0x5F3759DF, v46  }
0xa2: {  	v57 =	vmul.f32 v49, v25;
	v52 =	vsub.f32 $1.500000000e+00, v52;
	v38 =	vmul.f32 v46, v22  }
0xa3: {  	v43 =	vsub.f32 $1.500000000e+00, v43;
	v53 =	vmul.f32 v45, v53;
	v39 =	vmul.f32 v44, v39  }
0xa4: {  	v35 =	vmul.f32 v35, v52;
	v52 =	vmul.f32 v42, v33  }
0xa5: {  	v37 =	vsub.f32 $1.500000000e+00, v37;
	v58 =	vmul.f32 v47, v43;
	v47 =	vmul.f32 v48, v40  }
0xa6: {  	v48 =	vmul.f32 v51, v20;
	v38 =	vmul.f32 v46, v38  }
0xa7: {  	v41 =	vmul.f32 v41, v37;
	v37 =	vmul.f32 v49, v57;
	v39 =	vsub.f32 $1.500000000e+00, v39  }
0xa8: {  	v62 =	vmul.f32 v42, v52;
	v48 =	vmul.f32 v48, v51;
	v38 =	vsub.f32 $1.500000000e+00, v38  }
0xa9: {  	v57 =	vmul.f32 v44, v39;
	v37 =	vsub.f32 $1.500000000e+00, v37;
	v44 =	vmul.f32 v34, v19  }
0xaa: {  	v45 =	vsub.f32 $1.500000000e+00, v62;
	v62 =	vmul.f32 v55, v29;
	v52 =	vmul.f32 v46, v38  }
0xab: {  	v49 =	vmul.f32 v49, v37;
	v39 =	vmul.f32 v44, v34  }
0xac: {  	v45 =	vmul.f32 v42, v45;
	v42 =	vmul.f32 v35, v2  }
0xad: {  	v46 =	vmul.f32 v36, v28;
	v44 =	vmul.f32 v62, v55;
	v39 =	vsub.f32 $1.500000000e+00, v39  }
0xae: {  	v38 =	vmul.f32 v42, v35;
	v42 =	vmul.f32 v54, v27  }
0xaf: {  	v62 =	vsub.f32 $1.500000000e+00, v48;
	v43 =	vmul.f32 v46, v36;
	v40 =	vmul.f32 v39, v34  }
0xb0: {  	v44 =	vsub.f32 $1.500000000e+00, v44;
	v34 =	vmul.f32 v56, v32;
	v48 =	vmul.f32 v42, v54  }
0xb1: {  	v42 =	vmul.f32 v62, v51;
	v62 =	vmul.f32 v45, v33  }
0xb2: {  	v38 =	vsub.f32 $1.500000000e+00, v38;
	v39 =	vmul.f32 v44, v55;
	v51 =	vmul.f32 v53, v21  }
0xb3: {  	v43 =	vsub.f32 $1.500000000e+00, v43;
	v55 =	vmul.f32 v47, v24;
	v34 =	vmul.f32 v34, v56  }
0xb4: {  	v37 =	vmul.f32 v38, v35;
	v35 =	vmul.f32 v50, v31  }
0xb5: {  	v38 =	vmul.f32 v43, v36;
	v36 =	vmul.f32 v41, v30  }
0xb6: {  	v43 =	vsub.f32 $1.500000000e+00, v48;
	v46 =	vmul.f32 v62, v45;
	v62 =	vmul.f32 v57, v23  }
0xb7: {  	v29 =	vmul.f32 v39, v29;
	v34 =	vsub.f32 $1.500000000e+00, v34;
	v36 =	vmul.f32 v36, v41  }
0xb8: {  	v35 =	vmul.f32 v35, v50;
	v44 =	vmul.f32 v43, v54;
	v48 =	vsub.f32 $1.500000000e+00, v46  }
0xb9: {  	v54 =	vmul.f32 v52, v22;
	v28 =	vmul.f32 v38, v28;
	v36 =	vsub.f32 $1.500000000e+00, v36  }
0xba: {  	v35 =	vsub.f32 $1.500000000e+00, v35;
	v43 =	vmul.f32 v48, v45;
	v48 =	vmul.f32 v34, v56  }
0xbb: {  	v34 =	vmul.f32 v49, v25;
	v27 =	vmul.f32 v44, v27  }
0xbc: {  	v41 =	vmul.f32 v36, v41;
	v46 =	vmul.f32 v35, v50  }
0xbd: {  	v35 =	vmul.f32 v58, v26;
	v36 =	vmul.f32 v62, v57  }
0xbe: {  	v50 =	vmul.f32 v51, v53;
	v51 =	vmul.f32 v54, v52  }
0xbf: {  	v62 =	vmul.f32 v55, v47;
	v34 =	vmul.f32 v34, v49  }
0xc0: {  	v54 =	vmul.f32 v40, v19;
	v55 =	vmul.f32 v42, v20  }
0xc1: {  	v33 =	vmul.f32 v43, v33;
	v32 =	vmul.f32 v48, v32  }
0xc2: {  	v36 =	vsub.f32 $1.500000000e+00, v36;
	v35 =	vmul.f32 v35, v58;
	v50 =	vsub.f32 $1.500000000e+00, v50  }
0xc3: {  	v62 =	vsub.f32 $1.500000000e+00, v62;
	v34 =	vsub.f32 $1.500000000e+00, v34;
	v30 =	vmul.f32 v41, v30  }
0xc4: {  	v31 =	vmul.f32 v46, v31;
	v45 =	vmul.f32 v36, v57;
	v57 =	vsub.f32 $1.500000000e+00, v51  }
0xc5: {  	v60 =	vmovc v6;
	[tilespmem:$0x1FFD0] =	vst v4;
	v50 =	vmul.f32 v50, v53;
	v35 =	vsub.f32 $1.500000000e+00, v35;
	v47 =	vmul.f32 v62, v47  }
0xc6: {  	v13 =	vmovc v5;
	v6 =	vmovc v9;
	[tilespmem:$0x1FFF0] =	vst v3;
	v56 =	vimm.f32 $0.0e+00;
	v49 =	vmul.f32 v34, v49;
	v53 =	vmul.f32 v37, v2  }
0xc7: {  	s15 =	simm.s32 $0x400;
	[tilespmem:$0x1FFE0] =	vst v0;
	v2 =	vpop (erf);
	v51 =	vmul.f32 v57, v52;
	v52 =	vmul.f32 v35, v58;
	v57 =	vimm.f32 $0.0e+00  }
.LBB2_5:
0xc8: {  	v23 =	vmul.f32 v45, v23;
	v21 =	vmul.f32 v50, v21  }
0xc9: {  	v24 =	vmul.f32 v47, v24;
	v22 =	vmul.f32 v51, v22  }
0xca: {  	v25 =	vmul.f32 v49, v25;
	v26 =	vmul.f32 v52, v26  }
0xcb: {  	v34 =	vmul.f32 v53, v37;
	v35 =	vmul.f32 v54, v40  }
0xcc: {  	v28 =	vmul.f32 v28, v38;
	v36 =	vmul.f32 v55, v42  }
0xcd: {  	v29 =	vmul.f32 v29, v39;
	v27 =	vmul.f32 v27, v44  }
0xce: {  	v30 =	vmul.f32 v30, v41;
	v31 =	vmul.f32 v31, v46  }
0xcf: {  	v33 =	vmul.f32 v33, v43;
	v32 =	vmul.f32 v32, v48  }
0xd0: {  	v23 =	vmul.f32 v23, v45;
	v21 =	vmul.f32 v21, v50  }
0xd1: {  	v22 =	vmul.f32 v22, v51;
	v34 =	vsub.f32 $1.500000000e+00, v34;
	v35 =	vsub.f32 $1.500000000e+00, v35  }
0xd2: {  	v24 =	vmul.f32 v24, v47;
	v28 =	vsub.f32 $1.500000000e+00, v28;
	v36 =	vsub.f32 $1.500000000e+00, v36  }
0xd3: {  	v26 =	vmul.f32 v26, v52;
	v29 =	vsub.f32 $1.500000000e+00, v29;
	v27 =	vsub.f32 $1.500000000e+00, v27  }
0xd4: {  	v25 =	vmul.f32 v25, v49;
	v30 =	vsub.f32 $1.500000000e+00, v30;
	v31 =	vsub.f32 $1.500000000e+00, v31  }
0xd5: {  	v33 =	vsub.f32 $1.500000000e+00, v33;
	v32 =	vsub.f32 $1.500000000e+00, v32;
	v35 =	vmul.f32 v35, v40  }
0xd6: {  	v21 =	vsub.f32 $1.500000000e+00, v21;
	v36 =	vmul.f32 v36, v42;
	v34 =	vmul.f32 v34, v37  }
0xd7: {  	v23 =	vsub.f32 $1.500000000e+00, v23;
	v27 =	vmul.f32 v27, v44;
	v28 =	vmul.f32 v28, v38  }
0xd8: {  	v22 =	vsub.f32 $1.500000000e+00, v22;
	v31 =	vmul.f32 v31, v46;
	v29 =	vmul.f32 v29, v39  }
0xd9: {  	v0 =	vld [tilespmem:$0x1FFD0];
	v24 =	vsub.f32 $1.500000000e+00, v24;
	v32 =	vmul.f32 v32, v48;
	v30 =	vmul.f32 v30, v41  }
0xda: {  	v26 =	vsub.f32 $1.500000000e+00, v26;
	v33 =	vmul.f32 v33, v43;
	v21 =	vmul.f32 v21, v50  }
0xdb: {  	v25 =	vsub.f32 $1.500000000e+00, v25;
	v22 =	vmul.f32 v22, v51;
	v23 =	vmul.f32 v23, v45  }
0xdc: {  	v26 =	vmul.f32 v26, v52;
	v24 =	vmul.f32 v24, v47  }
0xdd: {  	v25 =	vmul.f32 v25, v49;
	v3 =	vmul.f32 v35, v60  }
0xde: {  	v7 =	vmul.f32 v27, v18;
	v27 =	vmul.f32 v30, v0;
	v0 =	vld [tilespmem:$0x1FFE0]  }
0xdf: {  	v6 =	vmul.f32 v36, v6;
	v4 =	vmul.f32 v34, v59  }
0xe0: {  	v5 =	vmul.f32 v28, v15;
	v9 =	vmul.f32 v31, v8  }
0xe1: {  	v8 =	vmul.f32 v29, v16;
	v12 =	vmul.f32 v32, v12  }
0xe2: {  	v14 =	vmul.f32 v21, v63;
	v21 =	vmul.f32 v33, v13  }
0xe3: {  	v60 =	vmax.f32 v4, $9.999999970e-07;
	v8 =	vmax.f32 v8, $9.999999970e-07;
	v15 =	vmul.f32 v22, v0;
	v0 =	vld [tilespmem:$0x1FFF0]  }
0xe4: {  	v30 =	vsub.f32 v1, v8;
	v4 =	vmax.f32 v14, $9.999999970e-07;
	v22 =	vmul.f32 v23, v61  }
0xe5: {  	v23 =	vmul.f32 v24, v11;
	v24 =	vmul.f32 v25, v10;
	v10 =	vmax.f32 v7, $9.999999970e-07  }
0xe6: {  	v11 =	vmax.f32 v5, $9.999999970e-07;
	v61 =	vmax.f32 v6, $9.999999970e-07;
	v5 =	vmax.f32 v27, $9.999999970e-07  }
0xe7: {  	v7 =	vmax.f32 v9, $9.999999970e-07;
	v6 =	vmax.f32 v21, $9.999999970e-07;
	v9 =	vmax.f32 v24, $9.999999970e-07  }
0xe8: {  	v30 =	vmul.f32 v30, v2;
	v21 =	vsub.f32 v1, v9;
	v17 =	vmul.f32 v26, v0  }
0xe9: {  	v25 =	vsub.f32 v1, v61;
	v28 =	vsub.f32 v1, v10;
	v14 =	vmax.f32 v15, $9.999999970e-07  }
0xea: {  	v0 =	vmax.f32 v3, $9.999999970e-07;
	v21 =	vmul.f32 v21, v2;
	v17 =	vmax.f32 v17, $9.999999970e-07  }
0xeb: {  	v3 =	vmax.f32 v22, $9.999999970e-07;
	v22 =	vmax.f32 v23, $9.999999970e-07;
	v26 =	vsub.f32 v1, v17  }
0xec: {  	v25 =	vmul.f32 v25, v2;
	v27 =	vsub.f32 v1, v22;
	v21 =	vmul.f32 $1.442695020e+00, v21  }
0xed: {  	v29 =	vsub.f32 v1, v14;
	v28 =	vmul.f32 v28, v2;
	v26 =	vmul.f32 v26, v2  }
0xee: {  	v31 =	vsub.f32 v1, v7;
	v27 =	vmul.f32 v27, v2;
	(erf) = vpow2.f32 v21  }
0xef: {  	v21 =	vmul.f32 v29, v2;
	v29 =	vsub.f32 v1, v3;
	v26 =	vmul.f32 $1.442695020e+00, v26  }
0xf0: {  	v62 =	vsub.f32 v1, v5;
	v31 =	vmul.f32 v31, v2;
	v27 =	vmul.f32 $1.442695020e+00, v27  }
0xf1: {  	(erf) = vpow2.f32 v26;
	v26 =	vmul.f32 v29, v2;
	v29 =	vsub.f32 v1, v4  }
0xf2: {  	s16 =	sshra.s32 s15, $0x2;
	v24 =	vsub.f32 v1, v11;
	v32 =	vmul.f32 v62, v2;
	v21 =	vmul.f32 $1.442695020e+00, v21  }
0xf3: {  	v18 =	vld [tilespmem:s16+$0x30B0];
	(erf) = vpow2.f32 v27;
	v27 =	vmul.f32 v29, v2;
	v29 =	vsub.f32 v1, v6  }
0xf4: {  	v12 =	vmax.f32 v12, $9.999999970e-07;
	v26 =	vmul.f32 $1.442695020e+00, v26;
	(erf) = vpow2.f32 v21  }
0xf5: {  	v13 =	vsub.f32 v1, v12;
	v24 =	vmul.f32 v24, v2;
	v21 =	vmul.f32 v29, v2  }
0xf6: {  	v16 =	vmul.f32 $1.442695020e+00, v27;
	(erf) = vpow2.f32 v26  }
0xf7: {  	v19 =	vmul.f32 $1.442695020e+00, v32;
	v26 =	vmul.f32 v13, v2  }
0xf8: {  	v41 =	vshra.s32 v18, $0x1;
	v21 =	vmul.f32 $1.442695020e+00, v21;
	v29 =	vpop (erf);
	(erf) = vpow2.f32 v16  }
0xf9: {  	v23 =	vsub.f32 v1, v60;
	v26 =	vmul.f32 $1.442695020e+00, v26;
	v9 =	vmul.f32 v29, v9  }
0xfa: {  	v15 =	vsub.f32 v1, v0;
	v20 =	vadd.f32 v29, v57;
	v27 =	vpop (erf);
	(erf) = vpow2.f32 v21  }
0xfb: {  	v23 =	vmul.f32 v23, v2;
	v9 =	vadd.f32 v9, v56;
	v17 =	vmul.f32 v27, v17  }
0xfc: {  	v15 =	vmul.f32 v15, v2;
	v21 =	vpop (erf);
	(erf) = vpow2.f32 v26;
	v13 =	vadd.f32 v27, v20  }
0xfd: {  	v26 =	vpop (erf);
	(erf) = vpow2.f32 v19;
	v9 =	vadd.f32 v17, v9;
	v17 =	vmul.f32 v21, v22  }
0xfe: {  	v15 =	vmul.f32 $1.442695020e+00, v15;
	v22 =	vmul.f32 $1.442695020e+00, v31;
	v19 =	vadd.f32 v21, v13  }
0xff: {  	v14 =	vmul.f32 v26, v14;
	v20 =	vpop (erf);
	v9 =	vadd.f32 v17, v9;
	v17 =	vmul.f32 $1.442695020e+00, v30  }
0x100: {  	(erf) = vpow2.f32 v22;
	v19 =	vadd.f32 v26, v19;
	v3 =	vmul.f32 v20, v3  }
0x101: {  	v30 =	vmul.f32 $5.000000000e-01, v18;
	v21 =	vpop (erf);
	v13 =	vadd.f32 v14, v9;
	v14 =	vmul.f32 $1.442695020e+00, v28  }
0x102: {  	(erf) = vpow2.f32 v17;
	v16 =	vadd.f32 v20, v19;
	v4 =	vmul.f32 v21, v4;
	v28 =	vld [tilespmem:s16+$0x30C0]  }
0x103: {  	v19 =	vmul.f32 $1.442695020e+00, v24;
	v3 =	vadd.f32 v3, v13;
	v9 =	vpop (erf);
	(erf) = vpow2.f32 v14  }
0x104: {  	v13 =	vadd.f32 v21, v16;
	v16 =	vmul.f32 $1.442695020e+00, v25;
	v6 =	vmul.f32 v9, v6  }
0x105: {  	v17 =	vpop (erf);
	(erf) = vpow2.f32 v19;
	v19 =	vmul.f32 $1.442695020e+00, v23;
	v4 =	vadd.f32 v4, v3;
	v3 =	vld [tilespmem:s16+$0x30F0]  }
0x106: {  	v9 =	vadd.f32 v9, v13;
	v12 =	vmul.f32 v17, v12;
	v14 =	vpop (erf);
	(erf) = vpow2.f32 v16;
	v16 =	vld [tilespmem:s16+$0x30A0]  }
0x107: {  	v13 =	vld [tilespmem:s16+$0x3060];
	v5 =	vmul.f32 v14, v5;
	v39 =	vshra.s32 v28, $0x1;
	v31 =	vmul.f32 $5.000000000e-01, v28  }
0x108: {  	v6 =	vadd.f32 v6, v4;
	v9 =	vadd.f32 v17, v9;
	v39 =	vsub.s32 $0x5F3759DF, v39  }
0x109: {  	v41 =	vsub.s32 $0x5F3759DF, v41;
	v20 =	vpop (erf);
	(erf) = vpow2.f32 v19;
	v55 =	vmul.f32 v39, v31  }
0x10a: {  	v4 =	vld [tilespmem:s16+$0x30E0];
	v12 =	vadd.f32 v12, v6;
	v9 =	vadd.f32 v14, v9;
	v14 =	vmul.f32 v20, v7  }
0x10b: {  	v17 =	vpop (erf);
	v37 =	vshra.s32 v3, $0x1;
	(erf) = vpow2.f32 v15;
	v56 =	vshra.s32 v16, $0x1  }
0x10c: {  	v32 =	vmul.f32 $5.000000000e-01, v16;
	v58 =	vshra.s32 v13, $0x1;
	v36 =	vmul.f32 $5.000000000e-01, v13  }
0x10d: {  	v55 =	vmul.f32 v39, v55;
	v12 =	vadd.f32 v5, v12;
	v15 =	vadd.f32 v20, v9  }
0x10e: {  	v6 =	vld [tilespmem:s16+$0x30D0];
	v5 =	vmul.f32 $5.000000000e-01, v3;
	v37 =	vsub.s32 $0x5F3759DF, v37;
	v43 =	vsub.s32 $0x5F3759DF, v56  }
0x10f: {  	v45 =	vsub.s32 $0x5F3759DF, v58;
	v58 =	vmul.f32 v41, v30;
	v38 =	vshra.s32 v4, $0x1  }
0x110: {  	v19 =	vpop (erf);
	v9 =	vmul.f32 $5.000000000e-01, v4;
	v55 =	vsub.f32 $1.500000000e+00, v55;
	v12 =	vadd.f32 v14, v12  }
0x111: {  	[tilespmem:$0x1FF80] =	vst v3;
	v3 =	vld [tilespmem:s16+$0x3030];
	v14 =	vmul.f32 v17, v8;
	v15 =	vadd.f32 v17, v15;
	v17 =	vmul.f32 v19, v10  }
0x112: {  	v38 =	vsub.s32 $0x5F3759DF, v38;
	v54 =	vmul.f32 v37, v5;
	v58 =	vmul.f32 v41, v58  }
0x113: {  	[tilespmem:$0x1FF90] =	vst v4;
	v4 =	vld [tilespmem:s16+$0x3080];
	v40 =	vshra.s32 v6, $0x1;
	v29 =	vmul.f32 $5.000000000e-01, v6;
	v53 =	vmul.f32 v38, v9  }
0x114: {  	v8 =	vld [tilespmem:s16+$0x3090];
	v20 =	vpop (erf);
	v39 =	vmul.f32 v39, v55;
	v14 =	vadd.f32 v14, v12;
	v15 =	vadd.f32 v19, v15  }
0x115: {  	v19 =	vmul.f32 v20, v11;
	v40 =	vsub.s32 $0x5F3759DF, v40;
	v54 =	vmul.f32 v37, v54  }
0x116: {  	v58 =	vsub.f32 $1.500000000e+00, v58;
	v62 =	vshra.s32 v3, $0x1;
	v56 =	vmul.f32 v40, v29  }
0x117: {  	v7 =	vld [tilespmem:s16+$0x3040];
	v53 =	vmul.f32 v38, v53;
	v17 =	vadd.f32 v17, v14;
	v20 =	vadd.f32 v20, v15  }
0x118: {  	v12 =	vld [tilespmem:s16+$0x3070];
	v57 =	vshra.s32 v4, $0x1;
	v33 =	vmul.f32 $5.000000000e-01, v4;
	v49 =	vsub.s32 $0x5F3759DF, v62  }
0x119: {  	v11 =	vld [tilespmem:s16+$0x3020];
	v54 =	vsub.f32 $1.500000000e+00, v54;
	v41 =	vmul.f32 v41, v58;
	v63 =	vshra.s32 v8, $0x1  }
0x11a: {  	v21 =	vpop (erf);
	v34 =	vmul.f32 $5.000000000e-01, v8;
	v44 =	vsub.s32 $0x5F3759DF, v57;
	v57 =	vmul.f32 v43, v32  }
0x11b: {  	v22 =	vpop (erf);
	v56 =	vmul.f32 v40, v56;
	v53 =	vsub.f32 $1.500000000e+00, v53;
	v17 =	vadd.f32 v19, v17  }
0x11c: {  	v19 =	vmul.f32 v21, v61;
	v20 =	vadd.f32 v21, v20;
	v21 =	vmul.f32 v22, v60  }
0x11d: {  	v14 =	vld [tilespmem:s16+$0x3050];
	v60 =	vshra.s32 v7, $0x1;
	v42 =	vsub.s32 $0x5F3759DF, v63;
	v54 =	vmul.f32 v37, v54  }
0x11e: {  	[tilespmem:$0x1FFD0] =	vst v4;
	v4 =	vld [tilespmem:s16+$0x3010];
	v59 =	vshra.s32 v12, $0x1;
	v35 =	vmul.f32 $5.000000000e-01, v12;
	v24 =	vmul.f32 $5.000000000e-01, v11  }
0x11f: {  	v47 =	vsub.s32 $0x5F3759DF, v60;
	v60 =	vmul.f32 v42, v34;
	v57 =	vmul.f32 v43, v57  }
0x120: {  	v56 =	vsub.f32 $1.500000000e+00, v56;
	v37 =	vmul.f32 v38, v53;
	v19 =	vadd.f32 v19, v17  }
0x121: {  	v20 =	vadd.f32 v22, v20;
	v22 =	vmul.f32 $5.000000000e-01, v3;
	v46 =	vsub.s32 $0x5F3759DF, v59  }
0x122: {  	v59 =	vmul.f32 v44, v33;
	v38 =	vmul.f32 v54, v5;
	v61 =	vshra.s32 v14, $0x1  }
0x123: {  	v50 =	vshra.s32 v4, $0x1;
	v26 =	vmul.f32 $5.000000000e-01, v4;
	v62 =	vmul.f32 v46, v35  }
0x124: {  	v23 =	vpop (erf);
	v60 =	vmul.f32 v42, v60;
	v57 =	vsub.f32 $1.500000000e+00, v57;
	v56 =	vmul.f32 v40, v56  }
0x125: {  	v19 =	vadd.f32 v21, v19;
	v21 =	vmul.f32 v23, v0;
	v0 =	vadd.f32 v23, v20  }
0x126: {  	v23 =	vmul.f32 $5.000000000e-01, v7;
	v48 =	vsub.s32 $0x5F3759DF, v61;
	v61 =	vmul.f32 v45, v36  }
0x127: {  	v50 =	vsub.s32 $0x5F3759DF, v50;
	v20 =	vmul.f32 v49, v22;
	v59 =	vmul.f32 v44, v59  }
0x128: {  	v51 =	vshra.s32 v11, $0x1;
	v17 =	vld [tilespmem:s16+$0x3000];
	[tilespmem:$0x1FFF0] =	vst v4;
	v38 =	vmul.f32 v38, v54;
	v4 =	vmul.f32 v50, v26  }
0x129: {  	v51 =	vsub.s32 $0x5F3759DF, v51;
	v62 =	vmul.f32 v46, v62;
	v43 =	vmul.f32 v43, v57  }
0x12a: {  	v40 =	vmul.f32 v56, v29;
	[tilespmem:$0x1FFA0] =	vst v0;
	v0 =	vadd.f32 v21, v19;
	v21 =	vmul.f32 $5.000000000e-01, v14  }
0x12b: {  	v60 =	vsub.f32 $1.500000000e+00, v60;
	v63 =	vmul.f32 v47, v23;
	v19 =	vmul.f32 v51, v24  }
0x12c: {  	v61 =	vmul.f32 v45, v61;
	v20 =	vmul.f32 v49, v20;
	v59 =	vsub.f32 $1.500000000e+00, v59  }
0x12d: {  	v38 =	vsub.f32 $1.500000000e+00, v38;
	v25 =	vmul.f32 $5.000000000e-01, v17;
	v4 =	vmul.f32 v50, v4  }
0x12e: {  	v52 =	vshra.s32 v17, $0x1;
	v53 =	vmul.f32 v42, v60;
	v42 =	vmul.f32 v37, v9  }
0x12f: {  	v62 =	vsub.f32 $1.500000000e+00, v62;
	v40 =	vmul.f32 v40, v56;
	[tilespmem:$0x1FFB0] =	vst v0;
	v0 =	vmul.f32 v48, v21  }
0x130: {  	v52 =	vsub.s32 $0x5F3759DF, v52;
	v63 =	vmul.f32 v47, v63;
	v19 =	vmul.f32 v51, v19  }
0x131: {  	[tilespmem:$0x1FFE0] =	vst v3;
	v61 =	vsub.f32 $1.500000000e+00, v61;
	v3 =	vmul.f32 v52, v25;
	v55 =	vmul.f32 v46, v62  }
0x132: {  	v20 =	vsub.f32 $1.500000000e+00, v20;
	v46 =	vmul.f32 v44, v59;
	v44 =	vmul.f32 v41, v30  }
0x133: {  	v10 =	vmovc v5;
	v42 =	vmul.f32 v42, v37;
	v5 =	vsub.f32 $1.500000000e+00, v40;
	v40 =	vmul.f32 v38, v54  }
0x134: {  	v4 =	vsub.f32 $1.500000000e+00, v4;
	v0 =	vmul.f32 v48, v0;
	v45 =	vmul.f32 v45, v61  }
0x135: {  	v63 =	vsub.f32 $1.500000000e+00, v63;
	v20 =	vmul.f32 v49, v20;
	v49 =	vmul.f32 v53, v34  }
0x136: {  	v19 =	vsub.f32 $1.500000000e+00, v19;
	v3 =	vmul.f32 v52, v3;
	v4 =	vmul.f32 v50, v4  }
0x137: {  	v50 =	vmul.f32 v43, v32;
	v44 =	vmul.f32 v44, v41  }
0x138: {  	v47 =	vmul.f32 v47, v63;
	v19 =	vmul.f32 v51, v19  }
0x139: {  	v51 =	vmul.f32 v55, v35;
	v58 =	vmul.f32 v45, v36  }
0x13a: {  	v42 =	vsub.f32 $1.500000000e+00, v42;
	v59 =	vmul.f32 v20, v22;
	v49 =	vmul.f32 v49, v53  }
0x13b: {  	v0 =	vsub.f32 $1.500000000e+00, v0;
	v61 =	vmul.f32 v4, v26;
	v50 =	vmul.f32 v50, v43  }
0x13c: {  	v37 =	vmul.f32 v42, v37;
	v42 =	vmul.f32 v5, v56  }
0x13d: {  	v0 =	vmul.f32 v48, v0;
	v48 =	vmul.f32 v39, v31  }
0x13e: {  	v3 =	vsub.f32 $1.500000000e+00, v3;
	v60 =	vmul.f32 v47, v23;
	v62 =	vmul.f32 v19, v24  }
0x13f: {  	v51 =	vmul.f32 v51, v55;
	v58 =	vmul.f32 v58, v45  }
0x140: {  	v44 =	vsub.f32 $1.500000000e+00, v44;
	v59 =	vmul.f32 v59, v20;
	v3 =	vmul.f32 v52, v3  }
0x141: {  	v52 =	vmul.f32 v46, v33;
	v61 =	vmul.f32 v61, v4  }
0x142: {  	v44 =	vmul.f32 v44, v41;
	v57 =	vmul.f32 v0, v21  }
0x143: {  	v50 =	vsub.f32 $1.500000000e+00, v50;
	v48 =	vmul.f32 v48, v39;
	v60 =	vmul.f32 v60, v47  }
0x144: {  	v62 =	vmul.f32 v62, v19;
	v58 =	vsub.f32 $1.500000000e+00, v58;
	v51 =	vsub.f32 $1.500000000e+00, v51  }
0x145: {  	v63 =	vmul.f32 v3, v25;
	v52 =	vmul.f32 v52, v46;
	v48 =	vsub.f32 $1.500000000e+00, v48  }
0x146: {  	v5 =	vsub.f32 $1.500000000e+00, v59;
	v27 =	vmul.f32 v44, v30;
	v57 =	vmul.f32 v57, v0  }
0x147: {  	v54 =	vsub.f32 $1.500000000e+00, v60;
	v63 =	vmul.f32 v63, v3;
	v38 =	vmul.f32 v48, v39  }
0x148: {  	v56 =	vsub.f32 $1.500000000e+00, v62;
	v39 =	vmul.f32 v50, v43;
	v43 =	vmul.f32 v58, v45  }
0x149: {  	v49 =	vsub.f32 $1.500000000e+00, v49;
	v48 =	vmul.f32 v51, v55;
	v45 =	vmul.f32 v54, v47  }
0x14a: {  	v52 =	vsub.f32 $1.500000000e+00, v52;
	v47 =	vmul.f32 v56, v19;
	v51 =	vmul.f32 v5, v20  }
0x14b: {  	v57 =	vsub.f32 $1.500000000e+00, v57;
	v54 =	vmul.f32 v40, v10;
	v55 =	vmul.f32 v42, v29  }
0x14c: {  	p0 =	sne.s32 s15, $0x1FC00;
	v41 =	vmul.f32 v52, v46;
	v46 =	vmul.f32 v49, v53  }
.Ltmp1:
0x14d: {  	v49 =	vsub.f32 $1.500000000e+00, v63;
	v53 =	vmul.f32 v37, v9;
	v50 =	vmul.f32 v57, v0;
	(pc) =	sbr.rel @p0 .LBB2_5-.Ltmp1, $4  }
0x14e: {  	v15 =	vmovc v28;
	v59 =	vld [tilespmem:$0x1FF90];
	v52 =	vsub.f32 $1.500000000e+00, v61;
	v28 =	vmul.f32 v38, v31;
	v29 =	vmul.f32 v39, v32  }
0x14f: {  	v60 =	vld [tilespmem:$0x1FF80];
	v32 =	vmul.f32 v48, v35;
	v49 =	vmul.f32 v49, v3  }
0x150: {  	v56 =	vld [tilespmem:$0x1FFB0];
	v52 =	vmul.f32 v52, v4;
	v30 =	vmul.f32 v41, v33  }
0x151: {  	s15 =	sadd.s32 $0x400, s15;
	v10 =	vmovc v17;
	v61 =	vmovc v7;
	v57 =	vld [tilespmem:$0x1FFA0];
	v63 =	vmov v14;
	v31 =	vmul.f32 v46, v34;
	v33 =	vmul.f32 v43, v36  }
0x152: {  	v0 =	vmul.f32 v45, v23;
	v3 =	vmul.f32 v50, v21  }
0x153: {  	v4 =	vmul.f32 v47, v24;
	v5 =	vmul.f32 v51, v22  }
0x154: {  	v19 =	vmul.f32 v49, v25;
	v20 =	vmul.f32 v52, v26  }
0x155: {  	v17 =	vmul.f32 v53, v37;
	v53 =	vmul.f32 v54, v40  }
0x156: {  	v54 =	vmul.f32 v28, v38;
	v58 =	vmul.f32 v55, v42  }
0x157: {  	v62 =	vmul.f32 v29, v39;
	v9 =	vmul.f32 v27, v44  }
0x158: {  	v14 =	vmul.f32 v30, v41;
	v36 =	vmul.f32 v32, v48  }
0x159: {  	v34 =	vmul.f32 v31, v46;
	v35 =	vmul.f32 v33, v43  }
0x15a: {  	v0 =	vmul.f32 v0, v45;
	v3 =	vmul.f32 v3, v50  }
0x15b: {  	v5 =	vmul.f32 v5, v51;
	v21 =	vsub.f32 $1.500000000e+00, v17;
	v22 =	vsub.f32 $1.500000000e+00, v53  }
0x15c: {  	v4 =	vmul.f32 v4, v47;
	v23 =	vsub.f32 $1.500000000e+00, v54;
	v24 =	vsub.f32 $1.500000000e+00, v58  }
0x15d: {  	v20 =	vmul.f32 v20, v52;
	v25 =	vsub.f32 $1.500000000e+00, v62;
	v26 =	vsub.f32 $1.500000000e+00, v9  }
0x15e: {  	v19 =	vmul.f32 v19, v49;
	v27 =	vsub.f32 $1.500000000e+00, v14;
	v30 =	vsub.f32 $1.500000000e+00, v36  }
0x15f: {  	v28 =	vsub.f32 $1.500000000e+00, v34;
	v29 =	vsub.f32 $1.500000000e+00, v35;
	v22 =	vmul.f32 v22, v40  }
0x160: {  	v3 =	vsub.f32 $1.500000000e+00, v3;
	v24 =	vmul.f32 v24, v42;
	v21 =	vmul.f32 v21, v37  }
0x161: {  	v0 =	vsub.f32 $1.500000000e+00, v0;
	v26 =	vmul.f32 v26, v44;
	v23 =	vmul.f32 v23, v38  }
0x162: {  	v5 =	vsub.f32 $1.500000000e+00, v5;
	v25 =	vmul.f32 v25, v39;
	v30 =	vmul.f32 v30, v48  }
0x163: {  	v4 =	vsub.f32 $1.500000000e+00, v4;
	v27 =	vmul.f32 v27, v41;
	v28 =	vmul.f32 v28, v46  }
0x164: {  	v20 =	vsub.f32 $1.500000000e+00, v20;
	v29 =	vmul.f32 v29, v43;
	v3 =	vmul.f32 v3, v50  }
0x165: {  	v19 =	vsub.f32 $1.500000000e+00, v19;
	v5 =	vmul.f32 v5, v51;
	v0 =	vmul.f32 v0, v45  }
0x166: {  	v20 =	vmul.f32 v20, v52;
	v4 =	vmul.f32 v4, v47  }
0x167: {  	v14 =	vld [tilespmem:$0x1FFF0];
	v19 =	vmul.f32 v19, v49;
	v22 =	vmul.f32 v22, v60  }
0x168: {  	v6 =	vmul.f32 v24, v6;
	v21 =	vmul.f32 v21, v59  }
0x169: {  	v54 =	vld [tilespmem:$0x1FFD0];
	v7 =	vmul.f32 v26, v18;
	v23 =	vmul.f32 v23, v15  }
0x16a: {  	v53 =	vmul.f32 v25, v16;
	v52 =	vmul.f32 v19, v10  }
0x16b: {  	v12 =	vmul.f32 v30, v12;
	v60 =	vld [tilespmem:$0x1FFE0];
	v9 =	vmul.f32 v28, v8  }
0x16c: {  	v59 =	vmul.f32 v29, v13;
	v17 =	vmul.f32 v20, v14;
	v18 =	vmax.f32 v52, $9.999999970e-07  }
0x16d: {  	v55 =	vmul.f32 v3, v63;
	v3 =	vmul.f32 v4, v11;
	v58 =	vsub.f32 v1, v18  }
0x16e: {  	v10 =	vmul.f32 v27, v54;
	v0 =	vmul.f32 v0, v61;
	v62 =	vmax.f32 v17, $9.999999970e-07  }
0x16f: {  	v63 =	vmax.f32 v3, $9.999999970e-07;
	v17 =	vsub.f32 v1, v62;
	v4 =	vmul.f32 v58, v2  }
0x170: {  	v7 =	vmax.f32 v7, $9.999999970e-07;
	v5 =	vmul.f32 v5, v60;
	v27 =	vsub.f32 v1, v63  }
0x171: {  	v32 =	vmax.f32 v23, $9.999999970e-07;
	v17 =	vmul.f32 v17, v2;
	v28 =	vmul.f32 $1.442695020e+00, v4  }
0x172: {  	v0 =	vmax.f32 v0, $9.999999970e-07;
	v5 =	vmax.f32 v5, $9.999999970e-07;
	v13 =	vmul.f32 v27, v2  }
0x173: {  	v29 =	vsub.f32 v1, v5;
	v17 =	vmul.f32 $1.442695020e+00, v17;
	(erf) = vpow2.f32 v28  }
0x174: {  	v6 =	vmax.f32 v6, $9.999999970e-07;
	v31 =	vsub.f32 v1, v0;
	v13 =	vmul.f32 $1.442695020e+00, v13  }
0x175: {  	v14 =	vmax.f32 v55, $9.999999970e-07;
	v30 =	vmul.f32 v29, v2;
	(erf) = vpow2.f32 v17  }
0x176: {  	v12 =	vmax.f32 v12, $9.999999970e-07;
	v33 =	vsub.f32 v1, v14;
	v20 =	vmul.f32 v31, v2  }
0x177: {  	v11 =	vmax.f32 v59, $9.999999970e-07;
	v19 =	vmul.f32 $1.442695020e+00, v30;
	(erf) = vpow2.f32 v13  }
0x178: {  	v8 =	vmax.f32 v53, $9.999999970e-07;
	v35 =	vsub.f32 v1, v11;
	v34 =	vmul.f32 v33, v2  }
0x179: {  	v9 =	vmax.f32 v9, $9.999999970e-07;
	v20 =	vmul.f32 $1.442695020e+00, v20;
	(erf) = vpow2.f32 v19  }
0x17a: {  	v37 =	vsub.f32 v1, v12;
	v45 =	vsub.f32 v1, v8;
	v36 =	vmul.f32 v35, v2  }
0x17b: {  	v10 =	vmax.f32 v10, $9.999999970e-07;
	v13 =	vmul.f32 $1.442695020e+00, v34;
	(erf) = vpow2.f32 v20  }
0x17c: {  	v3 =	vmax.f32 v21, $9.999999970e-07;
	v38 =	vsub.f32 v1, v10;
	v21 =	vmul.f32 v37, v2;
	v39 =	vpop (erf)  }
0x17d: {  	v19 =	vmul.f32 $1.442695020e+00, v36;
	(erf) = vpow2.f32 v13;
	v40 =	vadd.f32 v39, v57  }
0x17e: {  	v47 =	vsub.f32 v1, v32;
	v42 =	vsub.f32 v1, v9;
	v21 =	vmul.f32 $1.442695020e+00, v21;
	v43 =	vpop (erf)  }
0x17f: {  	v20 =	vmul.f32 v38, v2;
	(erf) = vpow2.f32 v19;
	v13 =	vadd.f32 v43, v40  }
0x180: {  	v48 =	vsub.f32 v1, v7;
	v26 =	vmul.f32 v45, v2;
	v24 =	vmul.f32 v42, v2;
	v46 =	vpop (erf)  }
0x181: {  	v20 =	vmul.f32 $1.442695020e+00, v20;
	(erf) = vpow2.f32 v21;
	v13 =	vadd.f32 v46, v13  }
0x182: {  	v44 =	vsub.f32 v1, v3;
	v50 =	vmul.f32 v48, v2;
	v24 =	vmul.f32 $1.442695020e+00, v24;
	v49 =	vpop (erf)  }
0x183: {  	v4 =	vmax.f32 v22, $9.999999970e-07;
	(erf) = vpow2.f32 v20;
	v13 =	vadd.f32 v49, v13  }
0x184: {  	v26 =	vmul.f32 $1.442695020e+00, v26;
	v41 =	vsub.f32 v1, v4;
	v18 =	vmul.f32 v39, v18;
	v51 =	vpop (erf)  }
0x185: {  	v1 =	vsub.f32 v1, v6;
	(erf) = vpow2.f32 v24;
	v13 =	vadd.f32 v51, v13  }
0x186: {  	v21 =	vmul.f32 v47, v2;
	v15 =	vmul.f32 v43, v62;
	v18 =	vadd.f32 v18, v56;
	v52 =	vpop (erf)  }
0x187: {  	v20 =	vmul.f32 $1.442695020e+00, v50;
	(erf) = vpow2.f32 v26;
	v13 =	vadd.f32 v52, v13  }
0x188: {  	v1 =	vmul.f32 v1, v2;
	v16 =	vmul.f32 v46, v63;
	v15 =	vadd.f32 v15, v18;
	v53 =	vpop (erf)  }
0x189: {  	v21 =	vmul.f32 $1.442695020e+00, v21;
	(erf) = vpow2.f32 v20;
	v13 =	vadd.f32 v53, v13  }
0x18a: {  	v1 =	vmul.f32 $1.442695020e+00, v1;
	v5 =	vmul.f32 v49, v5;
	v15 =	vadd.f32 v16, v15;
	v54 =	vpop (erf)  }
0x18b: {  	v19 =	vmul.f32 v44, v2;
	(erf) = vpow2.f32 v21;
	v13 =	vadd.f32 v54, v13  }
0x18c: {  	v2 =	vmul.f32 v41, v2;
	v0 =	vmul.f32 v51, v0;
	v5 =	vadd.f32 v5, v15;
	v55 =	vpop (erf)  }
0x18d: {  	v19 =	vmul.f32 $1.442695020e+00, v19;
	(erf) = vpow2.f32 v1;
	v1 =	vadd.f32 v55, v13  }
0x18e: {  	v2 =	vmul.f32 $1.442695020e+00, v2;
	v56 =	vmul.f32 v52, v14;
	v0 =	vadd.f32 v0, v5;
	v57 =	vpop (erf)  }
0x18f: {  	(erf) = vpow2.f32 v19;
	v1 =	vadd.f32 v57, v1  }
0x190: {  	v11 =	vmul.f32 v53, v11;
	v0 =	vadd.f32 v56, v0;
	v58 =	vpop (erf)  }
0x191: {  	(erf) = vpow2.f32 v2;
	v1 =	vadd.f32 v58, v1  }
0x192: {  	v59 =	vmul.f32 v54, v12;
	v0 =	vadd.f32 v11, v0;
	v2 =	vpop (erf)  }
0x193: {  	v1 =	vadd.f32 v2, v1  }
0x194: {  	v10 =	vmul.f32 v55, v10;
	v0 =	vadd.f32 v59, v0;
	v60 =	vpop (erf)  }
0x195: {  	v1 =	vadd.f32 v60, v1  }
0x196: {  	v9 =	vmul.f32 v57, v9;
	v0 =	vadd.f32 v10, v0;
	v61 =	vpop (erf)  }
0x197: {  	v1 =	vadd.f32 v61, v1  }
0x198: {  	v5 =	vmul.f32 v58, v8;
	v0 =	vadd.f32 v9, v0;
	v62 =	vpop (erf)  }
0x199: {  	v1 =	vadd.f32 v62, v1  }
0x19a: {  	v0 =	vadd.f32 v5, v0;
	v2 =	vmul.f32 v2, v7;
	v63 =	vpop (erf)  }
0x19b: {  	v1 =	vadd.f32 v63, v1  }
0x19c: {  	v0 =	vadd.f32 v2, v0;
	v2 =	vmul.f32 v60, v32  }
0x19d: {  	(erf) = vrcp.f32 v1  }
0x19e: {  	v0 =	vadd.f32 v2, v0;
	v1 =	vmul.f32 v61, v6;
	_ =	sdelay $0x1  }
0x19f: {  	v0 =	vadd.f32 v1, v0;
	v1 =	vmul.f32 v62, v3;
	_ =	sdelay $0x1  }
0x1a0: {  	v0 =	vadd.f32 v1, v0;
	v1 =	vmul.f32 v63, v4;
	_ =	sdelay $0x2  }
0x1a1: {  	v0 =	vadd.f32 v1, v0  }
0x1a2: {  	s14 =	sadd.s32 $0x1, s14;
	v1 =	vpop (erf)  }
0x1a3: {  	p0 =	sne.s32 s14, $0x6;
	v0 =	vmul.f32 v1, v0;
	v1 =	vld [tilespmem:$0x1FFC0]  }
.Ltmp2:
0x1a4: {  	_ = 	snop;
	(pc) =	sbr.rel @p0 .LBB2_2-.Ltmp2, $2  }
0x1a5: {  	_ =	sdelay $0x2  }
0x1a6: {  	v0 =	vadd.f32 v0, v1  }
0x1a7: {  	s13 =	sadd.s32 $0x1, s13  }
0x1a8: {  	p0 =	sne.s32 s13, s7  }
.Ltmp3:
0x1a9: {  	[tilespmem:$0xB000] =	vst v0;
	(pc) =	sbr.rel @p0 .LBB2_1-.Ltmp3, $4  }
0x1aa: {  	[hbm4b:s6+s2] =	stream.linear.scatter [tilespmem:s12], [sflag:$0x1], $0x80, $0x38;
	[tilespmem:$0xB080] =	vst v63  }
0x1ab: {  	_ =	swait.ge [sflag:s10], $0x80  }
0x1ac: {  	[sflag:s10] =	ssyncset.done $0x0  }
0x1ad: {  	[sflag:s10] =	ssyncadd.s32 $0xFFFFFF80  }
0x1ae: {  	_ =	sfence.sel $0x180000  }
0x1af: {  	[bflag:$0x0] =	sbarrier.arrive $0xFFFF  }
0x1b0: {  	p0 =	sne.s32 s1, $0x0;
	_ =	strace $0x90000047  }
0x1b1: {  	s0 =	sadd.s32 @!p0 $0x100000, s0;
	[bflag:$0x2] =	sbarrier.arrive $0xFFFF  }
0x1b2: {  	[sflag:s0] =	ssyncadd.tile.s32 @!p0 $0x1;
	_ =	shalt  }
.Lfunc_end2:
_tile_overlayer_lowered:
.L_overlay_start_2:
0x1b3: {  	(tag) =	ssettag $0x2  }
0x1b4: {  	s0 =	rddreg [dreg:$0x0];
	s2 =	stileid.u32  }
0x1b5: {  	s1 =	rddreg [dreg:$0x1];
	p0 =	sne.s32 s2, $0x0  }
0x1b6: {  	s3 =	rddreg [dreg:$0x2];
	[bflag:$0x3] =	sbarrier.arrive $0xFFFF;
	s2 =	simm.s32 @!p0 $0x1C01  }
0x1b7: {  	[timem:s3], [sflag:s2] =	dma.local @!p0 [hbm:s0], s1  }
0x1b8: {  	s0 =	simm.s32 @!p0 $0x1  }
0x1b9: {  	_ =	swait.ge @!p0 [sflag:s0], s1  }
0x1ba: {  	s1 =	ssub.s32 @!p0 $0x0, s1;
	[sflag:s0] =	ssyncset.done @!p0 $0x0  }
0x1bb: {  	[sflag:s0] =	ssyncadd.s32 @!p0 s1  }
0x1bc: {  	[bflag:$0x3] =	sbarrier.arrive $0xFFFF  }
0x1bd: {  	_ =	shalt  }

</sc_bundles>
